<compile_context>
chip_gen: v7x
topology: tpu7x:2x2x1
jax: 0.10.2.dev20260603
libtpu: 0.0.44.dev20260713+nightly
codegen_flags: <defaults>
</compile_context>

<pallas_src>
import functools

import jax
import jax.numpy as jnp
from jax import lax
from jax.experimental import pallas as pl
from jax.experimental.pallas import tpu as pltpu
from jax.experimental.pallas import tpu_sc as plsc

N = 10000
E = 160000
NR = 10240
F = 8
NSC = 2
NTPC = 16
NTILES = NSC * NTPC
CHUNK = 128
EPT0 = E // NTPC
NCHT = E // CHUNK
NCHB = NCHT // NTILES
NXTRA = NCHT - NCHB * NTILES
HALF = NR // NSC
RPT = HALF // NTPC
ZPT = NR // NTPC
NRR = NR * F // 128
RING = 16
LOOK = 8
SQ = 8

_f32 = jnp.float32
_i32 = jnp.int32


def _rsqrt_newton(d):
    i = plsc.bitcast(d, _i32)
    y = plsc.bitcast(0x5F3759DF - (i >> 1), _f32)
    y = y * (1.5 - 0.5 * d * y * y)
    y = y * (1.5 - 0.5 * d * y * y)
    y = y * (1.5 - 0.5 * d * y * y)
    return y


def _s0_body(e_hbm, pt_hbm, eta_hbm, phi_hbm, m_hbm, dst_hbm, u1_hbm, dis_hbm,
             dstv, histv, hpart, colb, ubf, disbf, disloc, hists):
    c = lax.axis_index("c")
    s = lax.axis_index("s")

    @pl.loop(0, NR // 16)
    def _zero(j):
        histv[pl.ds(j * 16, 16)] = jnp.zeros((16,), _i32)

    pltpu.sync_copy(dst_hbm.at[pl.ds(s * EPT0, EPT0)], dstv)

    @pl.loop(0, EPT0 // 16, unroll=4)
    def _count(j):
        dv = dstv[pl.ds(j * 16, 16)]
        cnt, last = plsc.scan_count(dv)
        plsc.addupdate_scatter(histv, [dv], cnt, mask=last)

    pltpu.sync_copy(histv, hists.at[s])

    @pl.loop(0, 5 * RPT // 16)
    def _zc(j):
        colb[pl.ds(j * 16, 16)] = jnp.zeros((16,), _f32)

    base = c * HALF + s * RPT
    feats = (e_hbm, pt_hbm, eta_hbm, phi_hbm, m_hbm)

    @pl.when(base + RPT <= N)
    def _():
        for f, fh in enumerate(feats):
            pltpu.sync_copy(fh.at[pl.ds(base, RPT)], colb.at[pl.ds(f * RPT, RPT)])

    @pl.when(base + RPT > N)
    def _():
        for f, fh in enumerate(feats):
            pltpu.sync_copy(fh.at[pl.ds(base, N - HALF - 15 * RPT)],
                            colb.at[pl.ds(f * RPT, N - HALF - 15 * RPT)])

    plsc.subcore_barrier()

    for t in range(NTPC):
        pltpu.sync_copy(hists.at[t, pl.ds(base, RPT)], hpart.at[t])

    @pl.loop(0, RPT // 16)
    def _deg(j):
        tot = hpart[0, pl.ds(j * 16, 16)]
        for t in range(1, NTPC):
            tot = tot + hpart[t, pl.ds(j * 16, 16)]
        d = tot.astype(_f32) + 1.0
        disloc[pl.ds(j * 16, 16)] = _rsqrt_newton(d)

    iota = lax.iota(_i32, 16)

    @pl.loop(0, RPT * F // 16, unroll=2)
    def _scale(j):
        g = 16 * j + iota
        r = g >> 3
        f = g & 7
        xv = plsc.load_gather(colb, [jnp.minimum(f * RPT + r, 5 * RPT - 1)])
        xv = jnp.where(f < 5, xv, 0.0)
        dv = plsc.load_gather(disloc, [r])
        disbf[pl.ds(16 * j, 16)] = dv
        ubf[pl.ds(16 * j, 16)] = dv * xv

    pltpu.sync_copy(disbf, dis_hbm.at[pl.ds(base * F, RPT * F)])
    pltpu.sync_copy(ubf, u1_hbm.at[pl.ds(base * F, RPT * F)])


def _agg_body(u_hbm, src_hbm, dst_hbm, zeros_hbm, out_hbm,
              srcv, dstv, bufs, semg, sems, shared):
    c = lax.axis_index("c")
    s = lax.axis_index("s")
    wid = c * NTPC + s
    zrow = s * ZPT
    pltpu.sync_copy(zeros_hbm.at[pl.ds(zrow, ZPT)], shared.at[pl.ds(zrow, ZPT)])

    base = wid * NCHB + jnp.minimum(wid, NXTRA)
    nch = NCHB + (wid < NXTRA).astype(_i32)

    @pl.when(wid < NXTRA)
    def _():
        pltpu.sync_copy(src_hbm.at[pl.ds(base, NCHB + 1)], srcv)
        pltpu.sync_copy(dst_hbm.at[pl.ds(base, NCHB + 1)], dstv)

    @pl.when(wid >= NXTRA)
    def _():
        pltpu.sync_copy(src_hbm.at[pl.ds(base, NCHB)], srcv.at[pl.ds(0, NCHB)])
        pltpu.sync_copy(dst_hbm.at[pl.ds(base, NCHB)], dstv.at[pl.ds(0, NCHB)])

    plsc.subcore_barrier()

    @pl.loop(0, LOOK)
    def _prime(j):
        pltpu.async_copy(u_hbm.at[srcv.at[j]], bufs.at[j], semg)

    @pl.loop(0, nch)
    def _main(j):
        @pl.when(j + LOOK < nch)
        def _():
            jn = j + LOOK
            b = lax.rem(jn, RING)

            @pl.when(jn >= RING)
            def _():
                pltpu.make_async_copy(bufs.at[b], shared.at[dstv.at[jn - RING]],
                                      sems).wait()

            pltpu.async_copy(u_hbm.at[srcv.at[jn]], bufs.at[b], semg)

        bj = lax.rem(j, RING)
        pltpu.make_async_copy(u_hbm.at[srcv.at[j]], bufs.at[bj], semg).wait()
        pltpu.async_copy(bufs.at[bj], shared.at[dstv.at[j]], sems, add=True)

    @pl.loop(nch - RING, nch)
    def _drain(j):
        pltpu.make_async_copy(bufs.at[lax.rem(j, RING)], shared.at[dstv.at[j]],
                              sems).wait()

    plsc.subcore_barrier()
    pltpu.sync_copy(shared.at[pl.ds(zrow, ZPT)], out_hbm.at[c, pl.ds(zrow, ZPT)])


@functools.cache
def _get_sc_kernels():
    mesh = plsc.VectorSubcoreMesh(core_axis_name="c", subcore_axis_name="s",
                                  num_cores=NSC, num_subcores=NTPC)
    params = pltpu.CompilerParams(use_tc_tiling_on_sc=False,
                                  needs_layout_passes=False)
    s0 = pl.kernel(
        _s0_body,
        out_type=(jax.ShapeDtypeStruct((NR * F,), _f32),
                  jax.ShapeDtypeStruct((NR * F,), _f32)),
        mesh=mesh,
        scratch_types=[
            pltpu.VMEM((EPT0,), _i32),
            pltpu.VMEM((NR,), _i32),
            pltpu.VMEM((NTPC, RPT), _i32),
            pltpu.VMEM((5 * RPT,), _f32),
            pltpu.VMEM((RPT * F,), _f32),
            pltpu.VMEM((RPT * F,), _f32),
            pltpu.VMEM((RPT,), _f32),
            pltpu.VMEM_SHARED((NTPC, NR), _i32),
        ],
        compiler_params=params,
    )
    agg = pl.kernel(
        _agg_body,
        out_type=jax.ShapeDtypeStruct((NSC, NR, F), _f32),
        mesh=mesh,
        scratch_types=[
            pltpu.VMEM((NCHB + 1, CHUNK), _i32),
            pltpu.VMEM((NCHB + 1, CHUNK), _i32),
            pltpu.VMEM((RING, CHUNK, F), _f32),
            pltpu.SemaphoreType.DMA,
            pltpu.SemaphoreType.DMA,
            pltpu.VMEM_SHARED((NR, F), _f32),
        ],
        compiler_params=params,
    )
    return s0, agg


BT2 = 2560




def _t2_body(da_ref, db_ref, u1_ref, dis_ref, w1_ref, b1_ref, w2_ref, u2_ref):
    y = dis_ref[...] * (da_ref[0] + db_ref[0] + u1_ref[...])
    h = jnp.dot(y, w1_ref[...], preferred_element_type=_f32) + b1_ref[...]
    h = jnp.maximum(h, 0.0)
    z = jnp.dot(h, w2_ref[...], preferred_element_type=_f32)
    u2_ref[...] = dis_ref[...] * z


_t2 = pl.pallas_call(
    _t2_body,
    grid=(NR // BT2,),
    in_specs=[
        pl.BlockSpec((1, BT2, F), lambda i: (0, i, 0)),
        pl.BlockSpec((1, BT2, F), lambda i: (1, i, 0)),
        pl.BlockSpec((BT2, F), lambda i: (i, 0)),
        pl.BlockSpec((BT2, F), lambda i: (i, 0)),
        pl.BlockSpec((F, 1024), lambda i: (0, 0)),
        pl.BlockSpec((1, 1024), lambda i: (0, 0)),
        pl.BlockSpec((1024, F), lambda i: (0, 0)),
    ],
    out_specs=pl.BlockSpec((BT2, F), lambda i: (i, 0)),
    out_shape=jax.ShapeDtypeStruct((NR, F), _f32),
)


def _t3_body(da_ref, db_ref, u2_ref, dis_ref, b2_ref, out_ref):
    out_ref[...] = dis_ref[...] * (da_ref[...] + db_ref[...] + u2_ref[...]) + b2_ref[...]


_t3 = pl.pallas_call(
    _t3_body,
    grid=(1,),
    in_specs=[
        pl.BlockSpec((NRR, 128), lambda i: (0, 0)),
        pl.BlockSpec((NRR, 128), lambda i: (1, 0)),
        pl.BlockSpec((NRR, 128), lambda i: (0, 0)),
        pl.BlockSpec((NRR, 128), lambda i: (0, 0)),
        pl.BlockSpec((1, 128), lambda i: (0, 0)),
    ],
    out_specs=pl.BlockSpec((NRR, 128), lambda i: (0, 0)),
    out_shape=jax.ShapeDtypeStruct((NRR, 128), _f32),
)


def kernel(e, pt, eta, phi, m, edge_index, W1, b1, W2, b2):
    ei = edge_index.astype(_i32)
    src2d = ei[0].reshape(NCHT, CHUNK)
    dst2d = ei[1].reshape(NCHT, CHUNK)
    zeros = jnp.zeros((NR, F), _f32)
    W1p = jnp.zeros((F, 1024), _f32).at[:5].set(W1.astype(_f32))
    W2p = jnp.zeros((1024, F), _f32).at[:, :3].set(W2.astype(_f32))
    b2t = jnp.tile(jnp.zeros((F,), _f32).at[:3].set(b2.astype(_f32)), 128 // F)[None]

    s0, agg = _get_sc_kernels()
    u1f, disf = s0(e.astype(_f32).reshape(-1), pt.astype(_f32).reshape(-1),
                   eta.astype(_f32).reshape(-1), phi.astype(_f32).reshape(-1),
                   m.astype(_f32).reshape(-1), ei[1])
    u1 = u1f.reshape(NR, F)
    dis = disf.reshape(NR, F)
    d1 = agg(u1, src2d, dst2d, zeros)
    u2 = _t2(d1, d1, u1, dis, W1p, b1.astype(_f32)[None], W2p)
    d2 = agg(u2, src2d, dst2d, zeros)
    d2v = d2.reshape(2 * NRR, 128)
    outv = _t3(d2v, d2v, u2.reshape(NRR, 128), disf.reshape(NRR, 128), b2t)
    return outv.reshape(NR, F)[:N, :3]

# --- scband reference (transcript-rebuilt; emitter-appended) ---
"""Pipeline reference for scband-jet-tagging-gnn-23639499997305 (READ-ONLY COPY).

The authoritative reference and input builder live on the scoring server;
editing this copy changes nothing except your own understanding.
"""

import jax, jax.numpy as jnp
import numpy as np

N_NODES = 10000
N_EDGES = 160000


def gcn_conv(x, edge_index, W, b, num_nodes):
    # PyG GCNConv: add self-loops, symmetric normalization D^-1/2 (A+I) D^-1/2 X W + b
    src = edge_index[0]
    dst = edge_index[1]
    loop = jnp.arange(num_nodes, dtype=edge_index.dtype)
    src = jnp.concatenate([src, loop])
    dst = jnp.concatenate([dst, loop])
    x = x @ W
    ones = jnp.ones(dst.shape[0], dtype=x.dtype)
    deg = jax.ops.segment_sum(ones, dst, num_segments=num_nodes)
    deg_inv_sqrt = jnp.where(deg > 0, 1.0 / jnp.sqrt(deg), 0.0)
    norm = deg_inv_sqrt[src] * deg_inv_sqrt[dst]
    msgs = x[src] * norm[:, None]
    out = jax.ops.segment_sum(msgs, dst, num_segments=num_nodes)
    return out + b


def setup_inputs(seed: int = 0) -> dict:
    key = jax.random.key(seed)
    ks = jax.random.split(key, 10)
    e = jax.random.normal(ks[0], (N_NODES, 1), dtype=jnp.float32)
    pt = jax.random.normal(ks[1], (N_NODES, 1), dtype=jnp.float32)
    eta = jax.random.normal(ks[2], (N_NODES, 1), dtype=jnp.float32)
    phi = jax.random.normal(ks[3], (N_NODES, 1), dtype=jnp.float32)
    m = jax.random.normal(ks[4], (N_NODES, 1), dtype=jnp.float32)
    edge_index = jax.random.randint(ks[5], (2, N_EDGES), 0, N_NODES, dtype=jnp.int64)
    W1 = jax.random.normal(ks[6], (5, 1024), dtype=jnp.float32) * (1.0 / np.sqrt(5.0))
    b1 = jnp.zeros((1024,), dtype=jnp.float32)
    W2 = jax.random.normal(ks[7], (1024, 3), dtype=jnp.float32) * (1.0 / np.sqrt(1024.0))
    b2 = jnp.zeros((3,), dtype=jnp.float32)
    return {"e": e, "pt": pt, "eta": eta, "phi": phi, "m": m,
            "edge_index": edge_index, "W1": W1, "b1": b1, "W2": W2, "b2": b2}


def reference(e, pt, eta, phi, m, edge_index, W1, b1, W2, b2):
    v = jnp.concatenate([e, pt, eta, phi, m], axis=1)
    v = gcn_conv(v, edge_index, W1, b1, N_NODES)
    v = jax.nn.relu(v)
    v = gcn_conv(v, edge_index, W2, b2, N_NODES)
    return v

if __name__ == "__main__":
    import jax
    _d = setup_inputs()
    print(jax.jit(kernel)(*tuple(_d.values())))

</pallas_src>

<mosaic_0001>
#map = affine_map<(d0, d1) -> (0, 0)>
#map1 = affine_map<(d0, d1) -> (0, 0, 0)>
module attributes {stable_mosaic.version = 14 : i64} {
  func.func @_agg_body(%arg0: i32, %arg1: i32, %arg2: memref<10240x8xf32, #tpu.memory_space<hbm>>, %arg3: memref<1250x128xi32, #tpu.memory_space<hbm>>, %arg4: memref<1250x128xi32, #tpu.memory_space<hbm>>, %arg5: memref<10240x8xf32, #tpu.memory_space<hbm>>, %arg6: memref<2x10240x8xf32, #tpu.memory_space<hbm>>, %arg7: memref<40x128xi32, #tpu.memory_space<vmem>>, %arg8: memref<40x128xi32, #tpu.memory_space<vmem>>, %arg9: memref<16x128x8xf32, #tpu.memory_space<vmem>>, %arg10: memref<!tpu.dma_semaphore, #tpu.memory_space<semaphore_mem>>, %arg11: memref<!tpu.dma_semaphore, #tpu.memory_space<semaphore_mem>>, %arg12: memref<10240x8xf32, #tpu.memory_space<vmem_shared>>) attributes {dimension_semantics = [#tpu.dimension_semantics<core_parallel>, #tpu.dimension_semantics<subcore_parallel>], iteration_bounds = array<i64: 2, 16>, scalar_prefetch = 0 : i64, scratch_operands = 6 : i64, tpu.core_type = #tpu.core_type<sc_vector_subcore>, window_params = [{transform_indices = #map}, {transform_indices = #map}, {transform_indices = #map}, {transform_indices = #map}, {transform_indices = #map1}]} {
    %mul3A = arith.constant 16 : i32
    %mul3A_0 = arith.muli %arg0, %mul3A : i32
    %add3A = arith.addi %mul3A_0, %arg1 : i32
    %mul3A_1 = arith.constant 640 : i32
    %mul3A_2 = arith.muli %arg1, %mul3A_1 : i32
    "tpu.region"() ({
      %run_scoped3A = tpu.sem_alloc : memref<!tpu.dma_semaphore, #tpu.memory_space<semaphore_mem>>
      %dma_start3A = arith.constant 0 : i32
      %dma_start3A_58 = tpu.memref_slice %arg12[%mul3A_2, %dma_start3A] : memref<10240x8xf32, #tpu.memory_space<vmem_shared>> -> memref<640x8xf32, #tpu.memory_space<vmem_shared>>
      %dma_start3A_59 = arith.constant 0 : i32
      %dma_start3A_60 = tpu.memref_slice %arg5[%mul3A_2, %dma_start3A_59] : memref<10240x8xf32, #tpu.memory_space<hbm>> -> memref<640x8xf32, #tpu.memory_space<hbm>>
      tpu.enqueue_dma source(%dma_start3A_60 : memref<640x8xf32, #tpu.memory_space<hbm>>) target(%dma_start3A_58 : memref<640x8xf32, #tpu.memory_space<vmem_shared>>) target_semaphore(%run_scoped3A : memref<!tpu.dma_semaphore, #tpu.memory_space<semaphore_mem>>)
      %dma_wait3A = arith.constant 0 : i32
      %dma_wait3A_61 = tpu.memref_slice %arg12[%mul3A_2, %dma_wait3A] : memref<10240x8xf32, #tpu.memory_space<vmem_shared>> -> memref<640x8xf32, #tpu.memory_space<vmem_shared>>
      %dma_wait3A_62 = arith.constant 0 : i32
      %dma_wait3A_63 = tpu.memref_slice %arg5[%mul3A_2, %dma_wait3A_62] : memref<10240x8xf32, #tpu.memory_space<hbm>> -> memref<640x8xf32, #tpu.memory_space<hbm>>
      tpu.wait_dma2 semaphore(%run_scoped3A : memref<!tpu.dma_semaphore, #tpu.memory_space<semaphore_mem>>) src(%dma_wait3A_63 : memref<640x8xf32, #tpu.memory_space<hbm>>) dst(%dma_wait3A_61 : memref<640x8xf32, #tpu.memory_space<vmem_shared>>)
      tpu.yield
    }) : () -> ()
    %mul3A_3 = arith.constant 39 : i32
    %mul3A_4 = arith.muli %add3A, %mul3A_3 : i32
    %min3A = arith.constant 2 : i32
    %min3A_5 = arith.minsi %add3A, %min3A : i32
    %add3A_6 = arith.addi %mul3A_4, %min3A_5 : i32
    %lt3A = arith.constant 2 : i32
    %lt3A_7 = arith.cmpi slt, %add3A, %lt3A : i32
    %convert_element_type3A = arith.extui %lt3A_7 : i1 to i32
    %add3A_8 = arith.constant 39 : i32
    %add3A_9 = arith.addi %add3A_8, %convert_element_type3A : i32
    %lt3A_10 = arith.constant 2 : i32
    %lt3A_11 = arith.cmpi slt, %add3A, %lt3A_10 : i32
    %convert_element_type3A_12 = arith.extui %lt3A_11 : i1 to i32
    %cond3A = arith.constant 0 : i32
    %cond3A_13 = arith.cmpi ne, %convert_element_type3A_12, %cond3A : i32
    scf.if %cond3A_13 {
      "tpu.region"() ({
        %run_scoped3A = tpu.sem_alloc : memref<!tpu.dma_semaphore, #tpu.memory_space<semaphore_mem>>
        %dma_start3A = arith.constant 0 : i32
        %dma_start3A_58 = tpu.memref_slice %arg3[%add3A_6, %dma_start3A] : memref<1250x128xi32, #tpu.memory_space<hbm>> -> memref<40x128xi32, #tpu.memory_space<hbm>>
        %dma_start3A_59 = arith.constant 0 : i32
        %dma_start3A_60 = tpu.memref_slice %arg3[%add3A_6, %dma_start3A_59] : memref<1250x128xi32, #tpu.memory_space<hbm>> -> memref<40x128xi32, #tpu.memory_space<hbm>>
        tpu.enqueue_dma source(%dma_start3A_60 : memref<40x128xi32, #tpu.memory_space<hbm>>) target(%arg7 : memref<40x128xi32, #tpu.memory_space<vmem>>) target_semaphore(%run_scoped3A : memref<!tpu.dma_semaphore, #tpu.memory_space<semaphore_mem>>)
        %dma_wait3A = arith.constant 0 : i32
        %dma_wait3A_61 = tpu.memref_slice %arg3[%add3A_6, %dma_wait3A] : memref<1250x128xi32, #tpu.memory_space<hbm>> -> memref<40x128xi32, #tpu.memory_space<hbm>>
        %dma_wait3A_62 = arith.constant 0 : i32
        %dma_wait3A_63 = tpu.memref_slice %arg3[%add3A_6, %dma_wait3A_62] : memref<1250x128xi32, #tpu.memory_space<hbm>> -> memref<40x128xi32, #tpu.memory_space<hbm>>
        tpu.wait_dma2 semaphore(%run_scoped3A : memref<!tpu.dma_semaphore, #tpu.memory_space<semaphore_mem>>) src(%dma_wait3A_63 : memref<40x128xi32, #tpu.memory_space<hbm>>) dst(%arg7 : memref<40x128xi32, #tpu.memory_space<vmem>>)
        tpu.yield
      }) : () -> ()
      "tpu.region"() ({
        %run_scoped3A = tpu.sem_alloc : memref<!tpu.dma_semaphore, #tpu.memory_space<semaphore_mem>>
        %dma_start3A = arith.constant 0 : i32
        %dma_start3A_58 = tpu.memref_slice %arg4[%add3A_6, %dma_start3A] : memref<1250x128xi32, #tpu.memory_space<hbm>> -> memref<40x128xi32, #tpu.memory_space<hbm>>
        %dma_start3A_59 = arith.constant 0 : i32
        %dma_start3A_60 = tpu.memref_slice %arg4[%add3A_6, %dma_start3A_59] : memref<1250x128xi32, #tpu.memory_space<hbm>> -> memref<40x128xi32, #tpu.memory_space<hbm>>
        tpu.enqueue_dma source(%dma_start3A_60 : memref<40x128xi32, #tpu.memory_space<hbm>>) target(%arg8 : memref<40x128xi32, #tpu.memory_space<vmem>>) target_semaphore(%run_scoped3A : memref<!tpu.dma_semaphore, #tpu.memory_space<semaphore_mem>>)
        %dma_wait3A = arith.constant 0 : i32
        %dma_wait3A_61 = tpu.memref_slice %arg4[%add3A_6, %dma_wait3A] : memref<1250x128xi32, #tpu.memory_space<hbm>> -> memref<40x128xi32, #tpu.memory_space<hbm>>
        %dma_wait3A_62 = arith.constant 0 : i32
        %dma_wait3A_63 = tpu.memref_slice %arg4[%add3A_6, %dma_wait3A_62] : memref<1250x128xi32, #tpu.memory_space<hbm>> -> memref<40x128xi32, #tpu.memory_space<hbm>>
        tpu.wait_dma2 semaphore(%run_scoped3A : memref<!tpu.dma_semaphore, #tpu.memory_space<semaphore_mem>>) src(%dma_wait3A_63 : memref<40x128xi32, #tpu.memory_space<hbm>>) dst(%arg8 : memref<40x128xi32, #tpu.memory_space<vmem>>)
        tpu.yield
      }) : () -> ()
    } else {
    }
    %ge3A = arith.constant 2 : i32
    %ge3A_14 = arith.cmpi sge, %add3A, %ge3A : i32
    %convert_element_type3A_15 = arith.extui %ge3A_14 : i1 to i32
    %cond3A_16 = arith.constant 0 : i32
    %cond3A_17 = arith.cmpi ne, %convert_element_type3A_15, %cond3A_16 : i32
    scf.if %cond3A_17 {
      "tpu.region"() ({
        %run_scoped3A = tpu.sem_alloc : memref<!tpu.dma_semaphore, #tpu.memory_space<semaphore_mem>>
        %dma_start3A = arith.constant 0 : i32
        %dma_start3A_58 = arith.constant 0 : i32
        %dma_start3A_59 = tpu.memref_slice %arg7[%dma_start3A, %dma_start3A_58] : memref<40x128xi32, #tpu.memory_space<vmem>> -> memref<39x128xi32, #tpu.memory_space<vmem>>
        %dma_start3A_60 = arith.constant 0 : i32
        %dma_start3A_61 = tpu.memref_slice %arg3[%add3A_6, %dma_start3A_60] : memref<1250x128xi32, #tpu.memory_space<hbm>> -> memref<39x128xi32, #tpu.memory_space<hbm>>
        %dma_start3A_62 = arith.constant 0 : i32
        %dma_start3A_63 = arith.constant 0 : i32
        %dma_start3A_64 = tpu.memref_slice %arg7[%dma_start3A_62, %dma_start3A_63] : memref<40x128xi32, #tpu.memory_space<vmem>> -> memref<39x128xi32, #tpu.memory_space<vmem>>
        %dma_start3A_65 = arith.constant 0 : i32
        %dma_start3A_66 = tpu.memref_slice %arg3[%add3A_6, %dma_start3A_65] : memref<1250x128xi32, #tpu.memory_space<hbm>> -> memref<39x128xi32, #tpu.memory_space<hbm>>
        tpu.enqueue_dma source(%dma_start3A_66 : memref<39x128xi32, #tpu.memory_space<hbm>>) target(%dma_start3A_64 : memref<39x128xi32, #tpu.memory_space<vmem>>) target_semaphore(%run_scoped3A : memref<!tpu.dma_semaphore, #tpu.memory_space<semaphore_mem>>)
        %dma_wait3A = arith.constant 0 : i32
        %dma_wait3A_67 = arith.constant 0 : i32
        %dma_wait3A_68 = tpu.memref_slice %arg7[%dma_wait3A, %dma_wait3A_67] : memref<40x128xi32, #tpu.memory_space<vmem>> -> memref<39x128xi32, #tpu.memory_space<vmem>>
        %dma_wait3A_69 = arith.constant 0 : i32
        %dma_wait3A_70 = tpu.memref_slice %arg3[%add3A_6, %dma_wait3A_69] : memref<1250x128xi32, #tpu.memory_space<hbm>> -> memref<39x128xi32, #tpu.memory_space<hbm>>
        %dma_wait3A_71 = arith.constant 0 : i32
        %dma_wait3A_72 = arith.constant 0 : i32
        %dma_wait3A_73 = tpu.memref_slice %arg7[%dma_wait3A_71, %dma_wait3A_72] : memref<40x128xi32, #tpu.memory_space<vmem>> -> memref<39x128xi32, #tpu.memory_space<vmem>>
        %dma_wait3A_74 = arith.constant 0 : i32
        %dma_wait3A_75 = tpu.memref_slice %arg3[%add3A_6, %dma_wait3A_74] : memref<1250x128xi32, #tpu.memory_space<hbm>> -> memref<39x128xi32, #tpu.memory_space<hbm>>
        tpu.wait_dma2 semaphore(%run_scoped3A : memref<!tpu.dma_semaphore, #tpu.memory_space<semaphore_mem>>) src(%dma_wait3A_75 : memref<39x128xi32, #tpu.memory_space<hbm>>) dst(%dma_wait3A_73 : memref<39x128xi32, #tpu.memory_space<vmem>>)
        tpu.yield
      }) : () -> ()
      "tpu.region"() ({
        %run_scoped3A = tpu.sem_alloc : memref<!tpu.dma_semaphore, #tpu.memory_space<semaphore_mem>>
        %dma_start3A = arith.constant 0 : i32
        %dma_start3A_58 = arith.constant 0 : i32
        %dma_start3A_59 = tpu.memref_slice %arg8[%dma_start3A, %dma_start3A_58] : memref<40x128xi32, #tpu.memory_space<vmem>> -> memref<39x128xi32, #tpu.memory_space<vmem>>
        %dma_start3A_60 = arith.constant 0 : i32
        %dma_start3A_61 = tpu.memref_slice %arg4[%add3A_6, %dma_start3A_60] : memref<1250x128xi32, #tpu.memory_space<hbm>> -> memref<39x128xi32, #tpu.memory_space<hbm>>
        %dma_start3A_62 = arith.constant 0 : i32
        %dma_start3A_63 = arith.constant 0 : i32
        %dma_start3A_64 = tpu.memref_slice %arg8[%dma_start3A_62, %dma_start3A_63] : memref<40x128xi32, #tpu.memory_space<vmem>> -> memref<39x128xi32, #tpu.memory_space<vmem>>
        %dma_start3A_65 = arith.constant 0 : i32
        %dma_start3A_66 = tpu.memref_slice %arg4[%add3A_6, %dma_start3A_65] : memref<1250x128xi32, #tpu.memory_space<hbm>> -> memref<39x128xi32, #tpu.memory_space<hbm>>
        tpu.enqueue_dma source(%dma_start3A_66 : memref<39x128xi32, #tpu.memory_space<hbm>>) target(%dma_start3A_64 : memref<39x128xi32, #tpu.memory_space<vmem>>) target_semaphore(%run_scoped3A : memref<!tpu.dma_semaphore, #tpu.memory_space<semaphore_mem>>)
        %dma_wait3A = arith.constant 0 : i32
        %dma_wait3A_67 = arith.constant 0 : i32
        %dma_wait3A_68 = tpu.memref_slice %arg8[%dma_wait3A, %dma_wait3A_67] : memref<40x128xi32, #tpu.memory_space<vmem>> -> memref<39x128xi32, #tpu.memory_space<vmem>>
        %dma_wait3A_69 = arith.constant 0 : i32
        %dma_wait3A_70 = tpu.memref_slice %arg4[%add3A_6, %dma_wait3A_69] : memref<1250x128xi32, #tpu.memory_space<hbm>> -> memref<39x128xi32, #tpu.memory_space<hbm>>
        %dma_wait3A_71 = arith.constant 0 : i32
        %dma_wait3A_72 = arith.constant 0 : i32
        %dma_wait3A_73 = tpu.memref_slice %arg8[%dma_wait3A_71, %dma_wait3A_72] : memref<40x128xi32, #tpu.memory_space<vmem>> -> memref<39x128xi32, #tpu.memory_space<vmem>>
        %dma_wait3A_74 = arith.constant 0 : i32
        %dma_wait3A_75 = tpu.memref_slice %arg4[%add3A_6, %dma_wait3A_74] : memref<1250x128xi32, #tpu.memory_space<hbm>> -> memref<39x128xi32, #tpu.memory_space<hbm>>
        tpu.wait_dma2 semaphore(%run_scoped3A : memref<!tpu.dma_semaphore, #tpu.memory_space<semaphore_mem>>) src(%dma_wait3A_75 : memref<39x128xi32, #tpu.memory_space<hbm>>) dst(%dma_wait3A_73 : memref<39x128xi32, #tpu.memory_space<vmem>>)
        tpu.yield
      }) : () -> ()
    } else {
    }
    %barrier3A = arith.constant 0 : index
    tpu.barrier barrier_id(%barrier3A)
    %scan3A = arith.constant 0 : i32
    %scan3A_18 = arith.constant 8 : i32
    %scan3A_19 = arith.addi %scan3A, %scan3A_18 : i32
    %scan3A_20 = arith.constant 1 : i32
    scf.for %scan3A_58 = %scan3A to %scan3A_19 step %scan3A_20  : i32 {
      %mul3A_59 = arith.constant 1 : i32
      %mul3A_60 = arith.muli %scan3A_58, %mul3A_59 : i32
      %add3A_61 = arith.constant 0 : i32
      %add3A_62 = arith.addi %add3A_61, %mul3A_60 : i32
      %dma_start3A = arith.constant 0 : i32
      %dma_start3A_63 = arith.constant 0 : i32
      %dma_start3A_64 = tpu.memref_slice %arg9[%add3A_62, %dma_start3A, %dma_start3A_63] : memref<16x128x8xf32, #tpu.memory_space<vmem>> -> memref<1x128x8xf32, #tpu.memory_space<vmem>>
      %dma_start3A_65 = tpu.memref_squeeze %dma_start3A_64 : memref<1x128x8xf32, #tpu.memory_space<vmem>> -> memref<128x8xf32, #tpu.memory_space<vmem>>
      %dma_start3A_66 = arith.constant 0 : i32
      %dma_start3A_67 = tpu.memref_slice %arg7[%add3A_62, %dma_start3A_66] : memref<40x128xi32, #tpu.memory_space<vmem>> -> memref<1x128xi32, #tpu.memory_space<vmem>>
      %dma_start3A_68 = tpu.memref_squeeze %dma_start3A_67 : memref<1x128xi32, #tpu.memory_space<vmem>> -> memref<128xi32, #tpu.memory_space<vmem>>
      %dma_start3A_69 = arith.constant 0 : i32
      %dma_start3A_70 = arith.constant 0 : i32
      %dma_start3A_71 = tpu.memref_slice %arg2[%dma_start3A_69, %dma_start3A_70] : memref<10240x8xf32, #tpu.memory_space<hbm>> -> memref<10240x8xf32, #tpu.memory_space<hbm>>
      tpu.enqueue_indirect_dma source(%dma_start3A_71 : memref<10240x8xf32, #tpu.memory_space<hbm>>) target(%dma_start3A_65 : memref<128x8xf32, #tpu.memory_space<vmem>>) offsets(%dma_start3A_68 : memref<128xi32, #tpu.memory_space<vmem>>) semaphore(%arg10 : memref<!tpu.dma_semaphore, #tpu.memory_space<semaphore_mem>>)
    }
    %scan3A_21 = arith.constant 8 : i32
    %sub3A = arith.constant 0 : i32
    %sub3A_22 = arith.subi %add3A_9, %sub3A : i32
    %sub3A_23 = arith.constant 1 : i32
    %sub3A_24 = arith.constant 1 : i32
    %sub3A_25 = arith.subi %sub3A_23, %sub3A_24 : i32
    %add3A_26 = arith.addi %sub3A_22, %sub3A_25 : i32
    %div3A = arith.constant 1 : i32
    %div3A_27 = arith.divsi %add3A_26, %div3A : i32
    %while3A = arith.constant 1 : i32
    %while3A_28 = arith.constant 0 : i32
    %while3A_29 = arith.constant 0 : i32
    %while3A_30 = arith.subi %div3A_27, %while3A_29 : i32
    %while3A_31 = arith.addi %while3A_29, %while3A_30 : i32
    %while3A_32 = arith.constant 1 : i32
    %while3A_33 = arith.divsi %while3A_30, %while3A_32 : i32
    %while3A_34 = arith.muli %while3A_33, %while3A_32 : i32
    %while3A_35 = arith.addi %while3A_29, %while3A_34 : i32
    %while3A_36 = arith.constant 1 : i32
    scf.for %while3A_58 = %while3A_29 to %while3A_35 step %while3A_36  : i32 {
      %mul3A_59 = arith.muli %while3A_58, %while3A : i32
      %add3A_60 = arith.addi %while3A_28, %mul3A_59 : i32
      %add3A_61 = arith.constant 8 : i32
      %add3A_62 = arith.addi %add3A_60, %add3A_61 : i32
      %lt3A_63 = arith.cmpi slt, %add3A_62, %add3A_9 : i32
      %convert_element_type3A_64 = arith.extui %lt3A_63 : i1 to i32
      %cond3A_65 = arith.constant 0 : i32
      %cond3A_66 = arith.cmpi ne, %convert_element_type3A_64, %cond3A_65 : i32
      scf.if %cond3A_66 {
        %add3A_86 = arith.constant 8 : i32
        %add3A_87 = arith.addi %add3A_60, %add3A_86 : i32
        %rem3A_88 = arith.constant 16 : i32
        %rem3A_89 = arith.remsi %add3A_87, %rem3A_88 : i32
        %ge3A_90 = arith.constant 16 : i32
        %ge3A_91 = arith.cmpi sge, %add3A_87, %ge3A_90 : i32
        %convert_element_type3A_92 = arith.extui %ge3A_91 : i1 to i32
        %cond3A_93 = arith.constant 0 : i32
        %cond3A_94 = arith.cmpi ne, %convert_element_type3A_92, %cond3A_93 : i32
        scf.if %cond3A_94 {
          %sub3A_105 = arith.constant 16 : i32
          %sub3A_106 = arith.subi %add3A_87, %sub3A_105 : i32
          %dma_wait3A_107 = arith.constant 0 : i32
          %dma_wait3A_108 = arith.constant 0 : i32
          %dma_wait3A_109 = tpu.memref_slice %arg9[%rem3A_89, %dma_wait3A_107, %dma_wait3A_108] : memref<16x128x8xf32, #tpu.memory_space<vmem>> -> memref<1x128x8xf32, #tpu.memory_space<vmem>>
          %dma_wait3A_110 = tpu.memref_squeeze %dma_wait3A_109 : memref<1x128x8xf32, #tpu.memory_space<vmem>> -> memref<128x8xf32, #tpu.memory_space<vmem>>
          %dma_wait3A_111 = arith.constant 0 : i32
          %dma_wait3A_112 = tpu.memref_slice %arg8[%sub3A_106, %dma_wait3A_111] : memref<40x128xi32, #tpu.memory_space<vmem>> -> memref<1x128xi32, #tpu.memory_space<vmem>>
          %dma_wait3A_113 = tpu.memref_squeeze %dma_wait3A_112 : memref<1x128xi32, #tpu.memory_space<vmem>> -> memref<128xi32, #tpu.memory_space<vmem>>
          %dma_wait3A_114 = arith.constant 0 : i32
          %dma_wait3A_115 = arith.constant 0 : i32
          %dma_wait3A_116 = tpu.memref_slice %arg12[%dma_wait3A_114, %dma_wait3A_115] : memref<10240x8xf32, #tpu.memory_space<vmem_shared>> -> memref<10240x8xf32, #tpu.memory_space<vmem_shared>>
          tpu.wait_indirect_dma semaphore(%arg11 : memref<!tpu.dma_semaphore, #tpu.memory_space<semaphore_mem>>) src(%dma_wait3A_110 : memref<128x8xf32, #tpu.memory_space<vmem>>) dst(%dma_wait3A_116 : memref<10240x8xf32, #tpu.memory_space<vmem_shared>>)
        } else {
        }
        %dma_start3A_95 = arith.constant 0 : i32
        %dma_start3A_96 = arith.constant 0 : i32
        %dma_start3A_97 = tpu.memref_slice %arg9[%rem3A_89, %dma_start3A_95, %dma_start3A_96] : memref<16x128x8xf32, #tpu.memory_space<vmem>> -> memref<1x128x8xf32, #tpu.memory_space<vmem>>
        %dma_start3A_98 = tpu.memref_squeeze %dma_start3A_97 : memref<1x128x8xf32, #tpu.memory_space<vmem>> -> memref<128x8xf32, #tpu.memory_space<vmem>>
        %dma_start3A_99 = arith.constant 0 : i32
        %dma_start3A_100 = tpu.memref_slice %arg7[%add3A_87, %dma_start3A_99] : memref<40x128xi32, #tpu.memory_space<vmem>> -> memref<1x128xi32, #tpu.memory_space<vmem>>
        %dma_start3A_101 = tpu.memref_squeeze %dma_start3A_100 : memref<1x128xi32, #tpu.memory_space<vmem>> -> memref<128xi32, #tpu.memory_space<vmem>>
        %dma_start3A_102 = arith.constant 0 : i32
        %dma_start3A_103 = arith.constant 0 : i32
        %dma_start3A_104 = tpu.memref_slice %arg2[%dma_start3A_102, %dma_start3A_103] : memref<10240x8xf32, #tpu.memory_space<hbm>> -> memref<10240x8xf32, #tpu.memory_space<hbm>>
        tpu.enqueue_indirect_dma source(%dma_start3A_104 : memref<10240x8xf32, #tpu.memory_space<hbm>>) target(%dma_start3A_98 : memref<128x8xf32, #tpu.memory_space<vmem>>) offsets(%dma_start3A_101 : memref<128xi32, #tpu.memory_space<vmem>>) semaphore(%arg10 : memref<!tpu.dma_semaphore, #tpu.memory_space<semaphore_mem>>)
      } else {
      }
      %rem3A = arith.constant 16 : i32
      %rem3A_67 = arith.remsi %add3A_60, %rem3A : i32
      %dma_wait3A = arith.constant 0 : i32
      %dma_wait3A_68 = arith.constant 0 : i32
      %dma_wait3A_69 = tpu.memref_slice %arg9[%rem3A_67, %dma_wait3A, %dma_wait3A_68] : memref<16x128x8xf32, #tpu.memory_space<vmem>> -> memref<1x128x8xf32, #tpu.memory_space<vmem>>
      %dma_wait3A_70 = tpu.memref_squeeze %dma_wait3A_69 : memref<1x128x8xf32, #tpu.memory_space<vmem>> -> memref<128x8xf32, #tpu.memory_space<vmem>>
      %dma_wait3A_71 = arith.constant 0 : i32
      %dma_wait3A_72 = tpu.memref_slice %arg7[%add3A_60, %dma_wait3A_71] : memref<40x128xi32, #tpu.memory_space<vmem>> -> memref<1x128xi32, #tpu.memory_space<vmem>>
      %dma_wait3A_73 = tpu.memref_squeeze %dma_wait3A_72 : memref<1x128xi32, #tpu.memory_space<vmem>> -> memref<128xi32, #tpu.memory_space<vmem>>
      %dma_wait3A_74 = arith.constant 0 : i32
      %dma_wait3A_75 = arith.constant 0 : i32
      %dma_wait3A_76 = tpu.memref_slice %arg2[%dma_wait3A_74, %dma_wait3A_75] : memref<10240x8xf32, #tpu.memory_space<hbm>> -> memref<10240x8xf32, #tpu.memory_space<hbm>>
      tpu.wait_indirect_dma semaphore(%arg10 : memref<!tpu.dma_semaphore, #tpu.memory_space<semaphore_mem>>) src(%dma_wait3A_76 : memref<10240x8xf32, #tpu.memory_space<hbm>>) dst(%dma_wait3A_70 : memref<128x8xf32, #tpu.memory_space<vmem>>)
      %dma_start3A = arith.constant 0 : i32
      %dma_start3A_77 = arith.constant 0 : i32
      %dma_start3A_78 = tpu.memref_slice %arg9[%rem3A_67, %dma_start3A, %dma_start3A_77] : memref<16x128x8xf32, #tpu.memory_space<vmem>> -> memref<1x128x8xf32, #tpu.memory_space<vmem>>
      %dma_start3A_79 = tpu.memref_squeeze %dma_start3A_78 : memref<1x128x8xf32, #tpu.memory_space<vmem>> -> memref<128x8xf32, #tpu.memory_space<vmem>>
      %dma_start3A_80 = arith.constant 0 : i32
      %dma_start3A_81 = tpu.memref_slice %arg8[%add3A_60, %dma_start3A_80] : memref<40x128xi32, #tpu.memory_space<vmem>> -> memref<1x128xi32, #tpu.memory_space<vmem>>
      %dma_start3A_82 = tpu.memref_squeeze %dma_start3A_81 : memref<1x128xi32, #tpu.memory_space<vmem>> -> memref<128xi32, #tpu.memory_space<vmem>>
      %dma_start3A_83 = arith.constant 0 : i32
      %dma_start3A_84 = arith.constant 0 : i32
      %dma_start3A_85 = tpu.memref_slice %arg12[%dma_start3A_83, %dma_start3A_84] : memref<10240x8xf32, #tpu.memory_space<vmem_shared>> -> memref<10240x8xf32, #tpu.memory_space<vmem_shared>>
      tpu.enqueue_indirect_dma source(%dma_start3A_79 : memref<128x8xf32, #tpu.memory_space<vmem>>) target(%dma_start3A_85 : memref<10240x8xf32, #tpu.memory_space<vmem_shared>>) offsets(%dma_start3A_82 : memref<128xi32, #tpu.memory_space<vmem>>) semaphore(%arg11 : memref<!tpu.dma_semaphore, #tpu.memory_space<semaphore_mem>>) {add = true}
    }
    %while3A_37 = arith.constant 1 : i32
    scf.for %while3A_58 = %while3A_35 to %while3A_31 step %while3A_37  : i32 {
      %mul3A_59 = arith.muli %while3A_58, %while3A : i32
      %add3A_60 = arith.addi %while3A_28, %mul3A_59 : i32
      %add3A_61 = arith.constant 8 : i32
      %add3A_62 = arith.addi %add3A_60, %add3A_61 : i32
      %lt3A_63 = arith.cmpi slt, %add3A_62, %add3A_9 : i32
      %convert_element_type3A_64 = arith.extui %lt3A_63 : i1 to i32
      %cond3A_65 = arith.constant 0 : i32
      %cond3A_66 = arith.cmpi ne, %convert_element_type3A_64, %cond3A_65 : i32
      scf.if %cond3A_66 {
        %add3A_86 = arith.constant 8 : i32
        %add3A_87 = arith.addi %add3A_60, %add3A_86 : i32
        %rem3A_88 = arith.constant 16 : i32
        %rem3A_89 = arith.remsi %add3A_87, %rem3A_88 : i32
        %ge3A_90 = arith.constant 16 : i32
        %ge3A_91 = arith.cmpi sge, %add3A_87, %ge3A_90 : i32
        %convert_element_type3A_92 = arith.extui %ge3A_91 : i1 to i32
        %cond3A_93 = arith.constant 0 : i32
        %cond3A_94 = arith.cmpi ne, %convert_element_type3A_92, %cond3A_93 : i32
        scf.if %cond3A_94 {
          %sub3A_105 = arith.constant 16 : i32
          %sub3A_106 = arith.subi %add3A_87, %sub3A_105 : i32
          %dma_wait3A_107 = arith.constant 0 : i32
          %dma_wait3A_108 = arith.constant 0 : i32
          %dma_wait3A_109 = tpu.memref_slice %arg9[%rem3A_89, %dma_wait3A_107, %dma_wait3A_108] : memref<16x128x8xf32, #tpu.memory_space<vmem>> -> memref<1x128x8xf32, #tpu.memory_space<vmem>>
          %dma_wait3A_110 = tpu.memref_squeeze %dma_wait3A_109 : memref<1x128x8xf32, #tpu.memory_space<vmem>> -> memref<128x8xf32, #tpu.memory_space<vmem>>
          %dma_wait3A_111 = arith.constant 0 : i32
          %dma_wait3A_112 = tpu.memref_slice %arg8[%sub3A_106, %dma_wait3A_111] : memref<40x128xi32, #tpu.memory_space<vmem>> -> memref<1x128xi32, #tpu.memory_space<vmem>>
          %dma_wait3A_113 = tpu.memref_squeeze %dma_wait3A_112 : memref<1x128xi32, #tpu.memory_space<vmem>> -> memref<128xi32, #tpu.memory_space<vmem>>
          %dma_wait3A_114 = arith.constant 0 : i32
          %dma_wait3A_115 = arith.constant 0 : i32
          %dma_wait3A_116 = tpu.memref_slice %arg12[%dma_wait3A_114, %dma_wait3A_115] : memref<10240x8xf32, #tpu.memory_space<vmem_shared>> -> memref<10240x8xf32, #tpu.memory_space<vmem_shared>>
          tpu.wait_indirect_dma semaphore(%arg11 : memref<!tpu.dma_semaphore, #tpu.memory_space<semaphore_mem>>) src(%dma_wait3A_110 : memref<128x8xf32, #tpu.memory_space<vmem>>) dst(%dma_wait3A_116 : memref<10240x8xf32, #tpu.memory_space<vmem_shared>>)
        } else {
        }
        %dma_start3A_95 = arith.constant 0 : i32
        %dma_start3A_96 = arith.constant 0 : i32
        %dma_start3A_97 = tpu.memref_slice %arg9[%rem3A_89, %dma_start3A_95, %dma_start3A_96] : memref<16x128x8xf32, #tpu.memory_space<vmem>> -> memref<1x128x8xf32, #tpu.memory_space<vmem>>
        %dma_start3A_98 = tpu.memref_squeeze %dma_start3A_97 : memref<1x128x8xf32, #tpu.memory_space<vmem>> -> memref<128x8xf32, #tpu.memory_space<vmem>>
        %dma_start3A_99 = arith.constant 0 : i32
        %dma_start3A_100 = tpu.memref_slice %arg7[%add3A_87, %dma_start3A_99] : memref<40x128xi32, #tpu.memory_space<vmem>> -> memref<1x128xi32, #tpu.memory_space<vmem>>
        %dma_start3A_101 = tpu.memref_squeeze %dma_start3A_100 : memref<1x128xi32, #tpu.memory_space<vmem>> -> memref<128xi32, #tpu.memory_space<vmem>>
        %dma_start3A_102 = arith.constant 0 : i32
        %dma_start3A_103 = arith.constant 0 : i32
        %dma_start3A_104 = tpu.memref_slice %arg2[%dma_start3A_102, %dma_start3A_103] : memref<10240x8xf32, #tpu.memory_space<hbm>> -> memref<10240x8xf32, #tpu.memory_space<hbm>>
        tpu.enqueue_indirect_dma source(%dma_start3A_104 : memref<10240x8xf32, #tpu.memory_space<hbm>>) target(%dma_start3A_98 : memref<128x8xf32, #tpu.memory_space<vmem>>) offsets(%dma_start3A_101 : memref<128xi32, #tpu.memory_space<vmem>>) semaphore(%arg10 : memref<!tpu.dma_semaphore, #tpu.memory_space<semaphore_mem>>)
      } else {
      }
      %rem3A = arith.constant 16 : i32
      %rem3A_67 = arith.remsi %add3A_60, %rem3A : i32
      %dma_wait3A = arith.constant 0 : i32
      %dma_wait3A_68 = arith.constant 0 : i32
      %dma_wait3A_69 = tpu.memref_slice %arg9[%rem3A_67, %dma_wait3A, %dma_wait3A_68] : memref<16x128x8xf32, #tpu.memory_space<vmem>> -> memref<1x128x8xf32, #tpu.memory_space<vmem>>
      %dma_wait3A_70 = tpu.memref_squeeze %dma_wait3A_69 : memref<1x128x8xf32, #tpu.memory_space<vmem>> -> memref<128x8xf32, #tpu.memory_space<vmem>>
      %dma_wait3A_71 = arith.constant 0 : i32
      %dma_wait3A_72 = tpu.memref_slice %arg7[%add3A_60, %dma_wait3A_71] : memref<40x128xi32, #tpu.memory_space<vmem>> -> memref<1x128xi32, #tpu.memory_space<vmem>>
      %dma_wait3A_73 = tpu.memref_squeeze %dma_wait3A_72 : memref<1x128xi32, #tpu.memory_space<vmem>> -> memref<128xi32, #tpu.memory_space<vmem>>
      %dma_wait3A_74 = arith.constant 0 : i32
      %dma_wait3A_75 = arith.constant 0 : i32
      %dma_wait3A_76 = tpu.memref_slice %arg2[%dma_wait3A_74, %dma_wait3A_75] : memref<10240x8xf32, #tpu.memory_space<hbm>> -> memref<10240x8xf32, #tpu.memory_space<hbm>>
      tpu.wait_indirect_dma semaphore(%arg10 : memref<!tpu.dma_semaphore, #tpu.memory_space<semaphore_mem>>) src(%dma_wait3A_76 : memref<10240x8xf32, #tpu.memory_space<hbm>>) dst(%dma_wait3A_70 : memref<128x8xf32, #tpu.memory_space<vmem>>)
      %dma_start3A = arith.constant 0 : i32
      %dma_start3A_77 = arith.constant 0 : i32
      %dma_start3A_78 = tpu.memref_slice %arg9[%rem3A_67, %dma_start3A, %dma_start3A_77] : memref<16x128x8xf32, #tpu.memory_space<vmem>> -> memref<1x128x8xf32, #tpu.memory_space<vmem>>
      %dma_start3A_79 = tpu.memref_squeeze %dma_start3A_78 : memref<1x128x8xf32, #tpu.memory_space<vmem>> -> memref<128x8xf32, #tpu.memory_space<vmem>>
      %dma_start3A_80 = arith.constant 0 : i32
      %dma_start3A_81 = tpu.memref_slice %arg8[%add3A_60, %dma_start3A_80] : memref<40x128xi32, #tpu.memory_space<vmem>> -> memref<1x128xi32, #tpu.memory_space<vmem>>
      %dma_start3A_82 = tpu.memref_squeeze %dma_start3A_81 : memref<1x128xi32, #tpu.memory_space<vmem>> -> memref<128xi32, #tpu.memory_space<vmem>>
      %dma_start3A_83 = arith.constant 0 : i32
      %dma_start3A_84 = arith.constant 0 : i32
      %dma_start3A_85 = tpu.memref_slice %arg12[%dma_start3A_83, %dma_start3A_84] : memref<10240x8xf32, #tpu.memory_space<vmem_shared>> -> memref<10240x8xf32, #tpu.memory_space<vmem_shared>>
      tpu.enqueue_indirect_dma source(%dma_start3A_79 : memref<128x8xf32, #tpu.memory_space<vmem>>) target(%dma_start3A_85 : memref<10240x8xf32, #tpu.memory_space<vmem_shared>>) offsets(%dma_start3A_82 : memref<128xi32, #tpu.memory_space<vmem>>) semaphore(%arg11 : memref<!tpu.dma_semaphore, #tpu.memory_space<semaphore_mem>>) {add = true}
    }
    %sub3A_38 = arith.constant 16 : i32
    %sub3A_39 = arith.subi %add3A_9, %sub3A_38 : i32
    %sub3A_40 = arith.subi %add3A_9, %sub3A_39 : i32
    %sub3A_41 = arith.constant 1 : i32
    %sub3A_42 = arith.constant 1 : i32
    %sub3A_43 = arith.subi %sub3A_41, %sub3A_42 : i32
    %add3A_44 = arith.addi %sub3A_40, %sub3A_43 : i32
    %div3A_45 = arith.constant 1 : i32
    %div3A_46 = arith.divsi %add3A_44, %div3A_45 : i32
    %while3A_47 = arith.constant 1 : i32
    %while3A_48 = arith.constant 0 : i32
    %while3A_49 = arith.subi %div3A_46, %while3A_48 : i32
    %while3A_50 = arith.addi %while3A_48, %while3A_49 : i32
    %while3A_51 = arith.constant 1 : i32
    %while3A_52 = arith.divsi %while3A_49, %while3A_51 : i32
    %while3A_53 = arith.muli %while3A_52, %while3A_51 : i32
    %while3A_54 = arith.addi %while3A_48, %while3A_53 : i32
    %while3A_55 = arith.constant 1 : i32
    scf.for %while3A_58 = %while3A_48 to %while3A_54 step %while3A_55  : i32 {
      %mul3A_59 = arith.muli %while3A_58, %while3A_47 : i32
      %add3A_60 = arith.addi %sub3A_39, %mul3A_59 : i32
      %rem3A = arith.constant 16 : i32
      %rem3A_61 = arith.remsi %add3A_60, %rem3A : i32
      %dma_wait3A = arith.constant 0 : i32
      %dma_wait3A_62 = arith.constant 0 : i32
      %dma_wait3A_63 = tpu.memref_slice %arg9[%rem3A_61, %dma_wait3A, %dma_wait3A_62] : memref<16x128x8xf32, #tpu.memory_space<vmem>> -> memref<1x128x8xf32, #tpu.memory_space<vmem>>
      %dma_wait3A_64 = tpu.memref_squeeze %dma_wait3A_63 : memref<1x128x8xf32, #tpu.memory_space<vmem>> -> memref<128x8xf32, #tpu.memory_space<vmem>>
      %dma_wait3A_65 = arith.constant 0 : i32
      %dma_wait3A_66 = tpu.memref_slice %arg8[%add3A_60, %dma_wait3A_65] : memref<40x128xi32, #tpu.memory_space<vmem>> -> memref<1x128xi32, #tpu.memory_space<vmem>>
      %dma_wait3A_67 = tpu.memref_squeeze %dma_wait3A_66 : memref<1x128xi32, #tpu.memory_space<vmem>> -> memref<128xi32, #tpu.memory_space<vmem>>
      %dma_wait3A_68 = arith.constant 0 : i32
      %dma_wait3A_69 = arith.constant 0 : i32
      %dma_wait3A_70 = tpu.memref_slice %arg12[%dma_wait3A_68, %dma_wait3A_69] : memref<10240x8xf32, #tpu.memory_space<vmem_shared>> -> memref<10240x8xf32, #tpu.memory_space<vmem_shared>>
      tpu.wait_indirect_dma semaphore(%arg11 : memref<!tpu.dma_semaphore, #tpu.memory_space<semaphore_mem>>) src(%dma_wait3A_64 : memref<128x8xf32, #tpu.memory_space<vmem>>) dst(%dma_wait3A_70 : memref<10240x8xf32, #tpu.memory_space<vmem_shared>>)
    }
    %while3A_56 = arith.constant 1 : i32
    scf.for %while3A_58 = %while3A_54 to %while3A_50 step %while3A_56  : i32 {
      %mul3A_59 = arith.muli %while3A_58, %while3A_47 : i32
      %add3A_60 = arith.addi %sub3A_39, %mul3A_59 : i32
      %rem3A = arith.constant 16 : i32
      %rem3A_61 = arith.remsi %add3A_60, %rem3A : i32
      %dma_wait3A = arith.constant 0 : i32
      %dma_wait3A_62 = arith.constant 0 : i32
      %dma_wait3A_63 = tpu.memref_slice %arg9[%rem3A_61, %dma_wait3A, %dma_wait3A_62] : memref<16x128x8xf32, #tpu.memory_space<vmem>> -> memref<1x128x8xf32, #tpu.memory_space<vmem>>
      %dma_wait3A_64 = tpu.memref_squeeze %dma_wait3A_63 : memref<1x128x8xf32, #tpu.memory_space<vmem>> -> memref<128x8xf32, #tpu.memory_space<vmem>>
      %dma_wait3A_65 = arith.constant 0 : i32
      %dma_wait3A_66 = tpu.memref_slice %arg8[%add3A_60, %dma_wait3A_65] : memref<40x128xi32, #tpu.memory_space<vmem>> -> memref<1x128xi32, #tpu.memory_space<vmem>>
      %dma_wait3A_67 = tpu.memref_squeeze %dma_wait3A_66 : memref<1x128xi32, #tpu.memory_space<vmem>> -> memref<128xi32, #tpu.memory_space<vmem>>
      %dma_wait3A_68 = arith.constant 0 : i32
      %dma_wait3A_69 = arith.constant 0 : i32
      %dma_wait3A_70 = tpu.memref_slice %arg12[%dma_wait3A_68, %dma_wait3A_69] : memref<10240x8xf32, #tpu.memory_space<vmem_shared>> -> memref<10240x8xf32, #tpu.memory_space<vmem_shared>>
      tpu.wait_indirect_dma semaphore(%arg11 : memref<!tpu.dma_semaphore, #tpu.memory_space<semaphore_mem>>) src(%dma_wait3A_64 : memref<128x8xf32, #tpu.memory_space<vmem>>) dst(%dma_wait3A_70 : memref<10240x8xf32, #tpu.memory_space<vmem_shared>>)
    }
    %barrier3A_57 = arith.constant 0 : index
    tpu.barrier barrier_id(%barrier3A_57)
    "tpu.region"() ({
      %run_scoped3A = tpu.sem_alloc : memref<!tpu.dma_semaphore, #tpu.memory_space<semaphore_mem>>
      %dma_start3A = arith.constant 0 : i32
      %dma_start3A_58 = tpu.memref_slice %arg6[%arg0, %mul3A_2, %dma_start3A] : memref<2x10240x8xf32, #tpu.memory_space<hbm>> -> memref<1x640x8xf32, #tpu.memory_space<hbm>>
      %dma_start3A_59 = tpu.memref_squeeze %dma_start3A_58 : memref<1x640x8xf32, #tpu.memory_space<hbm>> -> memref<640x8xf32, #tpu.memory_space<hbm>>
      %dma_start3A_60 = arith.constant 0 : i32
      %dma_start3A_61 = tpu.memref_slice %arg12[%mul3A_2, %dma_start3A_60] : memref<10240x8xf32, #tpu.memory_space<vmem_shared>> -> memref<640x8xf32, #tpu.memory_space<vmem_shared>>
      tpu.enqueue_dma source(%dma_start3A_61 : memref<640x8xf32, #tpu.memory_space<vmem_shared>>) target(%dma_start3A_59 : memref<640x8xf32, #tpu.memory_space<hbm>>) target_semaphore(%run_scoped3A : memref<!tpu.dma_semaphore, #tpu.memory_space<semaphore_mem>>)
      %dma_wait3A = arith.constant 0 : i32
      %dma_wait3A_62 = tpu.memref_slice %arg6[%arg0, %mul3A_2, %dma_wait3A] : memref<2x10240x8xf32, #tpu.memory_space<hbm>> -> memref<1x640x8xf32, #tpu.memory_space<hbm>>
      %dma_wait3A_63 = tpu.memref_squeeze %dma_wait3A_62 : memref<1x640x8xf32, #tpu.memory_space<hbm>> -> memref<640x8xf32, #tpu.memory_space<hbm>>
      %dma_wait3A_64 = arith.constant 0 : i32
      %dma_wait3A_65 = tpu.memref_slice %arg12[%mul3A_2, %dma_wait3A_64] : memref<10240x8xf32, #tpu.memory_space<vmem_shared>> -> memref<640x8xf32, #tpu.memory_space<vmem_shared>>
      tpu.wait_dma2 semaphore(%run_scoped3A : memref<!tpu.dma_semaphore, #tpu.memory_space<semaphore_mem>>) src(%dma_wait3A_65 : memref<640x8xf32, #tpu.memory_space<vmem_shared>>) dst(%dma_wait3A_63 : memref<640x8xf32, #tpu.memory_space<hbm>>)
      tpu.yield
    }) : () -> ()
    return
  }
}

#map = affine_map<(d0, d1) -> (0)>
module attributes {stable_mosaic.version = 14 : i64} {
  func.func @_s0_body(%arg0: i32, %arg1: i32, %arg2: memref<10000xf32, #tpu.memory_space<hbm>>, %arg3: memref<10000xf32, #tpu.memory_space<hbm>>, %arg4: memref<10000xf32, #tpu.memory_space<hbm>>, %arg5: memref<10000xf32, #tpu.memory_space<hbm>>, %arg6: memref<10000xf32, #tpu.memory_space<hbm>>, %arg7: memref<160000xi32, #tpu.memory_space<hbm>>, %arg8: memref<81920xf32, #tpu.memory_space<hbm>>, %arg9: memref<81920xf32, #tpu.memory_space<hbm>>, %arg10: memref<10000xi32, #tpu.memory_space<vmem>>, %arg11: memref<10240xi32, #tpu.memory_space<vmem>>, %arg12: memref<16x320xi32, #tpu.memory_space<vmem>>, %arg13: memref<1600xf32, #tpu.memory_space<vmem>>, %arg14: memref<2560xf32, #tpu.memory_space<vmem>>, %arg15: memref<2560xf32, #tpu.memory_space<vmem>>, %arg16: memref<320xf32, #tpu.memory_space<vmem>>, %arg17: memref<16x10240xi32, #tpu.memory_space<vmem_shared>>) attributes {dimension_semantics = [#tpu.dimension_semantics<core_parallel>, #tpu.dimension_semantics<subcore_parallel>], iteration_bounds = array<i64: 2, 16>, scalar_prefetch = 0 : i64, scratch_operands = 8 : i64, tpu.core_type = #tpu.core_type<sc_vector_subcore>, window_params = [{transform_indices = #map}, {transform_indices = #map}, {transform_indices = #map}, {transform_indices = #map}, {transform_indices = #map}, {transform_indices = #map}, {transform_indices = #map}, {transform_indices = #map}]} {
    %scan3A = arith.constant 0 : i32
    %scan3A_0 = arith.constant 640 : i32
    %scan3A_1 = arith.addi %scan3A, %scan3A_0 : i32
    %scan3A_2 = arith.constant 1 : i32
    scf.for %scan3A_85 = %scan3A to %scan3A_1 step %scan3A_2  : i32 {
      %mul3A_86 = arith.constant 1 : i32
      %mul3A_87 = arith.muli %scan3A_85, %mul3A_86 : i32
      %add3A_88 = arith.constant 0 : i32
      %add3A_89 = arith.addi %add3A_88, %mul3A_87 : i32
      %broadcast_in_dim3A_90 = arith.constant 0 : i32
      %broadcast_in_dim3A_91 = vector.broadcast %broadcast_in_dim3A_90 : i32 to vector<16xi32>
      %mul3A_92 = arith.constant 16 : i32
      %mul3A_93 = arith.muli %add3A_89, %mul3A_92 : i32
      %swap3A = arith.index_cast %mul3A_93 : i32 to index
      %swap3A_94 = tpu.vector_load %arg11[%swap3A] {strides = array<i32>} : memref<10240xi32, #tpu.memory_space<vmem>>, vector<16xi32>,
      tpu.vector_store %arg11[%swap3A], %broadcast_in_dim3A_91 {strides = array<i32>} : memref<10240xi32, #tpu.memory_space<vmem>>, vector<16xi32>,
    }
    %scan3A_3 = arith.constant 640 : i32
    %mul3A = arith.constant 10000 : i32
    %mul3A_4 = arith.muli %arg1, %mul3A : i32
    "tpu.region"() ({
      %run_scoped3A_85 = tpu.sem_alloc : memref<!tpu.dma_semaphore, #tpu.memory_space<semaphore_mem>>
      %dma_start3A = tpu.memref_slice %arg7[%mul3A_4] : memref<160000xi32, #tpu.memory_space<hbm>> -> memref<10000xi32, #tpu.memory_space<hbm>>
      %dma_start3A_86 = tpu.memref_slice %arg7[%mul3A_4] : memref<160000xi32, #tpu.memory_space<hbm>> -> memref<10000xi32, #tpu.memory_space<hbm>>
      tpu.enqueue_dma source(%dma_start3A_86 : memref<10000xi32, #tpu.memory_space<hbm>>) target(%arg10 : memref<10000xi32, #tpu.memory_space<vmem>>) target_semaphore(%run_scoped3A_85 : memref<!tpu.dma_semaphore, #tpu.memory_space<semaphore_mem>>)
      %dma_wait3A = tpu.memref_slice %arg7[%mul3A_4] : memref<160000xi32, #tpu.memory_space<hbm>> -> memref<10000xi32, #tpu.memory_space<hbm>>
      %dma_wait3A_87 = tpu.memref_slice %arg7[%mul3A_4] : memref<160000xi32, #tpu.memory_space<hbm>> -> memref<10000xi32, #tpu.memory_space<hbm>>
      tpu.wait_dma2 semaphore(%run_scoped3A_85 : memref<!tpu.dma_semaphore, #tpu.memory_space<semaphore_mem>>) src(%dma_wait3A_87 : memref<10000xi32, #tpu.memory_space<hbm>>) dst(%arg10 : memref<10000xi32, #tpu.memory_space<vmem>>)
      tpu.yield
    }) : () -> ()
    %scan3A_5 = arith.constant 0 : i32
    %scan3A_6 = arith.constant 624 : i32
    %scan3A_7 = arith.addi %scan3A_5, %scan3A_6 : i32
    %scan3A_8 = arith.constant 4 : i32
    scf.for %scan3A_85 = %scan3A_5 to %scan3A_7 step %scan3A_8  : i32 {
      %mul3A_86 = arith.constant 1 : i32
      %mul3A_87 = arith.muli %scan3A_85, %mul3A_86 : i32
      %add3A_88 = arith.constant 0 : i32
      %add3A_89 = arith.addi %add3A_88, %mul3A_87 : i32
      %mul3A_90 = arith.constant 16 : i32
      %mul3A_91 = arith.muli %add3A_89, %mul3A_90 : i32
      %get3A_92 = arith.index_cast %mul3A_91 : i32 to index
      %get3A_93 = tpu.vector_load %arg10[%get3A_92] {strides = array<i32>} : memref<10000xi32, #tpu.memory_space<vmem>>, vector<16xi32>,
      %broadcast_in_dim3A_94 = arith.constant true
      %broadcast_in_dim3A_95 = vector.broadcast %broadcast_in_dim3A_94 : i1 to vector<16xi1>
      %unique3A_96, %unique3A_97 = tpu.scan_count mask(%broadcast_in_dim3A_95 : vector<16xi1>) value(%get3A_93 : vector<16xi32>) : vector<16xi1>, vector<16xi32>
      tpu.vector_store_idx %arg11[%get3A_93], %unique3A_97 masked %unique3A_96 {add = true} : memref<10240xi32, #tpu.memory_space<vmem>>[vector<16xi32>], vector<16xi32>, vector<16xi1>
      %scan3A_98 = arith.constant 1 : i32
      %scan3A_99 = arith.addi %scan3A_85, %scan3A_98 : i32
      %mul3A_100 = arith.constant 1 : i32
      %mul3A_101 = arith.muli %scan3A_99, %mul3A_100 : i32
      %add3A_102 = arith.constant 0 : i32
      %add3A_103 = arith.addi %add3A_102, %mul3A_101 : i32
      %mul3A_104 = arith.constant 16 : i32
      %mul3A_105 = arith.muli %add3A_103, %mul3A_104 : i32
      %get3A_106 = arith.index_cast %mul3A_105 : i32 to index
      %get3A_107 = tpu.vector_load %arg10[%get3A_106] {strides = array<i32>} : memref<10000xi32, #tpu.memory_space<vmem>>, vector<16xi32>,
      %broadcast_in_dim3A_108 = arith.constant true
      %broadcast_in_dim3A_109 = vector.broadcast %broadcast_in_dim3A_108 : i1 to vector<16xi1>
      %unique3A_110, %unique3A_111 = tpu.scan_count mask(%broadcast_in_dim3A_109 : vector<16xi1>) value(%get3A_107 : vector<16xi32>) : vector<16xi1>, vector<16xi32>
      tpu.vector_store_idx %arg11[%get3A_107], %unique3A_111 masked %unique3A_110 {add = true} : memref<10240xi32, #tpu.memory_space<vmem>>[vector<16xi32>], vector<16xi32>, vector<16xi1>
      %scan3A_112 = arith.constant 2 : i32
      %scan3A_113 = arith.addi %scan3A_85, %scan3A_112 : i32
      %mul3A_114 = arith.constant 1 : i32
      %mul3A_115 = arith.muli %scan3A_113, %mul3A_114 : i32
      %add3A_116 = arith.constant 0 : i32
      %add3A_117 = arith.addi %add3A_116, %mul3A_115 : i32
      %mul3A_118 = arith.constant 16 : i32
      %mul3A_119 = arith.muli %add3A_117, %mul3A_118 : i32
      %get3A_120 = arith.index_cast %mul3A_119 : i32 to index
      %get3A_121 = tpu.vector_load %arg10[%get3A_120] {strides = array<i32>} : memref<10000xi32, #tpu.memory_space<vmem>>, vector<16xi32>,
      %broadcast_in_dim3A_122 = arith.constant true
      %broadcast_in_dim3A_123 = vector.broadcast %broadcast_in_dim3A_122 : i1 to vector<16xi1>
      %unique3A_124, %unique3A_125 = tpu.scan_count mask(%broadcast_in_dim3A_123 : vector<16xi1>) value(%get3A_121 : vector<16xi32>) : vector<16xi1>, vector<16xi32>
      tpu.vector_store_idx %arg11[%get3A_121], %unique3A_125 masked %unique3A_124 {add = true} : memref<10240xi32, #tpu.memory_space<vmem>>[vector<16xi32>], vector<16xi32>, vector<16xi1>
      %scan3A_126 = arith.constant 3 : i32
      %scan3A_127 = arith.addi %scan3A_85, %scan3A_126 : i32
      %mul3A_128 = arith.constant 1 : i32
      %mul3A_129 = arith.muli %scan3A_127, %mul3A_128 : i32
      %add3A_130 = arith.constant 0 : i32
      %add3A_131 = arith.addi %add3A_130, %mul3A_129 : i32
      %mul3A_132 = arith.constant 16 : i32
      %mul3A_133 = arith.muli %add3A_131, %mul3A_132 : i32
      %get3A_134 = arith.index_cast %mul3A_133 : i32 to index
      %get3A_135 = tpu.vector_load %arg10[%get3A_134] {strides = array<i32>} : memref<10000xi32, #tpu.memory_space<vmem>>, vector<16xi32>,
      %broadcast_in_dim3A_136 = arith.constant true
      %broadcast_in_dim3A_137 = vector.broadcast %broadcast_in_dim3A_136 : i1 to vector<16xi1>
      %unique3A_138, %unique3A_139 = tpu.scan_count mask(%broadcast_in_dim3A_137 : vector<16xi1>) value(%get3A_135 : vector<16xi32>) : vector<16xi1>, vector<16xi32>
      tpu.vector_store_idx %arg11[%get3A_135], %unique3A_139 masked %unique3A_138 {add = true} : memref<10240xi32, #tpu.memory_space<vmem>>[vector<16xi32>], vector<16xi32>, vector<16xi1>
    }
    %scan3A_9 = arith.constant 624 : i32
    %scan3A_10 = arith.addi %scan3A_5, %scan3A_9 : i32
    %mul3A_11 = arith.constant 1 : i32
    %mul3A_12 = arith.muli %scan3A_10, %mul3A_11 : i32
    %add3A = arith.constant 0 : i32
    %add3A_13 = arith.addi %add3A, %mul3A_12 : i32
    %mul3A_14 = arith.constant 16 : i32
    %mul3A_15 = arith.muli %add3A_13, %mul3A_14 : i32
    %get3A = arith.index_cast %mul3A_15 : i32 to index
    %get3A_16 = tpu.vector_load %arg10[%get3A] {strides = array<i32>} : memref<10000xi32, #tpu.memory_space<vmem>>, vector<16xi32>,
    %broadcast_in_dim3A = arith.constant true
    %broadcast_in_dim3A_17 = vector.broadcast %broadcast_in_dim3A : i1 to vector<16xi1>
    %unique3A, %unique3A_18 = tpu.scan_count mask(%broadcast_in_dim3A_17 : vector<16xi1>) value(%get3A_16 : vector<16xi32>) : vector<16xi1>, vector<16xi32>
    tpu.vector_store_idx %arg11[%get3A_16], %unique3A_18 masked %unique3A {add = true} : memref<10240xi32, #tpu.memory_space<vmem>>[vector<16xi32>], vector<16xi32>, vector<16xi1>
    %scan3A_19 = arith.constant 625 : i32
    "tpu.region"() ({
      %run_scoped3A_85 = tpu.sem_alloc : memref<!tpu.dma_semaphore, #tpu.memory_space<semaphore_mem>>
      %dma_start3A = arith.constant 0 : i32
      %dma_start3A_86 = tpu.memref_slice %arg17[%arg1, %dma_start3A] : memref<16x10240xi32, #tpu.memory_space<vmem_shared>> -> memref<1x10240xi32, #tpu.memory_space<vmem_shared>>
      %dma_start3A_87 = tpu.memref_squeeze %dma_start3A_86 : memref<1x10240xi32, #tpu.memory_space<vmem_shared>> -> memref<10240xi32, #tpu.memory_space<vmem_shared>>
      %dma_start3A_88 = arith.constant 0 : i32
      %dma_start3A_89 = tpu.memref_slice %arg17[%arg1, %dma_start3A_88] : memref<16x10240xi32, #tpu.memory_space<vmem_shared>> -> memref<1x10240xi32, #tpu.memory_space<vmem_shared>>
      %dma_start3A_90 = tpu.memref_squeeze %dma_start3A_89 : memref<1x10240xi32, #tpu.memory_space<vmem_shared>> -> memref<10240xi32, #tpu.memory_space<vmem_shared>>
      tpu.enqueue_dma source(%arg11 : memref<10240xi32, #tpu.memory_space<vmem>>) target(%dma_start3A_90 : memref<10240xi32, #tpu.memory_space<vmem_shared>>) target_semaphore(%run_scoped3A_85 : memref<!tpu.dma_semaphore, #tpu.memory_space<semaphore_mem>>)
      %dma_wait3A = arith.constant 0 : i32
      %dma_wait3A_91 = tpu.memref_slice %arg17[%arg1, %dma_wait3A] : memref<16x10240xi32, #tpu.memory_space<vmem_shared>> -> memref<1x10240xi32, #tpu.memory_space<vmem_shared>>
      %dma_wait3A_92 = tpu.memref_squeeze %dma_wait3A_91 : memref<1x10240xi32, #tpu.memory_space<vmem_shared>> -> memref<10240xi32, #tpu.memory_space<vmem_shared>>
      %dma_wait3A_93 = arith.constant 0 : i32
      %dma_wait3A_94 = tpu.memref_slice %arg17[%arg1, %dma_wait3A_93] : memref<16x10240xi32, #tpu.memory_space<vmem_shared>> -> memref<1x10240xi32, #tpu.memory_space<vmem_shared>>
      %dma_wait3A_95 = tpu.memref_squeeze %dma_wait3A_94 : memref<1x10240xi32, #tpu.memory_space<vmem_shared>> -> memref<10240xi32, #tpu.memory_space<vmem_shared>>
      tpu.wait_dma2 semaphore(%run_scoped3A_85 : memref<!tpu.dma_semaphore, #tpu.memory_space<semaphore_mem>>) src(%arg11 : memref<10240xi32, #tpu.memory_space<vmem>>) dst(%dma_wait3A_95 : memref<10240xi32, #tpu.memory_space<vmem_shared>>)
      tpu.yield
    }) : () -> ()
    %scan3A_20 = arith.constant 0 : i32
    %scan3A_21 = arith.constant 100 : i32
    %scan3A_22 = arith.addi %scan3A_20, %scan3A_21 : i32
    %scan3A_23 = arith.constant 1 : i32
    scf.for %scan3A_85 = %scan3A_20 to %scan3A_22 step %scan3A_23  : i32 {
      %mul3A_86 = arith.constant 1 : i32
      %mul3A_87 = arith.muli %scan3A_85, %mul3A_86 : i32
      %add3A_88 = arith.constant 0 : i32
      %add3A_89 = arith.addi %add3A_88, %mul3A_87 : i32
      %broadcast_in_dim3A_90 = arith.constant 0.000000e+00 : f32
      %broadcast_in_dim3A_91 = vector.broadcast %broadcast_in_dim3A_90 : f32 to vector<16xf32>
      %mul3A_92 = arith.constant 16 : i32
      %mul3A_93 = arith.muli %add3A_89, %mul3A_92 : i32
      %swap3A = arith.index_cast %mul3A_93 : i32 to index
      %swap3A_94 = tpu.vector_load %arg13[%swap3A] {strides = array<i32>} : memref<1600xf32, #tpu.memory_space<vmem>>, vector<16xf32>,
      tpu.vector_store %arg13[%swap3A], %broadcast_in_dim3A_91 {strides = array<i32>} : memref<1600xf32, #tpu.memory_space<vmem>>, vector<16xf32>,
    }
    %scan3A_24 = arith.constant 100 : i32
    %mul3A_25 = arith.constant 5120 : i32
    %mul3A_26 = arith.muli %arg0, %mul3A_25 : i32
    %mul3A_27 = arith.constant 320 : i32
    %mul3A_28 = arith.muli %arg1, %mul3A_27 : i32
    %add3A_29 = arith.addi %mul3A_26, %mul3A_28 : i32
    %add3A_30 = arith.constant 320 : i32
    %add3A_31 = arith.addi %add3A_29, %add3A_30 : i32
    %le3A = arith.constant 10000 : i32
    %le3A_32 = arith.cmpi sle, %add3A_31, %le3A : i32
    %convert_element_type3A = arith.extui %le3A_32 : i1 to i32
    %cond3A = arith.constant 0 : i32
    %cond3A_33 = arith.cmpi ne, %convert_element_type3A, %cond3A : i32
    scf.if %cond3A_33 {
      "tpu.region"() ({
        %run_scoped3A_85 = tpu.sem_alloc : memref<!tpu.dma_semaphore, #tpu.memory_space<semaphore_mem>>
        %dma_start3A = arith.constant 0 : i32
        %dma_start3A_86 = tpu.memref_slice %arg13[%dma_start3A] : memref<1600xf32, #tpu.memory_space<vmem>> -> memref<320xf32, #tpu.memory_space<vmem>>
        %dma_start3A_87 = tpu.memref_slice %arg2[%add3A_29] : memref<10000xf32, #tpu.memory_space<hbm>> -> memref<320xf32, #tpu.memory_space<hbm>>
        %dma_start3A_88 = arith.constant 0 : i32
        %dma_start3A_89 = tpu.memref_slice %arg13[%dma_start3A_88] : memref<1600xf32, #tpu.memory_space<vmem>> -> memref<320xf32, #tpu.memory_space<vmem>>
        %dma_start3A_90 = tpu.memref_slice %arg2[%add3A_29] : memref<10000xf32, #tpu.memory_space<hbm>> -> memref<320xf32, #tpu.memory_space<hbm>>
        tpu.enqueue_dma source(%dma_start3A_90 : memref<320xf32, #tpu.memory_space<hbm>>) target(%dma_start3A_89 : memref<320xf32, #tpu.memory_space<vmem>>) target_semaphore(%run_scoped3A_85 : memref<!tpu.dma_semaphore, #tpu.memory_space<semaphore_mem>>)
        %dma_wait3A = arith.constant 0 : i32
        %dma_wait3A_91 = tpu.memref_slice %arg13[%dma_wait3A] : memref<1600xf32, #tpu.memory_space<vmem>> -> memref<320xf32, #tpu.memory_space<vmem>>
        %dma_wait3A_92 = tpu.memref_slice %arg2[%add3A_29] : memref<10000xf32, #tpu.memory_space<hbm>> -> memref<320xf32, #tpu.memory_space<hbm>>
        %dma_wait3A_93 = arith.constant 0 : i32
        %dma_wait3A_94 = tpu.memref_slice %arg13[%dma_wait3A_93] : memref<1600xf32, #tpu.memory_space<vmem>> -> memref<320xf32, #tpu.memory_space<vmem>>
        %dma_wait3A_95 = tpu.memref_slice %arg2[%add3A_29] : memref<10000xf32, #tpu.memory_space<hbm>> -> memref<320xf32, #tpu.memory_space<hbm>>
        tpu.wait_dma2 semaphore(%run_scoped3A_85 : memref<!tpu.dma_semaphore, #tpu.memory_space<semaphore_mem>>) src(%dma_wait3A_95 : memref<320xf32, #tpu.memory_space<hbm>>) dst(%dma_wait3A_94 : memref<320xf32, #tpu.memory_space<vmem>>)
        tpu.yield
      }) : () -> ()
      "tpu.region"() ({
        %run_scoped3A_85 = tpu.sem_alloc : memref<!tpu.dma_semaphore, #tpu.memory_space<semaphore_mem>>
        %dma_start3A = arith.constant 320 : i32
        %dma_start3A_86 = tpu.memref_slice %arg13[%dma_start3A] : memref<1600xf32, #tpu.memory_space<vmem>> -> memref<320xf32, #tpu.memory_space<vmem>>
        %dma_start3A_87 = tpu.memref_slice %arg3[%add3A_29] : memref<10000xf32, #tpu.memory_space<hbm>> -> memref<320xf32, #tpu.memory_space<hbm>>
        %dma_start3A_88 = arith.constant 320 : i32
        %dma_start3A_89 = tpu.memref_slice %arg13[%dma_start3A_88] : memref<1600xf32, #tpu.memory_space<vmem>> -> memref<320xf32, #tpu.memory_space<vmem>>
        %dma_start3A_90 = tpu.memref_slice %arg3[%add3A_29] : memref<10000xf32, #tpu.memory_space<hbm>> -> memref<320xf32, #tpu.memory_space<hbm>>
        tpu.enqueue_dma source(%dma_start3A_90 : memref<320xf32, #tpu.memory_space<hbm>>) target(%dma_start3A_89 : memref<320xf32, #tpu.memory_space<vmem>>) target_semaphore(%run_scoped3A_85 : memref<!tpu.dma_semaphore, #tpu.memory_space<semaphore_mem>>)
        %dma_wait3A = arith.constant 320 : i32
        %dma_wait3A_91 = tpu.memref_slice %arg13[%dma_wait3A] : memref<1600xf32, #tpu.memory_space<vmem>> -> memref<320xf32, #tpu.memory_space<vmem>>
        %dma_wait3A_92 = tpu.memref_slice %arg3[%add3A_29] : memref<10000xf32, #tpu.memory_space<hbm>> -> memref<320xf32, #tpu.memory_space<hbm>>
        %dma_wait3A_93 = arith.constant 320 : i32
        %dma_wait3A_94 = tpu.memref_slice %arg13[%dma_wait3A_93] : memref<1600xf32, #tpu.memory_space<vmem>> -> memref<320xf32, #tpu.memory_space<vmem>>
        %dma_wait3A_95 = tpu.memref_slice %arg3[%add3A_29] : memref<10000xf32, #tpu.memory_space<hbm>> -> memref<320xf32, #tpu.memory_space<hbm>>
        tpu.wait_dma2 semaphore(%run_scoped3A_85 : memref<!tpu.dma_semaphore, #tpu.memory_space<semaphore_mem>>) src(%dma_wait3A_95 : memref<320xf32, #tpu.memory_space<hbm>>) dst(%dma_wait3A_94 : memref<320xf32, #tpu.memory_space<vmem>>)
        tpu.yield
      }) : () -> ()
      "tpu.region"() ({
        %run_scoped3A_85 = tpu.sem_alloc : memref<!tpu.dma_semaphore, #tpu.memory_space<semaphore_mem>>
        %dma_start3A = arith.constant 640 : i32
        %dma_start3A_86 = tpu.memref_slice %arg13[%dma_start3A] : memref<1600xf32, #tpu.memory_space<vmem>> -> memref<320xf32, #tpu.memory_space<vmem>>
        %dma_start3A_87 = tpu.memref_slice %arg4[%add3A_29] : memref<10000xf32, #tpu.memory_space<hbm>> -> memref<320xf32, #tpu.memory_space<hbm>>
        %dma_start3A_88 = arith.constant 640 : i32
        %dma_start3A_89 = tpu.memref_slice %arg13[%dma_start3A_88] : memref<1600xf32, #tpu.memory_space<vmem>> -> memref<320xf32, #tpu.memory_space<vmem>>
        %dma_start3A_90 = tpu.memref_slice %arg4[%add3A_29] : memref<10000xf32, #tpu.memory_space<hbm>> -> memref<320xf32, #tpu.memory_space<hbm>>
        tpu.enqueue_dma source(%dma_start3A_90 : memref<320xf32, #tpu.memory_space<hbm>>) target(%dma_start3A_89 : memref<320xf32, #tpu.memory_space<vmem>>) target_semaphore(%run_scoped3A_85 : memref<!tpu.dma_semaphore, #tpu.memory_space<semaphore_mem>>)
        %dma_wait3A = arith.constant 640 : i32
        %dma_wait3A_91 = tpu.memref_slice %arg13[%dma_wait3A] : memref<1600xf32, #tpu.memory_space<vmem>> -> memref<320xf32, #tpu.memory_space<vmem>>
        %dma_wait3A_92 = tpu.memref_slice %arg4[%add3A_29] : memref<10000xf32, #tpu.memory_space<hbm>> -> memref<320xf32, #tpu.memory_space<hbm>>
        %dma_wait3A_93 = arith.constant 640 : i32
        %dma_wait3A_94 = tpu.memref_slice %arg13[%dma_wait3A_93] : memref<1600xf32, #tpu.memory_space<vmem>> -> memref<320xf32, #tpu.memory_space<vmem>>
        %dma_wait3A_95 = tpu.memref_slice %arg4[%add3A_29] : memref<10000xf32, #tpu.memory_space<hbm>> -> memref<320xf32, #tpu.memory_space<hbm>>
        tpu.wait_dma2 semaphore(%run_scoped3A_85 : memref<!tpu.dma_semaphore, #tpu.memory_space<semaphore_mem>>) src(%dma_wait3A_95 : memref<320xf32, #tpu.memory_space<hbm>>) dst(%dma_wait3A_94 : memref<320xf32, #tpu.memory_space<vmem>>)
        tpu.yield
      }) : () -> ()
      "tpu.region"() ({
        %run_scoped3A_85 = tpu.sem_alloc : memref<!tpu.dma_semaphore, #tpu.memory_space<semaphore_mem>>
        %dma_start3A = arith.constant 960 : i32
        %dma_start3A_86 = tpu.memref_slice %arg13[%dma_start3A] : memref<1600xf32, #tpu.memory_space<vmem>> -> memref<320xf32, #tpu.memory_space<vmem>>
        %dma_start3A_87 = tpu.memref_slice %arg5[%add3A_29] : memref<10000xf32, #tpu.memory_space<hbm>> -> memref<320xf32, #tpu.memory_space<hbm>>
        %dma_start3A_88 = arith.constant 960 : i32
        %dma_start3A_89 = tpu.memref_slice %arg13[%dma_start3A_88] : memref<1600xf32, #tpu.memory_space<vmem>> -> memref<320xf32, #tpu.memory_space<vmem>>
        %dma_start3A_90 = tpu.memref_slice %arg5[%add3A_29] : memref<10000xf32, #tpu.memory_space<hbm>> -> memref<320xf32, #tpu.memory_space<hbm>>
        tpu.enqueue_dma source(%dma_start3A_90 : memref<320xf32, #tpu.memory_space<hbm>>) target(%dma_start3A_89 : memref<320xf32, #tpu.memory_space<vmem>>) target_semaphore(%run_scoped3A_85 : memref<!tpu.dma_semaphore, #tpu.memory_space<semaphore_mem>>)
        %dma_wait3A = arith.constant 960 : i32
        %dma_wait3A_91 = tpu.memref_slice %arg13[%dma_wait3A] : memref<1600xf32, #tpu.memory_space<vmem>> -> memref<320xf32, #tpu.memory_space<vmem>>
        %dma_wait3A_92 = tpu.memref_slice %arg5[%add3A_29] : memref<10000xf32, #tpu.memory_space<hbm>> -> memref<320xf32, #tpu.memory_space<hbm>>
        %dma_wait3A_93 = arith.constant 960 : i32
        %dma_wait3A_94 = tpu.memref_slice %arg13[%dma_wait3A_93] : memref<1600xf32, #tpu.memory_space<vmem>> -> memref<320xf32, #tpu.memory_space<vmem>>
        %dma_wait3A_95 = tpu.memref_slice %arg5[%add3A_29] : memref<10000xf32, #tpu.memory_space<hbm>> -> memref<320xf32, #tpu.memory_space<hbm>>
        tpu.wait_dma2 semaphore(%run_scoped3A_85 : memref<!tpu.dma_semaphore, #tpu.memory_space<semaphore_mem>>) src(%dma_wait3A_95 : memref<320xf32, #tpu.memory_space<hbm>>) dst(%dma_wait3A_94 : memref<320xf32, #tpu.memory_space<vmem>>)
        tpu.yield
      }) : () -> ()
      "tpu.region"() ({
        %run_scoped3A_85 = tpu.sem_alloc : memref<!tpu.dma_semaphore, #tpu.memory_space<semaphore_mem>>
        %dma_start3A = arith.constant 1280 : i32
        %dma_start3A_86 = tpu.memref_slice %arg13[%dma_start3A] : memref<1600xf32, #tpu.memory_space<vmem>> -> memref<320xf32, #tpu.memory_space<vmem>>
        %dma_start3A_87 = tpu.memref_slice %arg6[%add3A_29] : memref<10000xf32, #tpu.memory_space<hbm>> -> memref<320xf32, #tpu.memory_space<hbm>>
        %dma_start3A_88 = arith.constant 1280 : i32
        %dma_start3A_89 = tpu.memref_slice %arg13[%dma_start3A_88] : memref<1600xf32, #tpu.memory_space<vmem>> -> memref<320xf32, #tpu.memory_space<vmem>>
        %dma_start3A_90 = tpu.memref_slice %arg6[%add3A_29] : memref<10000xf32, #tpu.memory_space<hbm>> -> memref<320xf32, #tpu.memory_space<hbm>>
        tpu.enqueue_dma source(%dma_start3A_90 : memref<320xf32, #tpu.memory_space<hbm>>) target(%dma_start3A_89 : memref<320xf32, #tpu.memory_space<vmem>>) target_semaphore(%run_scoped3A_85 : memref<!tpu.dma_semaphore, #tpu.memory_space<semaphore_mem>>)
        %dma_wait3A = arith.constant 1280 : i32
        %dma_wait3A_91 = tpu.memref_slice %arg13[%dma_wait3A] : memref<1600xf32, #tpu.memory_space<vmem>> -> memref<320xf32, #tpu.memory_space<vmem>>
        %dma_wait3A_92 = tpu.memref_slice %arg6[%add3A_29] : memref<10000xf32, #tpu.memory_space<hbm>> -> memref<320xf32, #tpu.memory_space<hbm>>
        %dma_wait3A_93 = arith.constant 1280 : i32
        %dma_wait3A_94 = tpu.memref_slice %arg13[%dma_wait3A_93] : memref<1600xf32, #tpu.memory_space<vmem>> -> memref<320xf32, #tpu.memory_space<vmem>>
        %dma_wait3A_95 = tpu.memref_slice %arg6[%add3A_29] : memref<10000xf32, #tpu.memory_space<hbm>> -> memref<320xf32, #tpu.memory_space<hbm>>
        tpu.wait_dma2 semaphore(%run_scoped3A_85 : memref<!tpu.dma_semaphore, #tpu.memory_space<semaphore_mem>>) src(%dma_wait3A_95 : memref<320xf32, #tpu.memory_space<hbm>>) dst(%dma_wait3A_94 : memref<320xf32, #tpu.memory_space<vmem>>)
        tpu.yield
      }) : () -> ()
    } else {
    }
    %add3A_34 = arith.constant 320 : i32
    %add3A_35 = arith.addi %add3A_29, %add3A_34 : i32
    %gt3A = arith.constant 10000 : i32
    %gt3A_36 = arith.cmpi sgt, %add3A_35, %gt3A : i32
    %convert_element_type3A_37 = arith.extui %gt3A_36 : i1 to i32
    %cond3A_38 = arith.constant 0 : i32
    %cond3A_39 = arith.cmpi ne, %convert_element_type3A_37, %cond3A_38 : i32
    scf.if %cond3A_39 {
      "tpu.region"() ({
        %run_scoped3A_85 = tpu.sem_alloc : memref<!tpu.dma_semaphore, #tpu.memory_space<semaphore_mem>>
        %dma_start3A = arith.constant 0 : i32
        %dma_start3A_86 = tpu.memref_slice %arg13[%dma_start3A] : memref<1600xf32, #tpu.memory_space<vmem>> -> memref<80xf32, #tpu.memory_space<vmem>>
        %dma_start3A_87 = tpu.memref_slice %arg2[%add3A_29] : memref<10000xf32, #tpu.memory_space<hbm>> -> memref<80xf32, #tpu.memory_space<hbm>>
        %dma_start3A_88 = arith.constant 0 : i32
        %dma_start3A_89 = tpu.memref_slice %arg13[%dma_start3A_88] : memref<1600xf32, #tpu.memory_space<vmem>> -> memref<80xf32, #tpu.memory_space<vmem>>
        %dma_start3A_90 = tpu.memref_slice %arg2[%add3A_29] : memref<10000xf32, #tpu.memory_space<hbm>> -> memref<80xf32, #tpu.memory_space<hbm>>
        tpu.enqueue_dma source(%dma_start3A_90 : memref<80xf32, #tpu.memory_space<hbm>>) target(%dma_start3A_89 : memref<80xf32, #tpu.memory_space<vmem>>) target_semaphore(%run_scoped3A_85 : memref<!tpu.dma_semaphore, #tpu.memory_space<semaphore_mem>>)
        %dma_wait3A = arith.constant 0 : i32
        %dma_wait3A_91 = tpu.memref_slice %arg13[%dma_wait3A] : memref<1600xf32, #tpu.memory_space<vmem>> -> memref<80xf32, #tpu.memory_space<vmem>>
        %dma_wait3A_92 = tpu.memref_slice %arg2[%add3A_29] : memref<10000xf32, #tpu.memory_space<hbm>> -> memref<80xf32, #tpu.memory_space<hbm>>
        %dma_wait3A_93 = arith.constant 0 : i32
        %dma_wait3A_94 = tpu.memref_slice %arg13[%dma_wait3A_93] : memref<1600xf32, #tpu.memory_space<vmem>> -> memref<80xf32, #tpu.memory_space<vmem>>
        %dma_wait3A_95 = tpu.memref_slice %arg2[%add3A_29] : memref<10000xf32, #tpu.memory_space<hbm>> -> memref<80xf32, #tpu.memory_space<hbm>>
        tpu.wait_dma2 semaphore(%run_scoped3A_85 : memref<!tpu.dma_semaphore, #tpu.memory_space<semaphore_mem>>) src(%dma_wait3A_95 : memref<80xf32, #tpu.memory_space<hbm>>) dst(%dma_wait3A_94 : memref<80xf32, #tpu.memory_space<vmem>>)
        tpu.yield
      }) : () -> ()
      "tpu.region"() ({
        %run_scoped3A_85 = tpu.sem_alloc : memref<!tpu.dma_semaphore, #tpu.memory_space<semaphore_mem>>
        %dma_start3A = arith.constant 320 : i32
        %dma_start3A_86 = tpu.memref_slice %arg13[%dma_start3A] : memref<1600xf32, #tpu.memory_space<vmem>> -> memref<80xf32, #tpu.memory_space<vmem>>
        %dma_start3A_87 = tpu.memref_slice %arg3[%add3A_29] : memref<10000xf32, #tpu.memory_space<hbm>> -> memref<80xf32, #tpu.memory_space<hbm>>
        %dma_start3A_88 = arith.constant 320 : i32
        %dma_start3A_89 = tpu.memref_slice %arg13[%dma_start3A_88] : memref<1600xf32, #tpu.memory_space<vmem>> -> memref<80xf32, #tpu.memory_space<vmem>>
        %dma_start3A_90 = tpu.memref_slice %arg3[%add3A_29] : memref<10000xf32, #tpu.memory_space<hbm>> -> memref<80xf32, #tpu.memory_space<hbm>>
        tpu.enqueue_dma source(%dma_start3A_90 : memref<80xf32, #tpu.memory_space<hbm>>) target(%dma_start3A_89 : memref<80xf32, #tpu.memory_space<vmem>>) target_semaphore(%run_scoped3A_85 : memref<!tpu.dma_semaphore, #tpu.memory_space<semaphore_mem>>)
        %dma_wait3A = arith.constant 320 : i32
        %dma_wait3A_91 = tpu.memref_slice %arg13[%dma_wait3A] : memref<1600xf32, #tpu.memory_space<vmem>> -> memref<80xf32, #tpu.memory_space<vmem>>
        %dma_wait3A_92 = tpu.memref_slice %arg3[%add3A_29] : memref<10000xf32, #tpu.memory_space<hbm>> -> memref<80xf32, #tpu.memory_space<hbm>>
        %dma_wait3A_93 = arith.constant 320 : i32
        %dma_wait3A_94 = tpu.memref_slice %arg13[%dma_wait3A_93] : memref<1600xf32, #tpu.memory_space<vmem>> -> memref<80xf32, #tpu.memory_space<vmem>>
        %dma_wait3A_95 = tpu.memref_slice %arg3[%add3A_29] : memref<10000xf32, #tpu.memory_space<hbm>> -> memref<80xf32, #tpu.memory_space<hbm>>
        tpu.wait_dma2 semaphore(%run_scoped3A_85 : memref<!tpu.dma_semaphore, #tpu.memory_space<semaphore_mem>>) src(%dma_wait3A_95 : memref<80xf32, #tpu.memory_space<hbm>>) dst(%dma_wait3A_94 : memref<80xf32, #tpu.memory_space<vmem>>)
        tpu.yield
      }) : () -> ()
      "tpu.region"() ({
        %run_scoped3A_85 = tpu.sem_alloc : memref<!tpu.dma_semaphore, #tpu.memory_space<semaphore_mem>>
        %dma_start3A = arith.constant 640 : i32
        %dma_start3A_86 = tpu.memref_slice %arg13[%dma_start3A] : memref<1600xf32, #tpu.memory_space<vmem>> -> memref<80xf32, #tpu.memory_space<vmem>>
        %dma_start3A_87 = tpu.memref_slice %arg4[%add3A_29] : memref<10000xf32, #tpu.memory_space<hbm>> -> memref<80xf32, #tpu.memory_space<hbm>>
        %dma_start3A_88 = arith.constant 640 : i32
        %dma_start3A_89 = tpu.memref_slice %arg13[%dma_start3A_88] : memref<1600xf32, #tpu.memory_space<vmem>> -> memref<80xf32, #tpu.memory_space<vmem>>
        %dma_start3A_90 = tpu.memref_slice %arg4[%add3A_29] : memref<10000xf32, #tpu.memory_space<hbm>> -> memref<80xf32, #tpu.memory_space<hbm>>
        tpu.enqueue_dma source(%dma_start3A_90 : memref<80xf32, #tpu.memory_space<hbm>>) target(%dma_start3A_89 : memref<80xf32, #tpu.memory_space<vmem>>) target_semaphore(%run_scoped3A_85 : memref<!tpu.dma_semaphore, #tpu.memory_space<semaphore_mem>>)
        %dma_wait3A = arith.constant 640 : i32
        %dma_wait3A_91 = tpu.memref_slice %arg13[%dma_wait3A] : memref<1600xf32, #tpu.memory_space<vmem>> -> memref<80xf32, #tpu.memory_space<vmem>>
        %dma_wait3A_92 = tpu.memref_slice %arg4[%add3A_29] : memref<10000xf32, #tpu.memory_space<hbm>> -> memref<80xf32, #tpu.memory_space<hbm>>
        %dma_wait3A_93 = arith.constant 640 : i32
        %dma_wait3A_94 = tpu.memref_slice %arg13[%dma_wait3A_93] : memref<1600xf32, #tpu.memory_space<vmem>> -> memref<80xf32, #tpu.memory_space<vmem>>
        %dma_wait3A_95 = tpu.memref_slice %arg4[%add3A_29] : memref<10000xf32, #tpu.memory_space<hbm>> -> memref<80xf32, #tpu.memory_space<hbm>>
        tpu.wait_dma2 semaphore(%run_scoped3A_85 : memref<!tpu.dma_semaphore, #tpu.memory_space<semaphore_mem>>) src(%dma_wait3A_95 : memref<80xf32, #tpu.memory_space<hbm>>) dst(%dma_wait3A_94 : memref<80xf32, #tpu.memory_space<vmem>>)
        tpu.yield
      }) : () -> ()
      "tpu.region"() ({
        %run_scoped3A_85 = tpu.sem_alloc : memref<!tpu.dma_semaphore, #tpu.memory_space<semaphore_mem>>
        %dma_start3A = arith.constant 960 : i32
        %dma_start3A_86 = tpu.memref_slice %arg13[%dma_start3A] : memref<1600xf32, #tpu.memory_space<vmem>> -> memref<80xf32, #tpu.memory_space<vmem>>
        %dma_start3A_87 = tpu.memref_slice %arg5[%add3A_29] : memref<10000xf32, #tpu.memory_space<hbm>> -> memref<80xf32, #tpu.memory_space<hbm>>
        %dma_start3A_88 = arith.constant 960 : i32
        %dma_start3A_89 = tpu.memref_slice %arg13[%dma_start3A_88] : memref<1600xf32, #tpu.memory_space<vmem>> -> memref<80xf32, #tpu.memory_space<vmem>>
        %dma_start3A_90 = tpu.memref_slice %arg5[%add3A_29] : memref<10000xf32, #tpu.memory_space<hbm>> -> memref<80xf32, #tpu.memory_space<hbm>>
        tpu.enqueue_dma source(%dma_start3A_90 : memref<80xf32, #tpu.memory_space<hbm>>) target(%dma_start3A_89 : memref<80xf32, #tpu.memory_space<vmem>>) target_semaphore(%run_scoped3A_85 : memref<!tpu.dma_semaphore, #tpu.memory_space<semaphore_mem>>)
        %dma_wait3A = arith.constant 960 : i32
        %dma_wait3A_91 = tpu.memref_slice %arg13[%dma_wait3A] : memref<1600xf32, #tpu.memory_space<vmem>> -> memref<80xf32, #tpu.memory_space<vmem>>
        %dma_wait3A_92 = tpu.memref_slice %arg5[%add3A_29] : memref<10000xf32, #tpu.memory_space<hbm>> -> memref<80xf32, #tpu.memory_space<hbm>>
        %dma_wait3A_93 = arith.constant 960 : i32
        %dma_wait3A_94 = tpu.memref_slice %arg13[%dma_wait3A_93] : memref<1600xf32, #tpu.memory_space<vmem>> -> memref<80xf32, #tpu.memory_space<vmem>>
        %dma_wait3A_95 = tpu.memref_slice %arg5[%add3A_29] : memref<10000xf32, #tpu.memory_space<hbm>> -> memref<80xf32, #tpu.memory_space<hbm>>
        tpu.wait_dma2 semaphore(%run_scoped3A_85 : memref<!tpu.dma_semaphore, #tpu.memory_space<semaphore_mem>>) src(%dma_wait3A_95 : memref<80xf32, #tpu.memory_space<hbm>>) dst(%dma_wait3A_94 : memref<80xf32, #tpu.memory_space<vmem>>)
        tpu.yield
      }) : () -> ()
      "tpu.region"() ({
        %run_scoped3A_85 = tpu.sem_alloc : memref<!tpu.dma_semaphore, #tpu.memory_space<semaphore_mem>>
        %dma_start3A = arith.constant 1280 : i32
        %dma_start3A_86 = tpu.memref_slice %arg13[%dma_start3A] : memref<1600xf32, #tpu.memory_space<vmem>> -> memref<80xf32, #tpu.memory_space<vmem>>
        %dma_start3A_87 = tpu.memref_slice %arg6[%add3A_29] : memref<10000xf32, #tpu.memory_space<hbm>> -> memref<80xf32, #tpu.memory_space<hbm>>
        %dma_start3A_88 = arith.constant 1280 : i32
        %dma_start3A_89 = tpu.memref_slice %arg13[%dma_start3A_88] : memref<1600xf32, #tpu.memory_space<vmem>> -> memref<80xf32, #tpu.memory_space<vmem>>
        %dma_start3A_90 = tpu.memref_slice %arg6[%add3A_29] : memref<10000xf32, #tpu.memory_space<hbm>> -> memref<80xf32, #tpu.memory_space<hbm>>
        tpu.enqueue_dma source(%dma_start3A_90 : memref<80xf32, #tpu.memory_space<hbm>>) target(%dma_start3A_89 : memref<80xf32, #tpu.memory_space<vmem>>) target_semaphore(%run_scoped3A_85 : memref<!tpu.dma_semaphore, #tpu.memory_space<semaphore_mem>>)
        %dma_wait3A = arith.constant 1280 : i32
        %dma_wait3A_91 = tpu.memref_slice %arg13[%dma_wait3A] : memref<1600xf32, #tpu.memory_space<vmem>> -> memref<80xf32, #tpu.memory_space<vmem>>
        %dma_wait3A_92 = tpu.memref_slice %arg6[%add3A_29] : memref<10000xf32, #tpu.memory_space<hbm>> -> memref<80xf32, #tpu.memory_space<hbm>>
        %dma_wait3A_93 = arith.constant 1280 : i32
        %dma_wait3A_94 = tpu.memref_slice %arg13[%dma_wait3A_93] : memref<1600xf32, #tpu.memory_space<vmem>> -> memref<80xf32, #tpu.memory_space<vmem>>
        %dma_wait3A_95 = tpu.memref_slice %arg6[%add3A_29] : memref<10000xf32, #tpu.memory_space<hbm>> -> memref<80xf32, #tpu.memory_space<hbm>>
        tpu.wait_dma2 semaphore(%run_scoped3A_85 : memref<!tpu.dma_semaphore, #tpu.memory_space<semaphore_mem>>) src(%dma_wait3A_95 : memref<80xf32, #tpu.memory_space<hbm>>) dst(%dma_wait3A_94 : memref<80xf32, #tpu.memory_space<vmem>>)
        tpu.yield
      }) : () -> ()
    } else {
    }
    %barrier3A = arith.constant 0 : index
    tpu.barrier barrier_id(%barrier3A)
    %run_scoped3A = arith.constant 0 : i32
    %run_scoped3A_40 = arith.constant 0 : i32
    "tpu.region"() ({
      %run_scoped3A_85 = tpu.sem_alloc : memref<!tpu.dma_semaphore, #tpu.memory_space<semaphore_mem>>
      %dma_start3A = arith.constant 0 : i32
      %dma_start3A_86 = tpu.memref_slice %arg12[%run_scoped3A_40, %dma_start3A] : memref<16x320xi32, #tpu.memory_space<vmem>> -> memref<1x320xi32, #tpu.memory_space<vmem>>
      %dma_start3A_87 = tpu.memref_squeeze %dma_start3A_86 : memref<1x320xi32, #tpu.memory_space<vmem>> -> memref<320xi32, #tpu.memory_space<vmem>>
      %dma_start3A_88 = tpu.memref_slice %arg17[%run_scoped3A, %add3A_29] : memref<16x10240xi32, #tpu.memory_space<vmem_shared>> -> memref<1x320xi32, #tpu.memory_space<vmem_shared>>
      %dma_start3A_89 = tpu.memref_squeeze %dma_start3A_88 : memref<1x320xi32, #tpu.memory_space<vmem_shared>> -> memref<320xi32, #tpu.memory_space<vmem_shared>>
      %dma_start3A_90 = arith.constant 0 : i32
      %dma_start3A_91 = tpu.memref_slice %arg12[%run_scoped3A_40, %dma_start3A_90] : memref<16x320xi32, #tpu.memory_space<vmem>> -> memref<1x320xi32, #tpu.memory_space<vmem>>
      %dma_start3A_92 = tpu.memref_squeeze %dma_start3A_91 : memref<1x320xi32, #tpu.memory_space<vmem>> -> memref<320xi32, #tpu.memory_space<vmem>>
      %dma_start3A_93 = tpu.memref_slice %arg17[%run_scoped3A, %add3A_29] : memref<16x10240xi32, #tpu.memory_space<vmem_shared>> -> memref<1x320xi32, #tpu.memory_space<vmem_shared>>
      %dma_start3A_94 = tpu.memref_squeeze %dma_start3A_93 : memref<1x320xi32, #tpu.memory_space<vmem_shared>> -> memref<320xi32, #tpu.memory_space<vmem_shared>>
      tpu.enqueue_dma source(%dma_start3A_94 : memref<320xi32, #tpu.memory_space<vmem_shared>>) target(%dma_start3A_92 : memref<320xi32, #tpu.memory_space<vmem>>) target_semaphore(%run_scoped3A_85 : memref<!tpu.dma_semaphore, #tpu.memory_space<semaphore_mem>>)
      %dma_wait3A = arith.constant 0 : i32
      %dma_wait3A_95 = tpu.memref_slice %arg12[%run_scoped3A_40, %dma_wait3A] : memref<16x320xi32, #tpu.memory_space<vmem>> -> memref<1x320xi32, #tpu.memory_space<vmem>>
      %dma_wait3A_96 = tpu.memref_squeeze %dma_wait3A_95 : memref<1x320xi32, #tpu.memory_space<vmem>> -> memref<320xi32, #tpu.memory_space<vmem>>
      %dma_wait3A_97 = tpu.memref_slice %arg17[%run_scoped3A, %add3A_29] : memref<16x10240xi32, #tpu.memory_space<vmem_shared>> -> memref<1x320xi32, #tpu.memory_space<vmem_shared>>
      %dma_wait3A_98 = tpu.memref_squeeze %dma_wait3A_97 : memref<1x320xi32, #tpu.memory_space<vmem_shared>> -> memref<320xi32, #tpu.memory_space<vmem_shared>>
      %dma_wait3A_99 = arith.constant 0 : i32
      %dma_wait3A_100 = tpu.memref_slice %arg12[%run_scoped3A_40, %dma_wait3A_99] : memref<16x320xi32, #tpu.memory_space<vmem>> -> memref<1x320xi32, #tpu.memory_space<vmem>>
      %dma_wait3A_101 = tpu.memref_squeeze %dma_wait3A_100 : memref<1x320xi32, #tpu.memory_space<vmem>> -> memref<320xi32, #tpu.memory_space<vmem>>
      %dma_wait3A_102 = tpu.memref_slice %arg17[%run_scoped3A, %add3A_29] : memref<16x10240xi32, #tpu.memory_space<vmem_shared>> -> memref<1x320xi32, #tpu.memory_space<vmem_shared>>
      %dma_wait3A_103 = tpu.memref_squeeze %dma_wait3A_102 : memref<1x320xi32, #tpu.memory_space<vmem_shared>> -> memref<320xi32, #tpu.memory_space<vmem_shared>>
      tpu.wait_dma2 semaphore(%run_scoped3A_85 : memref<!tpu.dma_semaphore, #tpu.memory_space<semaphore_mem>>) src(%dma_wait3A_103 : memref<320xi32, #tpu.memory_space<vmem_shared>>) dst(%dma_wait3A_101 : memref<320xi32, #tpu.memory_space<vmem>>)
      tpu.yield
    }) : () -> ()
    %run_scoped3A_41 = arith.constant 1 : i32
    %run_scoped3A_42 = arith.constant 1 : i32
    "tpu.region"() ({
      %run_scoped3A_85 = tpu.sem_alloc : memref<!tpu.dma_semaphore, #tpu.memory_space<semaphore_mem>>
      %dma_start3A = arith.constant 0 : i32
      %dma_start3A_86 = tpu.memref_slice %arg12[%run_scoped3A_42, %dma_start3A] : memref<16x320xi32, #tpu.memory_space<vmem>> -> memref<1x320xi32, #tpu.memory_space<vmem>>
      %dma_start3A_87 = tpu.memref_squeeze %dma_start3A_86 : memref<1x320xi32, #tpu.memory_space<vmem>> -> memref<320xi32, #tpu.memory_space<vmem>>
      %dma_start3A_88 = tpu.memref_slice %arg17[%run_scoped3A_41, %add3A_29] : memref<16x10240xi32, #tpu.memory_space<vmem_shared>> -> memref<1x320xi32, #tpu.memory_space<vmem_shared>>
      %dma_start3A_89 = tpu.memref_squeeze %dma_start3A_88 : memref<1x320xi32, #tpu.memory_space<vmem_shared>> -> memref<320xi32, #tpu.memory_space<vmem_shared>>
      %dma_start3A_90 = arith.constant 0 : i32
      %dma_start3A_91 = tpu.memref_slice %arg12[%run_scoped3A_42, %dma_start3A_90] : memref<16x320xi32, #tpu.memory_space<vmem>> -> memref<1x320xi32, #tpu.memory_space<vmem>>
      %dma_start3A_92 = tpu.memref_squeeze %dma_start3A_91 : memref<1x320xi32, #tpu.memory_space<vmem>> -> memref<320xi32, #tpu.memory_space<vmem>>
      %dma_start3A_93 = tpu.memref_slice %arg17[%run_scoped3A_41, %add3A_29] : memref<16x10240xi32, #tpu.memory_space<vmem_shared>> -> memref<1x320xi32, #tpu.memory_space<vmem_shared>>
      %dma_start3A_94 = tpu.memref_squeeze %dma_start3A_93 : memref<1x320xi32, #tpu.memory_space<vmem_shared>> -> memref<320xi32, #tpu.memory_space<vmem_shared>>
      tpu.enqueue_dma source(%dma_start3A_94 : memref<320xi32, #tpu.memory_space<vmem_shared>>) target(%dma_start3A_92 : memref<320xi32, #tpu.memory_space<vmem>>) target_semaphore(%run_scoped3A_85 : memref<!tpu.dma_semaphore, #tpu.memory_space<semaphore_mem>>)
      %dma_wait3A = arith.constant 0 : i32
      %dma_wait3A_95 = tpu.memref_slice %arg12[%run_scoped3A_42, %dma_wait3A] : memref<16x320xi32, #tpu.memory_space<vmem>> -> memref<1x320xi32, #tpu.memory_space<vmem>>
      %dma_wait3A_96 = tpu.memref_squeeze %dma_wait3A_95 : memref<1x320xi32, #tpu.memory_space<vmem>> -> memref<320xi32, #tpu.memory_space<vmem>>
      %dma_wait3A_97 = tpu.memref_slice %arg17[%run_scoped3A_41, %add3A_29] : memref<16x10240xi32, #tpu.memory_space<vmem_shared>> -> memref<1x320xi32, #tpu.memory_space<vmem_shared>>
      %dma_wait3A_98 = tpu.memref_squeeze %dma_wait3A_97 : memref<1x320xi32, #tpu.memory_space<vmem_shared>> -> memref<320xi32, #tpu.memory_space<vmem_shared>>
      %dma_wait3A_99 = arith.constant 0 : i32
      %dma_wait3A_100 = tpu.memref_slice %arg12[%run_scoped3A_42, %dma_wait3A_99] : memref<16x320xi32, #tpu.memory_space<vmem>> -> memref<1x320xi32, #tpu.memory_space<vmem>>
      %dma_wait3A_101 = tpu.memref_squeeze %dma_wait3A_100 : memref<1x320xi32, #tpu.memory_space<vmem>> -> memref<320xi32, #tpu.memory_space<vmem>>
      %dma_wait3A_102 = tpu.memref_slice %arg17[%run_scoped3A_41, %add3A_29] : memref<16x10240xi32, #tpu.memory_space<vmem_shared>> -> memref<1x320xi32, #tpu.memory_space<vmem_shared>>
      %dma_wait3A_103 = tpu.memref_squeeze %dma_wait3A_102 : memref<1x320xi32, #tpu.memory_space<vmem_shared>> -> memref<320xi32, #tpu.memory_space<vmem_shared>>
      tpu.wait_dma2 semaphore(%run_scoped3A_85 : memref<!tpu.dma_semaphore, #tpu.memory_space<semaphore_mem>>) src(%dma_wait3A_103 : memref<320xi32, #tpu.memory_space<vmem_shared>>) dst(%dma_wait3A_101 : memref<320xi32, #tpu.memory_space<vmem>>)
      tpu.yield
    }) : () -> ()
    %run_scoped3A_43 = arith.constant 2 : i32
    %run_scoped3A_44 = arith.constant 2 : i32
    "tpu.region"() ({
      %run_scoped3A_85 = tpu.sem_alloc : memref<!tpu.dma_semaphore, #tpu.memory_space<semaphore_mem>>
      %dma_start3A = arith.constant 0 : i32
      %dma_start3A_86 = tpu.memref_slice %arg12[%run_scoped3A_44, %dma_start3A] : memref<16x320xi32, #tpu.memory_space<vmem>> -> memref<1x320xi32, #tpu.memory_space<vmem>>
      %dma_start3A_87 = tpu.memref_squeeze %dma_start3A_86 : memref<1x320xi32, #tpu.memory_space<vmem>> -> memref<320xi32, #tpu.memory_space<vmem>>
      %dma_start3A_88 = tpu.memref_slice %arg17[%run_scoped3A_43, %add3A_29] : memref<16x10240xi32, #tpu.memory_space<vmem_shared>> -> memref<1x320xi32, #tpu.memory_space<vmem_shared>>
      %dma_start3A_89 = tpu.memref_squeeze %dma_start3A_88 : memref<1x320xi32, #tpu.memory_space<vmem_shared>> -> memref<320xi32, #tpu.memory_space<vmem_shared>>
      %dma_start3A_90 = arith.constant 0 : i32
      %dma_start3A_91 = tpu.memref_slice %arg12[%run_scoped3A_44, %dma_start3A_90] : memref<16x320xi32, #tpu.memory_space<vmem>> -> memref<1x320xi32, #tpu.memory_space<vmem>>
      %dma_start3A_92 = tpu.memref_squeeze %dma_start3A_91 : memref<1x320xi32, #tpu.memory_space<vmem>> -> memref<320xi32, #tpu.memory_space<vmem>>
      %dma_start3A_93 = tpu.memref_slice %arg17[%run_scoped3A_43, %add3A_29] : memref<16x10240xi32, #tpu.memory_space<vmem_shared>> -> memref<1x320xi32, #tpu.memory_space<vmem_shared>>
      %dma_start3A_94 = tpu.memref_squeeze %dma_start3A_93 : memref<1x320xi32, #tpu.memory_space<vmem_shared>> -> memref<320xi32, #tpu.memory_space<vmem_shared>>
      tpu.enqueue_dma source(%dma_start3A_94 : memref<320xi32, #tpu.memory_space<vmem_shared>>) target(%dma_start3A_92 : memref<320xi32, #tpu.memory_space<vmem>>) target_semaphore(%run_scoped3A_85 : memref<!tpu.dma_semaphore, #tpu.memory_space<semaphore_mem>>)
      %dma_wait3A = arith.constant 0 : i32
      %dma_wait3A_95 = tpu.memref_slice %arg12[%run_scoped3A_44, %dma_wait3A] : memref<16x320xi32, #tpu.memory_space<vmem>> -> memref<1x320xi32, #tpu.memory_space<vmem>>
      %dma_wait3A_96 = tpu.memref_squeeze %dma_wait3A_95 : memref<1x320xi32, #tpu.memory_space<vmem>> -> memref<320xi32, #tpu.memory_space<vmem>>
      %dma_wait3A_97 = tpu.memref_slice %arg17[%run_scoped3A_43, %add3A_29] : memref<16x10240xi32, #tpu.memory_space<vmem_shared>> -> memref<1x320xi32, #tpu.memory_space<vmem_shared>>
      %dma_wait3A_98 = tpu.memref_squeeze %dma_wait3A_97 : memref<1x320xi32, #tpu.memory_space<vmem_shared>> -> memref<320xi32, #tpu.memory_space<vmem_shared>>
      %dma_wait3A_99 = arith.constant 0 : i32
      %dma_wait3A_100 = tpu.memref_slice %arg12[%run_scoped3A_44, %dma_wait3A_99] : memref<16x320xi32, #tpu.memory_space<vmem>> -> memref<1x320xi32, #tpu.memory_space<vmem>>
      %dma_wait3A_101 = tpu.memref_squeeze %dma_wait3A_100 : memref<1x320xi32, #tpu.memory_space<vmem>> -> memref<320xi32, #tpu.memory_space<vmem>>
      %dma_wait3A_102 = tpu.memref_slice %arg17[%run_scoped3A_43, %add3A_29] : memref<16x10240xi32, #tpu.memory_space<vmem_shared>> -> memref<1x320xi32, #tpu.memory_space<vmem_shared>>
      %dma_wait3A_103 = tpu.memref_squeeze %dma_wait3A_102 : memref<1x320xi32, #tpu.memory_space<vmem_shared>> -> memref<320xi32, #tpu.memory_space<vmem_shared>>
      tpu.wait_dma2 semaphore(%run_scoped3A_85 : memref<!tpu.dma_semaphore, #tpu.memory_space<semaphore_mem>>) src(%dma_wait3A_103 : memref<320xi32, #tpu.memory_space<vmem_shared>>) dst(%dma_wait3A_101 : memref<320xi32, #tpu.memory_space<vmem>>)
      tpu.yield
    }) : () -> ()
    %run_scoped3A_45 = arith.constant 3 : i32
    %run_scoped3A_46 = arith.constant 3 : i32
    "tpu.region"() ({
      %run_scoped3A_85 = tpu.sem_alloc : memref<!tpu.dma_semaphore, #tpu.memory_space<semaphore_mem>>
      %dma_start3A = arith.constant 0 : i32
      %dma_start3A_86 = tpu.memref_slice %arg12[%run_scoped3A_46, %dma_start3A] : memref<16x320xi32, #tpu.memory_space<vmem>> -> memref<1x320xi32, #tpu.memory_space<vmem>>
      %dma_start3A_87 = tpu.memref_squeeze %dma_start3A_86 : memref<1x320xi32, #tpu.memory_space<vmem>> -> memref<320xi32, #tpu.memory_space<vmem>>
      %dma_start3A_88 = tpu.memref_slice %arg17[%run_scoped3A_45, %add3A_29] : memref<16x10240xi32, #tpu.memory_space<vmem_shared>> -> memref<1x320xi32, #tpu.memory_space<vmem_shared>>
      %dma_start3A_89 = tpu.memref_squeeze %dma_start3A_88 : memref<1x320xi32, #tpu.memory_space<vmem_shared>> -> memref<320xi32, #tpu.memory_space<vmem_shared>>
      %dma_start3A_90 = arith.constant 0 : i32
      %dma_start3A_91 = tpu.memref_slice %arg12[%run_scoped3A_46, %dma_start3A_90] : memref<16x320xi32, #tpu.memory_space<vmem>> -> memref<1x320xi32, #tpu.memory_space<vmem>>
      %dma_start3A_92 = tpu.memref_squeeze %dma_start3A_91 : memref<1x320xi32, #tpu.memory_space<vmem>> -> memref<320xi32, #tpu.memory_space<vmem>>
      %dma_start3A_93 = tpu.memref_slice %arg17[%run_scoped3A_45, %add3A_29] : memref<16x10240xi32, #tpu.memory_space<vmem_shared>> -> memref<1x320xi32, #tpu.memory_space<vmem_shared>>
      %dma_start3A_94 = tpu.memref_squeeze %dma_start3A_93 : memref<1x320xi32, #tpu.memory_space<vmem_shared>> -> memref<320xi32, #tpu.memory_space<vmem_shared>>
      tpu.enqueue_dma source(%dma_start3A_94 : memref<320xi32, #tpu.memory_space<vmem_shared>>) target(%dma_start3A_92 : memref<320xi32, #tpu.memory_space<vmem>>) target_semaphore(%run_scoped3A_85 : memref<!tpu.dma_semaphore, #tpu.memory_space<semaphore_mem>>)
      %dma_wait3A = arith.constant 0 : i32
      %dma_wait3A_95 = tpu.memref_slice %arg12[%run_scoped3A_46, %dma_wait3A] : memref<16x320xi32, #tpu.memory_space<vmem>> -> memref<1x320xi32, #tpu.memory_space<vmem>>
      %dma_wait3A_96 = tpu.memref_squeeze %dma_wait3A_95 : memref<1x320xi32, #tpu.memory_space<vmem>> -> memref<320xi32, #tpu.memory_space<vmem>>
      %dma_wait3A_97 = tpu.memref_slice %arg17[%run_scoped3A_45, %add3A_29] : memref<16x10240xi32, #tpu.memory_space<vmem_shared>> -> memref<1x320xi32, #tpu.memory_space<vmem_shared>>
      %dma_wait3A_98 = tpu.memref_squeeze %dma_wait3A_97 : memref<1x320xi32, #tpu.memory_space<vmem_shared>> -> memref<320xi32, #tpu.memory_space<vmem_shared>>
      %dma_wait3A_99 = arith.constant 0 : i32
      %dma_wait3A_100 = tpu.memref_slice %arg12[%run_scoped3A_46, %dma_wait3A_99] : memref<16x320xi32, #tpu.memory_space<vmem>> -> memref<1x320xi32, #tpu.memory_space<vmem>>
      %dma_wait3A_101 = tpu.memref_squeeze %dma_wait3A_100 : memref<1x320xi32, #tpu.memory_space<vmem>> -> memref<320xi32, #tpu.memory_space<vmem>>
      %dma_wait3A_102 = tpu.memref_slice %arg17[%run_scoped3A_45, %add3A_29] : memref<16x10240xi32, #tpu.memory_space<vmem_shared>> -> memref<1x320xi32, #tpu.memory_space<vmem_shared>>
      %dma_wait3A_103 = tpu.memref_squeeze %dma_wait3A_102 : memref<1x320xi32, #tpu.memory_space<vmem_shared>> -> memref<320xi32, #tpu.memory_space<vmem_shared>>
      tpu.wait_dma2 semaphore(%run_scoped3A_85 : memref<!tpu.dma_semaphore, #tpu.memory_space<semaphore_mem>>) src(%dma_wait3A_103 : memref<320xi32, #tpu.memory_space<vmem_shared>>) dst(%dma_wait3A_101 : memref<320xi32, #tpu.memory_space<vmem>>)
      tpu.yield
    }) : () -> ()
    %run_scoped3A_47 = arith.constant 4 : i32
    %run_scoped3A_48 = arith.constant 4 : i32
    "tpu.region"() ({
      %run_scoped3A_85 = tpu.sem_alloc : memref<!tpu.dma_semaphore, #tpu.memory_space<semaphore_mem>>
      %dma_start3A = arith.constant 0 : i32
      %dma_start3A_86 = tpu.memref_slice %arg12[%run_scoped3A_48, %dma_start3A] : memref<16x320xi32, #tpu.memory_space<vmem>> -> memref<1x320xi32, #tpu.memory_space<vmem>>
      %dma_start3A_87 = tpu.memref_squeeze %dma_start3A_86 : memref<1x320xi32, #tpu.memory_space<vmem>> -> memref<320xi32, #tpu.memory_space<vmem>>
      %dma_start3A_88 = tpu.memref_slice %arg17[%run_scoped3A_47, %add3A_29] : memref<16x10240xi32, #tpu.memory_space<vmem_shared>> -> memref<1x320xi32, #tpu.memory_space<vmem_shared>>
      %dma_start3A_89 = tpu.memref_squeeze %dma_start3A_88 : memref<1x320xi32, #tpu.memory_space<vmem_shared>> -> memref<320xi32, #tpu.memory_space<vmem_shared>>
      %dma_start3A_90 = arith.constant 0 : i32
      %dma_start3A_91 = tpu.memref_slice %arg12[%run_scoped3A_48, %dma_start3A_90] : memref<16x320xi32, #tpu.memory_space<vmem>> -> memref<1x320xi32, #tpu.memory_space<vmem>>
      %dma_start3A_92 = tpu.memref_squeeze %dma_start3A_91 : memref<1x320xi32, #tpu.memory_space<vmem>> -> memref<320xi32, #tpu.memory_space<vmem>>
      %dma_start3A_93 = tpu.memref_slice %arg17[%run_scoped3A_47, %add3A_29] : memref<16x10240xi32, #tpu.memory_space<vmem_shared>> -> memref<1x320xi32, #tpu.memory_space<vmem_shared>>
      %dma_start3A_94 = tpu.memref_squeeze %dma_start3A_93 : memref<1x320xi32, #tpu.memory_space<vmem_shared>> -> memref<320xi32, #tpu.memory_space<vmem_shared>>
      tpu.enqueue_dma source(%dma_start3A_94 : memref<320xi32, #tpu.memory_space<vmem_shared>>) target(%dma_start3A_92 : memref<320xi32, #tpu.memory_space<vmem>>) target_semaphore(%run_scoped3A_85 : memref<!tpu.dma_semaphore, #tpu.memory_space<semaphore_mem>>)
      %dma_wait3A = arith.constant 0 : i32
      %dma_wait3A_95 = tpu.memref_slice %arg12[%run_scoped3A_48, %dma_wait3A] : memref<16x320xi32, #tpu.memory_space<vmem>> -> memref<1x320xi32, #tpu.memory_space<vmem>>
      %dma_wait3A_96 = tpu.memref_squeeze %dma_wait3A_95 : memref<1x320xi32, #tpu.memory_space<vmem>> -> memref<320xi32, #tpu.memory_space<vmem>>
      %dma_wait3A_97 = tpu.memref_slice %arg17[%run_scoped3A_47, %add3A_29] : memref<16x10240xi32, #tpu.memory_space<vmem_shared>> -> memref<1x320xi32, #tpu.memory_space<vmem_shared>>
      %dma_wait3A_98 = tpu.memref_squeeze %dma_wait3A_97 : memref<1x320xi32, #tpu.memory_space<vmem_shared>> -> memref<320xi32, #tpu.memory_space<vmem_shared>>
      %dma_wait3A_99 = arith.constant 0 : i32
      %dma_wait3A_100 = tpu.memref_slice %arg12[%run_scoped3A_48, %dma_wait3A_99] : memref<16x320xi32, #tpu.memory_space<vmem>> -> memref<1x320xi32, #tpu.memory_space<vmem>>
      %dma_wait3A_101 = tpu.memref_squeeze %dma_wait3A_100 : memref<1x320xi32, #tpu.memory_space<vmem>> -> memref<320xi32, #tpu.memory_space<vmem>>
      %dma_wait3A_102 = tpu.memref_slice %arg17[%run_scoped3A_47, %add3A_29] : memref<16x10240xi32, #tpu.memory_space<vmem_shared>> -> memref<1x320xi32, #tpu.memory_space<vmem_shared>>
      %dma_wait3A_103 = tpu.memref_squeeze %dma_wait3A_102 : memref<1x320xi32, #tpu.memory_space<vmem_shared>> -> memref<320xi32, #tpu.memory_space<vmem_shared>>
      tpu.wait_dma2 semaphore(%run_scoped3A_85 : memref<!tpu.dma_semaphore, #tpu.memory_space<semaphore_mem>>) src(%dma_wait3A_103 : memref<320xi32, #tpu.memory_space<vmem_shared>>) dst(%dma_wait3A_101 : memref<320xi32, #tpu.memory_space<vmem>>)
      tpu.yield
    }) : () -> ()
    %run_scoped3A_49 = arith.constant 5 : i32
    %run_scoped3A_50 = arith.constant 5 : i32
    "tpu.region"() ({
      %run_scoped3A_85 = tpu.sem_alloc : memref<!tpu.dma_semaphore, #tpu.memory_space<semaphore_mem>>
      %dma_start3A = arith.constant 0 : i32
      %dma_start3A_86 = tpu.memref_slice %arg12[%run_scoped3A_50, %dma_start3A] : memref<16x320xi32, #tpu.memory_space<vmem>> -> memref<1x320xi32, #tpu.memory_space<vmem>>
      %dma_start3A_87 = tpu.memref_squeeze %dma_start3A_86 : memref<1x320xi32, #tpu.memory_space<vmem>> -> memref<320xi32, #tpu.memory_space<vmem>>
      %dma_start3A_88 = tpu.memref_slice %arg17[%run_scoped3A_49, %add3A_29] : memref<16x10240xi32, #tpu.memory_space<vmem_shared>> -> memref<1x320xi32, #tpu.memory_space<vmem_shared>>
      %dma_start3A_89 = tpu.memref_squeeze %dma_start3A_88 : memref<1x320xi32, #tpu.memory_space<vmem_shared>> -> memref<320xi32, #tpu.memory_space<vmem_shared>>
      %dma_start3A_90 = arith.constant 0 : i32
      %dma_start3A_91 = tpu.memref_slice %arg12[%run_scoped3A_50, %dma_start3A_90] : memref<16x320xi32, #tpu.memory_space<vmem>> -> memref<1x320xi32, #tpu.memory_space<vmem>>
      %dma_start3A_92 = tpu.memref_squeeze %dma_start3A_91 : memref<1x320xi32, #tpu.memory_space<vmem>> -> memref<320xi32, #tpu.memory_space<vmem>>
      %dma_start3A_93 = tpu.memref_slice %arg17[%run_scoped3A_49, %add3A_29] : memref<16x10240xi32, #tpu.memory_space<vmem_shared>> -> memref<1x320xi32, #tpu.memory_space<vmem_shared>>
      %dma_start3A_94 = tpu.memref_squeeze %dma_start3A_93 : memref<1x320xi32, #tpu.memory_space<vmem_shared>> -> memref<320xi32, #tpu.memory_space<vmem_shared>>
      tpu.enqueue_dma source(%dma_start3A_94 : memref<320xi32, #tpu.memory_space<vmem_shared>>) target(%dma_start3A_92 : memref<320xi32, #tpu.memory_space<vmem>>) target_semaphore(%run_scoped3A_85 : memref<!tpu.dma_semaphore, #tpu.memory_space<semaphore_mem>>)
      %dma_wait3A = arith.constant 0 : i32
      %dma_wait3A_95 = tpu.memref_slice %arg12[%run_scoped3A_50, %dma_wait3A] : memref<16x320xi32, #tpu.memory_space<vmem>> -> memref<1x320xi32, #tpu.memory_space<vmem>>
      %dma_wait3A_96 = tpu.memref_squeeze %dma_wait3A_95 : memref<1x320xi32, #tpu.memory_space<vmem>> -> memref<320xi32, #tpu.memory_space<vmem>>
      %dma_wait3A_97 = tpu.memref_slice %arg17[%run_scoped3A_49, %add3A_29] : memref<16x10240xi32, #tpu.memory_space<vmem_shared>> -> memref<1x320xi32, #tpu.memory_space<vmem_shared>>
      %dma_wait3A_98 = tpu.memref_squeeze %dma_wait3A_97 : memref<1x320xi32, #tpu.memory_space<vmem_shared>> -> memref<320xi32, #tpu.memory_space<vmem_shared>>
      %dma_wait3A_99 = arith.constant 0 : i32
      %dma_wait3A_100 = tpu.memref_slice %arg12[%run_scoped3A_50, %dma_wait3A_99] : memref<16x320xi32, #tpu.memory_space<vmem>> -> memref<1x320xi32, #tpu.memory_space<vmem>>
      %dma_wait3A_101 = tpu.memref_squeeze %dma_wait3A_100 : memref<1x320xi32, #tpu.memory_space<vmem>> -> memref<320xi32, #tpu.memory_space<vmem>>
      %dma_wait3A_102 = tpu.memref_slice %arg17[%run_scoped3A_49, %add3A_29] : memref<16x10240xi32, #tpu.memory_space<vmem_shared>> -> memref<1x320xi32, #tpu.memory_space<vmem_shared>>
      %dma_wait3A_103 = tpu.memref_squeeze %dma_wait3A_102 : memref<1x320xi32, #tpu.memory_space<vmem_shared>> -> memref<320xi32, #tpu.memory_space<vmem_shared>>
      tpu.wait_dma2 semaphore(%run_scoped3A_85 : memref<!tpu.dma_semaphore, #tpu.memory_space<semaphore_mem>>) src(%dma_wait3A_103 : memref<320xi32, #tpu.memory_space<vmem_shared>>) dst(%dma_wait3A_101 : memref<320xi32, #tpu.memory_space<vmem>>)
      tpu.yield
    }) : () -> ()
    %run_scoped3A_51 = arith.constant 6 : i32
    %run_scoped3A_52 = arith.constant 6 : i32
    "tpu.region"() ({
      %run_scoped3A_85 = tpu.sem_alloc : memref<!tpu.dma_semaphore, #tpu.memory_space<semaphore_mem>>
      %dma_start3A = arith.constant 0 : i32
      %dma_start3A_86 = tpu.memref_slice %arg12[%run_scoped3A_52, %dma_start3A] : memref<16x320xi32, #tpu.memory_space<vmem>> -> memref<1x320xi32, #tpu.memory_space<vmem>>
      %dma_start3A_87 = tpu.memref_squeeze %dma_start3A_86 : memref<1x320xi32, #tpu.memory_space<vmem>> -> memref<320xi32, #tpu.memory_space<vmem>>
      %dma_start3A_88 = tpu.memref_slice %arg17[%run_scoped3A_51, %add3A_29] : memref<16x10240xi32, #tpu.memory_space<vmem_shared>> -> memref<1x320xi32, #tpu.memory_space<vmem_shared>>
      %dma_start3A_89 = tpu.memref_squeeze %dma_start3A_88 : memref<1x320xi32, #tpu.memory_space<vmem_shared>> -> memref<320xi32, #tpu.memory_space<vmem_shared>>
      %dma_start3A_90 = arith.constant 0 : i32
      %dma_start3A_91 = tpu.memref_slice %arg12[%run_scoped3A_52, %dma_start3A_90] : memref<16x320xi32, #tpu.memory_space<vmem>> -> memref<1x320xi32, #tpu.memory_space<vmem>>
      %dma_start3A_92 = tpu.memref_squeeze %dma_start3A_91 : memref<1x320xi32, #tpu.memory_space<vmem>> -> memref<320xi32, #tpu.memory_space<vmem>>
      %dma_start3A_93 = tpu.memref_slice %arg17[%run_scoped3A_51, %add3A_29] : memref<16x10240xi32, #tpu.memory_space<vmem_shared>> -> memref<1x320xi32, #tpu.memory_space<vmem_shared>>
      %dma_start3A_94 = tpu.memref_squeeze %dma_start3A_93 : memref<1x320xi32, #tpu.memory_space<vmem_shared>> -> memref<320xi32, #tpu.memory_space<vmem_shared>>
      tpu.enqueue_dma source(%dma_start3A_94 : memref<320xi32, #tpu.memory_space<vmem_shared>>) target(%dma_start3A_92 : memref<320xi32, #tpu.memory_space<vmem>>) target_semaphore(%run_scoped3A_85 : memref<!tpu.dma_semaphore, #tpu.memory_space<semaphore_mem>>)
      %dma_wait3A = arith.constant 0 : i32
      %dma_wait3A_95 = tpu.memref_slice %arg12[%run_scoped3A_52, %dma_wait3A] : memref<16x320xi32, #tpu.memory_space<vmem>> -> memref<1x320xi32, #tpu.memory_space<vmem>>
      %dma_wait3A_96 = tpu.memref_squeeze %dma_wait3A_95 : memref<1x320xi32, #tpu.memory_space<vmem>> -> memref<320xi32, #tpu.memory_space<vmem>>
      %dma_wait3A_97 = tpu.memref_slice %arg17[%run_scoped3A_51, %add3A_29] : memref<16x10240xi32, #tpu.memory_space<vmem_shared>> -> memref<1x320xi32, #tpu.memory_space<vmem_shared>>
      %dma_wait3A_98 = tpu.memref_squeeze %dma_wait3A_97 : memref<1x320xi32, #tpu.memory_space<vmem_shared>> -> memref<320xi32, #tpu.memory_space<vmem_shared>>
      %dma_wait3A_99 = arith.constant 0 : i32
      %dma_wait3A_100 = tpu.memref_slice %arg12[%run_scoped3A_52, %dma_wait3A_99] : memref<16x320xi32, #tpu.memory_space<vmem>> -> memref<1x320xi32, #tpu.memory_space<vmem>>
      %dma_wait3A_101 = tpu.memref_squeeze %dma_wait3A_100 : memref<1x320xi32, #tpu.memory_space<vmem>> -> memref<320xi32, #tpu.memory_space<vmem>>
      %dma_wait3A_102 = tpu.memref_slice %arg17[%run_scoped3A_51, %add3A_29] : memref<16x10240xi32, #tpu.memory_space<vmem_shared>> -> memref<1x320xi32, #tpu.memory_space<vmem_shared>>
      %dma_wait3A_103 = tpu.memref_squeeze %dma_wait3A_102 : memref<1x320xi32, #tpu.memory_space<vmem_shared>> -> memref<320xi32, #tpu.memory_space<vmem_shared>>
      tpu.wait_dma2 semaphore(%run_scoped3A_85 : memref<!tpu.dma_semaphore, #tpu.memory_space<semaphore_mem>>) src(%dma_wait3A_103 : memref<320xi32, #tpu.memory_space<vmem_shared>>) dst(%dma_wait3A_101 : memref<320xi32, #tpu.memory_space<vmem>>)
      tpu.yield
    }) : () -> ()
    %run_scoped3A_53 = arith.constant 7 : i32
    %run_scoped3A_54 = arith.constant 7 : i32
    "tpu.region"() ({
      %run_scoped3A_85 = tpu.sem_alloc : memref<!tpu.dma_semaphore, #tpu.memory_space<semaphore_mem>>
      %dma_start3A = arith.constant 0 : i32
      %dma_start3A_86 = tpu.memref_slice %arg12[%run_scoped3A_54, %dma_start3A] : memref<16x320xi32, #tpu.memory_space<vmem>> -> memref<1x320xi32, #tpu.memory_space<vmem>>
      %dma_start3A_87 = tpu.memref_squeeze %dma_start3A_86 : memref<1x320xi32, #tpu.memory_space<vmem>> -> memref<320xi32, #tpu.memory_space<vmem>>
      %dma_start3A_88 = tpu.memref_slice %arg17[%run_scoped3A_53, %add3A_29] : memref<16x10240xi32, #tpu.memory_space<vmem_shared>> -> memref<1x320xi32, #tpu.memory_space<vmem_shared>>
      %dma_start3A_89 = tpu.memref_squeeze %dma_start3A_88 : memref<1x320xi32, #tpu.memory_space<vmem_shared>> -> memref<320xi32, #tpu.memory_space<vmem_shared>>
      %dma_start3A_90 = arith.constant 0 : i32
      %dma_start3A_91 = tpu.memref_slice %arg12[%run_scoped3A_54, %dma_start3A_90] : memref<16x320xi32, #tpu.memory_space<vmem>> -> memref<1x320xi32, #tpu.memory_space<vmem>>
      %dma_start3A_92 = tpu.memref_squeeze %dma_start3A_91 : memref<1x320xi32, #tpu.memory_space<vmem>> -> memref<320xi32, #tpu.memory_space<vmem>>
      %dma_start3A_93 = tpu.memref_slice %arg17[%run_scoped3A_53, %add3A_29] : memref<16x10240xi32, #tpu.memory_space<vmem_shared>> -> memref<1x320xi32, #tpu.memory_space<vmem_shared>>
      %dma_start3A_94 = tpu.memref_squeeze %dma_start3A_93 : memref<1x320xi32, #tpu.memory_space<vmem_shared>> -> memref<320xi32, #tpu.memory_space<vmem_shared>>
      tpu.enqueue_dma source(%dma_start3A_94 : memref<320xi32, #tpu.memory_space<vmem_shared>>) target(%dma_start3A_92 : memref<320xi32, #tpu.memory_space<vmem>>) target_semaphore(%run_scoped3A_85 : memref<!tpu.dma_semaphore, #tpu.memory_space<semaphore_mem>>)
      %dma_wait3A = arith.constant 0 : i32
      %dma_wait3A_95 = tpu.memref_slice %arg12[%run_scoped3A_54, %dma_wait3A] : memref<16x320xi32, #tpu.memory_space<vmem>> -> memref<1x320xi32, #tpu.memory_space<vmem>>
      %dma_wait3A_96 = tpu.memref_squeeze %dma_wait3A_95 : memref<1x320xi32, #tpu.memory_space<vmem>> -> memref<320xi32, #tpu.memory_space<vmem>>
      %dma_wait3A_97 = tpu.memref_slice %arg17[%run_scoped3A_53, %add3A_29] : memref<16x10240xi32, #tpu.memory_space<vmem_shared>> -> memref<1x320xi32, #tpu.memory_space<vmem_shared>>
      %dma_wait3A_98 = tpu.memref_squeeze %dma_wait3A_97 : memref<1x320xi32, #tpu.memory_space<vmem_shared>> -> memref<320xi32, #tpu.memory_space<vmem_shared>>
      %dma_wait3A_99 = arith.constant 0 : i32
      %dma_wait3A_100 = tpu.memref_slice %arg12[%run_scoped3A_54, %dma_wait3A_99] : memref<16x320xi32, #tpu.memory_space<vmem>> -> memref<1x320xi32, #tpu.memory_space<vmem>>
      %dma_wait3A_101 = tpu.memref_squeeze %dma_wait3A_100 : memref<1x320xi32, #tpu.memory_space<vmem>> -> memref<320xi32, #tpu.memory_space<vmem>>
      %dma_wait3A_102 = tpu.memref_slice %arg17[%run_scoped3A_53, %add3A_29] : memref<16x10240xi32, #tpu.memory_space<vmem_shared>> -> memref<1x320xi32, #tpu.memory_space<vmem_shared>>
      %dma_wait3A_103 = tpu.memref_squeeze %dma_wait3A_102 : memref<1x320xi32, #tpu.memory_space<vmem_shared>> -> memref<320xi32, #tpu.memory_space<vmem_shared>>
      tpu.wait_dma2 semaphore(%run_scoped3A_85 : memref<!tpu.dma_semaphore, #tpu.memory_space<semaphore_mem>>) src(%dma_wait3A_103 : memref<320xi32, #tpu.memory_space<vmem_shared>>) dst(%dma_wait3A_101 : memref<320xi32, #tpu.memory_space<vmem>>)
      tpu.yield
    }) : () -> ()
    %run_scoped3A_55 = arith.constant 8 : i32
    %run_scoped3A_56 = arith.constant 8 : i32
    "tpu.region"() ({
      %run_scoped3A_85 = tpu.sem_alloc : memref<!tpu.dma_semaphore, #tpu.memory_space<semaphore_mem>>
      %dma_start3A = arith.constant 0 : i32
      %dma_start3A_86 = tpu.memref_slice %arg12[%run_scoped3A_56, %dma_start3A] : memref<16x320xi32, #tpu.memory_space<vmem>> -> memref<1x320xi32, #tpu.memory_space<vmem>>
      %dma_start3A_87 = tpu.memref_squeeze %dma_start3A_86 : memref<1x320xi32, #tpu.memory_space<vmem>> -> memref<320xi32, #tpu.memory_space<vmem>>
      %dma_start3A_88 = tpu.memref_slice %arg17[%run_scoped3A_55, %add3A_29] : memref<16x10240xi32, #tpu.memory_space<vmem_shared>> -> memref<1x320xi32, #tpu.memory_space<vmem_shared>>
      %dma_start3A_89 = tpu.memref_squeeze %dma_start3A_88 : memref<1x320xi32, #tpu.memory_space<vmem_shared>> -> memref<320xi32, #tpu.memory_space<vmem_shared>>
      %dma_start3A_90 = arith.constant 0 : i32
      %dma_start3A_91 = tpu.memref_slice %arg12[%run_scoped3A_56, %dma_start3A_90] : memref<16x320xi32, #tpu.memory_space<vmem>> -> memref<1x320xi32, #tpu.memory_space<vmem>>
      %dma_start3A_92 = tpu.memref_squeeze %dma_start3A_91 : memref<1x320xi32, #tpu.memory_space<vmem>> -> memref<320xi32, #tpu.memory_space<vmem>>
      %dma_start3A_93 = tpu.memref_slice %arg17[%run_scoped3A_55, %add3A_29] : memref<16x10240xi32, #tpu.memory_space<vmem_shared>> -> memref<1x320xi32, #tpu.memory_space<vmem_shared>>
      %dma_start3A_94 = tpu.memref_squeeze %dma_start3A_93 : memref<1x320xi32, #tpu.memory_space<vmem_shared>> -> memref<320xi32, #tpu.memory_space<vmem_shared>>
      tpu.enqueue_dma source(%dma_start3A_94 : memref<320xi32, #tpu.memory_space<vmem_shared>>) target(%dma_start3A_92 : memref<320xi32, #tpu.memory_space<vmem>>) target_semaphore(%run_scoped3A_85 : memref<!tpu.dma_semaphore, #tpu.memory_space<semaphore_mem>>)
      %dma_wait3A = arith.constant 0 : i32
      %dma_wait3A_95 = tpu.memref_slice %arg12[%run_scoped3A_56, %dma_wait3A] : memref<16x320xi32, #tpu.memory_space<vmem>> -> memref<1x320xi32, #tpu.memory_space<vmem>>
      %dma_wait3A_96 = tpu.memref_squeeze %dma_wait3A_95 : memref<1x320xi32, #tpu.memory_space<vmem>> -> memref<320xi32, #tpu.memory_space<vmem>>
      %dma_wait3A_97 = tpu.memref_slice %arg17[%run_scoped3A_55, %add3A_29] : memref<16x10240xi32, #tpu.memory_space<vmem_shared>> -> memref<1x320xi32, #tpu.memory_space<vmem_shared>>
      %dma_wait3A_98 = tpu.memref_squeeze %dma_wait3A_97 : memref<1x320xi32, #tpu.memory_space<vmem_shared>> -> memref<320xi32, #tpu.memory_space<vmem_shared>>
      %dma_wait3A_99 = arith.constant 0 : i32
      %dma_wait3A_100 = tpu.memref_slice %arg12[%run_scoped3A_56, %dma_wait3A_99] : memref<16x320xi32, #tpu.memory_space<vmem>> -> memref<1x320xi32, #tpu.memory_space<vmem>>
      %dma_wait3A_101 = tpu.memref_squeeze %dma_wait3A_100 : memref<1x320xi32, #tpu.memory_space<vmem>> -> memref<320xi32, #tpu.memory_space<vmem>>
      %dma_wait3A_102 = tpu.memref_slice %arg17[%run_scoped3A_55, %add3A_29] : memref<16x10240xi32, #tpu.memory_space<vmem_shared>> -> memref<1x320xi32, #tpu.memory_space<vmem_shared>>
      %dma_wait3A_103 = tpu.memref_squeeze %dma_wait3A_102 : memref<1x320xi32, #tpu.memory_space<vmem_shared>> -> memref<320xi32, #tpu.memory_space<vmem_shared>>
      tpu.wait_dma2 semaphore(%run_scoped3A_85 : memref<!tpu.dma_semaphore, #tpu.memory_space<semaphore_mem>>) src(%dma_wait3A_103 : memref<320xi32, #tpu.memory_space<vmem_shared>>) dst(%dma_wait3A_101 : memref<320xi32, #tpu.memory_space<vmem>>)
      tpu.yield
    }) : () -> ()
    %run_scoped3A_57 = arith.constant 9 : i32
    %run_scoped3A_58 = arith.constant 9 : i32
    "tpu.region"() ({
      %run_scoped3A_85 = tpu.sem_alloc : memref<!tpu.dma_semaphore, #tpu.memory_space<semaphore_mem>>
      %dma_start3A = arith.constant 0 : i32
      %dma_start3A_86 = tpu.memref_slice %arg12[%run_scoped3A_58, %dma_start3A] : memref<16x320xi32, #tpu.memory_space<vmem>> -> memref<1x320xi32, #tpu.memory_space<vmem>>
      %dma_start3A_87 = tpu.memref_squeeze %dma_start3A_86 : memref<1x320xi32, #tpu.memory_space<vmem>> -> memref<320xi32, #tpu.memory_space<vmem>>
      %dma_start3A_88 = tpu.memref_slice %arg17[%run_scoped3A_57, %add3A_29] : memref<16x10240xi32, #tpu.memory_space<vmem_shared>> -> memref<1x320xi32, #tpu.memory_space<vmem_shared>>
      %dma_start3A_89 = tpu.memref_squeeze %dma_start3A_88 : memref<1x320xi32, #tpu.memory_space<vmem_shared>> -> memref<320xi32, #tpu.memory_space<vmem_shared>>
      %dma_start3A_90 = arith.constant 0 : i32
      %dma_start3A_91 = tpu.memref_slice %arg12[%run_scoped3A_58, %dma_start3A_90] : memref<16x320xi32, #tpu.memory_space<vmem>> -> memref<1x320xi32, #tpu.memory_space<vmem>>
      %dma_start3A_92 = tpu.memref_squeeze %dma_start3A_91 : memref<1x320xi32, #tpu.memory_space<vmem>> -> memref<320xi32, #tpu.memory_space<vmem>>
      %dma_start3A_93 = tpu.memref_slice %arg17[%run_scoped3A_57, %add3A_29] : memref<16x10240xi32, #tpu.memory_space<vmem_shared>> -> memref<1x320xi32, #tpu.memory_space<vmem_shared>>
      %dma_start3A_94 = tpu.memref_squeeze %dma_start3A_93 : memref<1x320xi32, #tpu.memory_space<vmem_shared>> -> memref<320xi32, #tpu.memory_space<vmem_shared>>
      tpu.enqueue_dma source(%dma_start3A_94 : memref<320xi32, #tpu.memory_space<vmem_shared>>) target(%dma_start3A_92 : memref<320xi32, #tpu.memory_space<vmem>>) target_semaphore(%run_scoped3A_85 : memref<!tpu.dma_semaphore, #tpu.memory_space<semaphore_mem>>)
      %dma_wait3A = arith.constant 0 : i32
      %dma_wait3A_95 = tpu.memref_slice %arg12[%run_scoped3A_58, %dma_wait3A] : memref<16x320xi32, #tpu.memory_space<vmem>> -> memref<1x320xi32, #tpu.memory_space<vmem>>
      %dma_wait3A_96 = tpu.memref_squeeze %dma_wait3A_95 : memref<1x320xi32, #tpu.memory_space<vmem>> -> memref<320xi32, #tpu.memory_space<vmem>>
      %dma_wait3A_97 = tpu.memref_slice %arg17[%run_scoped3A_57, %add3A_29] : memref<16x10240xi32, #tpu.memory_space<vmem_shared>> -> memref<1x320xi32, #tpu.memory_space<vmem_shared>>
      %dma_wait3A_98 = tpu.memref_squeeze %dma_wait3A_97 : memref<1x320xi32, #tpu.memory_space<vmem_shared>> -> memref<320xi32, #tpu.memory_space<vmem_shared>>
      %dma_wait3A_99 = arith.constant 0 : i32
      %dma_wait3A_100 = tpu.memref_slice %arg12[%run_scoped3A_58, %dma_wait3A_99] : memref<16x320xi32, #tpu.memory_space<vmem>> -> memref<1x320xi32, #tpu.memory_space<vmem>>
      %dma_wait3A_101 = tpu.memref_squeeze %dma_wait3A_100 : memref<1x320xi32, #tpu.memory_space<vmem>> -> memref<320xi32, #tpu.memory_space<vmem>>
      %dma_wait3A_102 = tpu.memref_slice %arg17[%run_scoped3A_57, %add3A_29] : memref<16x10240xi32, #tpu.memory_space<vmem_shared>> -> memref<1x320xi32, #tpu.memory_space<vmem_shared>>
      %dma_wait3A_103 = tpu.memref_squeeze %dma_wait3A_102 : memref<1x320xi32, #tpu.memory_space<vmem_shared>> -> memref<320xi32, #tpu.memory_space<vmem_shared>>
      tpu.wait_dma2 semaphore(%run_scoped3A_85 : memref<!tpu.dma_semaphore, #tpu.memory_space<semaphore_mem>>) src(%dma_wait3A_103 : memref<320xi32, #tpu.memory_space<vmem_shared>>) dst(%dma_wait3A_101 : memref<320xi32, #tpu.memory_space<vmem>>)
      tpu.yield
    }) : () -> ()
    %run_scoped3A_59 = arith.constant 10 : i32
    %run_scoped3A_60 = arith.constant 10 : i32
    "tpu.region"() ({
      %run_scoped3A_85 = tpu.sem_alloc : memref<!tpu.dma_semaphore, #tpu.memory_space<semaphore_mem>>
      %dma_start3A = arith.constant 0 : i32
      %dma_start3A_86 = tpu.memref_slice %arg12[%run_scoped3A_60, %dma_start3A] : memref<16x320xi32, #tpu.memory_space<vmem>> -> memref<1x320xi32, #tpu.memory_space<vmem>>
      %dma_start3A_87 = tpu.memref_squeeze %dma_start3A_86 : memref<1x320xi32, #tpu.memory_space<vmem>> -> memref<320xi32, #tpu.memory_space<vmem>>
      %dma_start3A_88 = tpu.memref_slice %arg17[%run_scoped3A_59, %add3A_29] : memref<16x10240xi32, #tpu.memory_space<vmem_shared>> -> memref<1x320xi32, #tpu.memory_space<vmem_shared>>
      %dma_start3A_89 = tpu.memref_squeeze %dma_start3A_88 : memref<1x320xi32, #tpu.memory_space<vmem_shared>> -> memref<320xi32, #tpu.memory_space<vmem_shared>>
      %dma_start3A_90 = arith.constant 0 : i32
      %dma_start3A_91 = tpu.memref_slice %arg12[%run_scoped3A_60, %dma_start3A_90] : memref<16x320xi32, #tpu.memory_space<vmem>> -> memref<1x320xi32, #tpu.memory_space<vmem>>
      %dma_start3A_92 = tpu.memref_squeeze %dma_start3A_91 : memref<1x320xi32, #tpu.memory_space<vmem>> -> memref<320xi32, #tpu.memory_space<vmem>>
      %dma_start3A_93 = tpu.memref_slice %arg17[%run_scoped3A_59, %add3A_29] : memref<16x10240xi32, #tpu.memory_space<vmem_shared>> -> memref<1x320xi32, #tpu.memory_space<vmem_shared>>
      %dma_start3A_94 = tpu.memref_squeeze %dma_start3A_93 : memref<1x320xi32, #tpu.memory_space<vmem_shared>> -> memref<320xi32, #tpu.memory_space<vmem_shared>>
      tpu.enqueue_dma source(%dma_start3A_94 : memref<320xi32, #tpu.memory_space<vmem_shared>>) target(%dma_start3A_92 : memref<320xi32, #tpu.memory_space<vmem>>) target_semaphore(%run_scoped3A_85 : memref<!tpu.dma_semaphore, #tpu.memory_space<semaphore_mem>>)
      %dma_wait3A = arith.constant 0 : i32
      %dma_wait3A_95 = tpu.memref_slice %arg12[%run_scoped3A_60, %dma_wait3A] : memref<16x320xi32, #tpu.memory_space<vmem>> -> memref<1x320xi32, #tpu.memory_space<vmem>>
      %dma_wait3A_96 = tpu.memref_squeeze %dma_wait3A_95 : memref<1x320xi32, #tpu.memory_space<vmem>> -> memref<320xi32, #tpu.memory_space<vmem>>
      %dma_wait3A_97 = tpu.memref_slice %arg17[%run_scoped3A_59, %add3A_29] : memref<16x10240xi32, #tpu.memory_space<vmem_shared>> -> memref<1x320xi32, #tpu.memory_space<vmem_shared>>
      %dma_wait3A_98 = tpu.memref_squeeze %dma_wait3A_97 : memref<1x320xi32, #tpu.memory_space<vmem_shared>> -> memref<320xi32, #tpu.memory_space<vmem_shared>>
      %dma_wait3A_99 = arith.constant 0 : i32
      %dma_wait3A_100 = tpu.memref_slice %arg12[%run_scoped3A_60, %dma_wait3A_99] : memref<16x320xi32, #tpu.memory_space<vmem>> -> memref<1x320xi32, #tpu.memory_space<vmem>>
      %dma_wait3A_101 = tpu.memref_squeeze %dma_wait3A_100 : memref<1x320xi32, #tpu.memory_space<vmem>> -> memref<320xi32, #tpu.memory_space<vmem>>
      %dma_wait3A_102 = tpu.memref_slice %arg17[%run_scoped3A_59, %add3A_29] : memref<16x10240xi32, #tpu.memory_space<vmem_shared>> -> memref<1x320xi32, #tpu.memory_space<vmem_shared>>
      %dma_wait3A_103 = tpu.memref_squeeze %dma_wait3A_102 : memref<1x320xi32, #tpu.memory_space<vmem_shared>> -> memref<320xi32, #tpu.memory_space<vmem_shared>>
      tpu.wait_dma2 semaphore(%run_scoped3A_85 : memref<!tpu.dma_semaphore, #tpu.memory_space<semaphore_mem>>) src(%dma_wait3A_103 : memref<320xi32, #tpu.memory_space<vmem_shared>>) dst(%dma_wait3A_101 : memref<320xi32, #tpu.memory_space<vmem>>)
      tpu.yield
    }) : () -> ()
    %run_scoped3A_61 = arith.constant 11 : i32
    %run_scoped3A_62 = arith.constant 11 : i32
    "tpu.region"() ({
      %run_scoped3A_85 = tpu.sem_alloc : memref<!tpu.dma_semaphore, #tpu.memory_space<semaphore_mem>>
      %dma_start3A = arith.constant 0 : i32
      %dma_start3A_86 = tpu.memref_slice %arg12[%run_scoped3A_62, %dma_start3A] : memref<16x320xi32, #tpu.memory_space<vmem>> -> memref<1x320xi32, #tpu.memory_space<vmem>>
      %dma_start3A_87 = tpu.memref_squeeze %dma_start3A_86 : memref<1x320xi32, #tpu.memory_space<vmem>> -> memref<320xi32, #tpu.memory_space<vmem>>
      %dma_start3A_88 = tpu.memref_slice %arg17[%run_scoped3A_61, %add3A_29] : memref<16x10240xi32, #tpu.memory_space<vmem_shared>> -> memref<1x320xi32, #tpu.memory_space<vmem_shared>>
      %dma_start3A_89 = tpu.memref_squeeze %dma_start3A_88 : memref<1x320xi32, #tpu.memory_space<vmem_shared>> -> memref<320xi32, #tpu.memory_space<vmem_shared>>
      %dma_start3A_90 = arith.constant 0 : i32
      %dma_start3A_91 = tpu.memref_slice %arg12[%run_scoped3A_62, %dma_start3A_90] : memref<16x320xi32, #tpu.memory_space<vmem>> -> memref<1x320xi32, #tpu.memory_space<vmem>>
      %dma_start3A_92 = tpu.memref_squeeze %dma_start3A_91 : memref<1x320xi32, #tpu.memory_space<vmem>> -> memref<320xi32, #tpu.memory_space<vmem>>
      %dma_start3A_93 = tpu.memref_slice %arg17[%run_scoped3A_61, %add3A_29] : memref<16x10240xi32, #tpu.memory_space<vmem_shared>> -> memref<1x320xi32, #tpu.memory_space<vmem_shared>>
      %dma_start3A_94 = tpu.memref_squeeze %dma_start3A_93 : memref<1x320xi32, #tpu.memory_space<vmem_shared>> -> memref<320xi32, #tpu.memory_space<vmem_shared>>
      tpu.enqueue_dma source(%dma_start3A_94 : memref<320xi32, #tpu.memory_space<vmem_shared>>) target(%dma_start3A_92 : memref<320xi32, #tpu.memory_space<vmem>>) target_semaphore(%run_scoped3A_85 : memref<!tpu.dma_semaphore, #tpu.memory_space<semaphore_mem>>)
      %dma_wait3A = arith.constant 0 : i32
      %dma_wait3A_95 = tpu.memref_slice %arg12[%run_scoped3A_62, %dma_wait3A] : memref<16x320xi32, #tpu.memory_space<vmem>> -> memref<1x320xi32, #tpu.memory_space<vmem>>
      %dma_wait3A_96 = tpu.memref_squeeze %dma_wait3A_95 : memref<1x320xi32, #tpu.memory_space<vmem>> -> memref<320xi32, #tpu.memory_space<vmem>>
      %dma_wait3A_97 = tpu.memref_slice %arg17[%run_scoped3A_61, %add3A_29] : memref<16x10240xi32, #tpu.memory_space<vmem_shared>> -> memref<1x320xi32, #tpu.memory_space<vmem_shared>>
      %dma_wait3A_98 = tpu.memref_squeeze %dma_wait3A_97 : memref<1x320xi32, #tpu.memory_space<vmem_shared>> -> memref<320xi32, #tpu.memory_space<vmem_shared>>
      %dma_wait3A_99 = arith.constant 0 : i32
      %dma_wait3A_100 = tpu.memref_slice %arg12[%run_scoped3A_62, %dma_wait3A_99] : memref<16x320xi32, #tpu.memory_space<vmem>> -> memref<1x320xi32, #tpu.memory_space<vmem>>
      %dma_wait3A_101 = tpu.memref_squeeze %dma_wait3A_100 : memref<1x320xi32, #tpu.memory_space<vmem>> -> memref<320xi32, #tpu.memory_space<vmem>>
      %dma_wait3A_102 = tpu.memref_slice %arg17[%run_scoped3A_61, %add3A_29] : memref<16x10240xi32, #tpu.memory_space<vmem_shared>> -> memref<1x320xi32, #tpu.memory_space<vmem_shared>>
      %dma_wait3A_103 = tpu.memref_squeeze %dma_wait3A_102 : memref<1x320xi32, #tpu.memory_space<vmem_shared>> -> memref<320xi32, #tpu.memory_space<vmem_shared>>
      tpu.wait_dma2 semaphore(%run_scoped3A_85 : memref<!tpu.dma_semaphore, #tpu.memory_space<semaphore_mem>>) src(%dma_wait3A_103 : memref<320xi32, #tpu.memory_space<vmem_shared>>) dst(%dma_wait3A_101 : memref<320xi32, #tpu.memory_space<vmem>>)
      tpu.yield
    }) : () -> ()
    %run_scoped3A_63 = arith.constant 12 : i32
    %run_scoped3A_64 = arith.constant 12 : i32
    "tpu.region"() ({
      %run_scoped3A_85 = tpu.sem_alloc : memref<!tpu.dma_semaphore, #tpu.memory_space<semaphore_mem>>
      %dma_start3A = arith.constant 0 : i32
      %dma_start3A_86 = tpu.memref_slice %arg12[%run_scoped3A_64, %dma_start3A] : memref<16x320xi32, #tpu.memory_space<vmem>> -> memref<1x320xi32, #tpu.memory_space<vmem>>
      %dma_start3A_87 = tpu.memref_squeeze %dma_start3A_86 : memref<1x320xi32, #tpu.memory_space<vmem>> -> memref<320xi32, #tpu.memory_space<vmem>>
      %dma_start3A_88 = tpu.memref_slice %arg17[%run_scoped3A_63, %add3A_29] : memref<16x10240xi32, #tpu.memory_space<vmem_shared>> -> memref<1x320xi32, #tpu.memory_space<vmem_shared>>
      %dma_start3A_89 = tpu.memref_squeeze %dma_start3A_88 : memref<1x320xi32, #tpu.memory_space<vmem_shared>> -> memref<320xi32, #tpu.memory_space<vmem_shared>>
      %dma_start3A_90 = arith.constant 0 : i32
      %dma_start3A_91 = tpu.memref_slice %arg12[%run_scoped3A_64, %dma_start3A_90] : memref<16x320xi32, #tpu.memory_space<vmem>> -> memref<1x320xi32, #tpu.memory_space<vmem>>
      %dma_start3A_92 = tpu.memref_squeeze %dma_start3A_91 : memref<1x320xi32, #tpu.memory_space<vmem>> -> memref<320xi32, #tpu.memory_space<vmem>>
      %dma_start3A_93 = tpu.memref_slice %arg17[%run_scoped3A_63, %add3A_29] : memref<16x10240xi32, #tpu.memory_space<vmem_shared>> -> memref<1x320xi32, #tpu.memory_space<vmem_shared>>
      %dma_start3A_94 = tpu.memref_squeeze %dma_start3A_93 : memref<1x320xi32, #tpu.memory_space<vmem_shared>> -> memref<320xi32, #tpu.memory_space<vmem_shared>>
      tpu.enqueue_dma source(%dma_start3A_94 : memref<320xi32, #tpu.memory_space<vmem_shared>>) target(%dma_start3A_92 : memref<320xi32, #tpu.memory_space<vmem>>) target_semaphore(%run_scoped3A_85 : memref<!tpu.dma_semaphore, #tpu.memory_space<semaphore_mem>>)
      %dma_wait3A = arith.constant 0 : i32
      %dma_wait3A_95 = tpu.memref_slice %arg12[%run_scoped3A_64, %dma_wait3A] : memref<16x320xi32, #tpu.memory_space<vmem>> -> memref<1x320xi32, #tpu.memory_space<vmem>>
      %dma_wait3A_96 = tpu.memref_squeeze %dma_wait3A_95 : memref<1x320xi32, #tpu.memory_space<vmem>> -> memref<320xi32, #tpu.memory_space<vmem>>
      %dma_wait3A_97 = tpu.memref_slice %arg17[%run_scoped3A_63, %add3A_29] : memref<16x10240xi32, #tpu.memory_space<vmem_shared>> -> memref<1x320xi32, #tpu.memory_space<vmem_shared>>
      %dma_wait3A_98 = tpu.memref_squeeze %dma_wait3A_97 : memref<1x320xi32, #tpu.memory_space<vmem_shared>> -> memref<320xi32, #tpu.memory_space<vmem_shared>>
      %dma_wait3A_99 = arith.constant 0 : i32
      %dma_wait3A_100 = tpu.memref_slice %arg12[%run_scoped3A_64, %dma_wait3A_99] : memref<16x320xi32, #tpu.memory_space<vmem>> -> memref<1x320xi32, #tpu.memory_space<vmem>>
      %dma_wait3A_101 = tpu.memref_squeeze %dma_wait3A_100 : memref<1x320xi32, #tpu.memory_space<vmem>> -> memref<320xi32, #tpu.memory_space<vmem>>
      %dma_wait3A_102 = tpu.memref_slice %arg17[%run_scoped3A_63, %add3A_29] : memref<16x10240xi32, #tpu.memory_space<vmem_shared>> -> memref<1x320xi32, #tpu.memory_space<vmem_shared>>
      %dma_wait3A_103 = tpu.memref_squeeze %dma_wait3A_102 : memref<1x320xi32, #tpu.memory_space<vmem_shared>> -> memref<320xi32, #tpu.memory_space<vmem_shared>>
      tpu.wait_dma2 semaphore(%run_scoped3A_85 : memref<!tpu.dma_semaphore, #tpu.memory_space<semaphore_mem>>) src(%dma_wait3A_103 : memref<320xi32, #tpu.memory_space<vmem_shared>>) dst(%dma_wait3A_101 : memref<320xi32, #tpu.memory_space<vmem>>)
      tpu.yield
    }) : () -> ()
    %run_scoped3A_65 = arith.constant 13 : i32
    %run_scoped3A_66 = arith.constant 13 : i32
    "tpu.region"() ({
      %run_scoped3A_85 = tpu.sem_alloc : memref<!tpu.dma_semaphore, #tpu.memory_space<semaphore_mem>>
      %dma_start3A = arith.constant 0 : i32
      %dma_start3A_86 = tpu.memref_slice %arg12[%run_scoped3A_66, %dma_start3A] : memref<16x320xi32, #tpu.memory_space<vmem>> -> memref<1x320xi32, #tpu.memory_space<vmem>>
      %dma_start3A_87 = tpu.memref_squeeze %dma_start3A_86 : memref<1x320xi32, #tpu.memory_space<vmem>> -> memref<320xi32, #tpu.memory_space<vmem>>
      %dma_start3A_88 = tpu.memref_slice %arg17[%run_scoped3A_65, %add3A_29] : memref<16x10240xi32, #tpu.memory_space<vmem_shared>> -> memref<1x320xi32, #tpu.memory_space<vmem_shared>>
      %dma_start3A_89 = tpu.memref_squeeze %dma_start3A_88 : memref<1x320xi32, #tpu.memory_space<vmem_shared>> -> memref<320xi32, #tpu.memory_space<vmem_shared>>
      %dma_start3A_90 = arith.constant 0 : i32
      %dma_start3A_91 = tpu.memref_slice %arg12[%run_scoped3A_66, %dma_start3A_90] : memref<16x320xi32, #tpu.memory_space<vmem>> -> memref<1x320xi32, #tpu.memory_space<vmem>>
      %dma_start3A_92 = tpu.memref_squeeze %dma_start3A_91 : memref<1x320xi32, #tpu.memory_space<vmem>> -> memref<320xi32, #tpu.memory_space<vmem>>
      %dma_start3A_93 = tpu.memref_slice %arg17[%run_scoped3A_65, %add3A_29] : memref<16x10240xi32, #tpu.memory_space<vmem_shared>> -> memref<1x320xi32, #tpu.memory_space<vmem_shared>>
      %dma_start3A_94 = tpu.memref_squeeze %dma_start3A_93 : memref<1x320xi32, #tpu.memory_space<vmem_shared>> -> memref<320xi32, #tpu.memory_space<vmem_shared>>
      tpu.enqueue_dma source(%dma_start3A_94 : memref<320xi32, #tpu.memory_space<vmem_shared>>) target(%dma_start3A_92 : memref<320xi32, #tpu.memory_space<vmem>>) target_semaphore(%run_scoped3A_85 : memref<!tpu.dma_semaphore, #tpu.memory_space<semaphore_mem>>)
      %dma_wait3A = arith.constant 0 : i32
      %dma_wait3A_95 = tpu.memref_slice %arg12[%run_scoped3A_66, %dma_wait3A] : memref<16x320xi32, #tpu.memory_space<vmem>> -> memref<1x320xi32, #tpu.memory_space<vmem>>
      %dma_wait3A_96 = tpu.memref_squeeze %dma_wait3A_95 : memref<1x320xi32, #tpu.memory_space<vmem>> -> memref<320xi32, #tpu.memory_space<vmem>>
      %dma_wait3A_97 = tpu.memref_slice %arg17[%run_scoped3A_65, %add3A_29] : memref<16x10240xi32, #tpu.memory_space<vmem_shared>> -> memref<1x320xi32, #tpu.memory_space<vmem_shared>>
      %dma_wait3A_98 = tpu.memref_squeeze %dma_wait3A_97 : memref<1x320xi32, #tpu.memory_space<vmem_shared>> -> memref<320xi32, #tpu.memory_space<vmem_shared>>
      %dma_wait3A_99 = arith.constant 0 : i32
      %dma_wait3A_100 = tpu.memref_slice %arg12[%run_scoped3A_66, %dma_wait3A_99] : memref<16x320xi32, #tpu.memory_space<vmem>> -> memref<1x320xi32, #tpu.memory_space<vmem>>
      %dma_wait3A_101 = tpu.memref_squeeze %dma_wait3A_100 : memref<1x320xi32, #tpu.memory_space<vmem>> -> memref<320xi32, #tpu.memory_space<vmem>>
      %dma_wait3A_102 = tpu.memref_slice %arg17[%run_scoped3A_65, %add3A_29] : memref<16x10240xi32, #tpu.memory_space<vmem_shared>> -> memref<1x320xi32, #tpu.memory_space<vmem_shared>>
      %dma_wait3A_103 = tpu.memref_squeeze %dma_wait3A_102 : memref<1x320xi32, #tpu.memory_space<vmem_shared>> -> memref<320xi32, #tpu.memory_space<vmem_shared>>
      tpu.wait_dma2 semaphore(%run_scoped3A_85 : memref<!tpu.dma_semaphore, #tpu.memory_space<semaphore_mem>>) src(%dma_wait3A_103 : memref<320xi32, #tpu.memory_space<vmem_shared>>) dst(%dma_wait3A_101 : memref<320xi32, #tpu.memory_space<vmem>>)
      tpu.yield
    }) : () -> ()
    %run_scoped3A_67 = arith.constant 14 : i32
    %run_scoped3A_68 = arith.constant 14 : i32
    "tpu.region"() ({
      %run_scoped3A_85 = tpu.sem_alloc : memref<!tpu.dma_semaphore, #tpu.memory_space<semaphore_mem>>
      %dma_start3A = arith.constant 0 : i32
      %dma_start3A_86 = tpu.memref_slice %arg12[%run_scoped3A_68, %dma_start3A] : memref<16x320xi32, #tpu.memory_space<vmem>> -> memref<1x320xi32, #tpu.memory_space<vmem>>
      %dma_start3A_87 = tpu.memref_squeeze %dma_start3A_86 : memref<1x320xi32, #tpu.memory_space<vmem>> -> memref<320xi32, #tpu.memory_space<vmem>>
      %dma_start3A_88 = tpu.memref_slice %arg17[%run_scoped3A_67, %add3A_29] : memref<16x10240xi32, #tpu.memory_space<vmem_shared>> -> memref<1x320xi32, #tpu.memory_space<vmem_shared>>
      %dma_start3A_89 = tpu.memref_squeeze %dma_start3A_88 : memref<1x320xi32, #tpu.memory_space<vmem_shared>> -> memref<320xi32, #tpu.memory_space<vmem_shared>>
      %dma_start3A_90 = arith.constant 0 : i32
      %dma_start3A_91 = tpu.memref_slice %arg12[%run_scoped3A_68, %dma_start3A_90] : memref<16x320xi32, #tpu.memory_space<vmem>> -> memref<1x320xi32, #tpu.memory_space<vmem>>
      %dma_start3A_92 = tpu.memref_squeeze %dma_start3A_91 : memref<1x320xi32, #tpu.memory_space<vmem>> -> memref<320xi32, #tpu.memory_space<vmem>>
      %dma_start3A_93 = tpu.memref_slice %arg17[%run_scoped3A_67, %add3A_29] : memref<16x10240xi32, #tpu.memory_space<vmem_shared>> -> memref<1x320xi32, #tpu.memory_space<vmem_shared>>
      %dma_start3A_94 = tpu.memref_squeeze %dma_start3A_93 : memref<1x320xi32, #tpu.memory_space<vmem_shared>> -> memref<320xi32, #tpu.memory_space<vmem_shared>>
      tpu.enqueue_dma source(%dma_start3A_94 : memref<320xi32, #tpu.memory_space<vmem_shared>>) target(%dma_start3A_92 : memref<320xi32, #tpu.memory_space<vmem>>) target_semaphore(%run_scoped3A_85 : memref<!tpu.dma_semaphore, #tpu.memory_space<semaphore_mem>>)
      %dma_wait3A = arith.constant 0 : i32
      %dma_wait3A_95 = tpu.memref_slice %arg12[%run_scoped3A_68, %dma_wait3A] : memref<16x320xi32, #tpu.memory_space<vmem>> -> memref<1x320xi32, #tpu.memory_space<vmem>>
      %dma_wait3A_96 = tpu.memref_squeeze %dma_wait3A_95 : memref<1x320xi32, #tpu.memory_space<vmem>> -> memref<320xi32, #tpu.memory_space<vmem>>
      %dma_wait3A_97 = tpu.memref_slice %arg17[%run_scoped3A_67, %add3A_29] : memref<16x10240xi32, #tpu.memory_space<vmem_shared>> -> memref<1x320xi32, #tpu.memory_space<vmem_shared>>
      %dma_wait3A_98 = tpu.memref_squeeze %dma_wait3A_97 : memref<1x320xi32, #tpu.memory_space<vmem_shared>> -> memref<320xi32, #tpu.memory_space<vmem_shared>>
      %dma_wait3A_99 = arith.constant 0 : i32
      %dma_wait3A_100 = tpu.memref_slice %arg12[%run_scoped3A_68, %dma_wait3A_99] : memref<16x320xi32, #tpu.memory_space<vmem>> -> memref<1x320xi32, #tpu.memory_space<vmem>>
      %dma_wait3A_101 = tpu.memref_squeeze %dma_wait3A_100 : memref<1x320xi32, #tpu.memory_space<vmem>> -> memref<320xi32, #tpu.memory_space<vmem>>
      %dma_wait3A_102 = tpu.memref_slice %arg17[%run_scoped3A_67, %add3A_29] : memref<16x10240xi32, #tpu.memory_space<vmem_shared>> -> memref<1x320xi32, #tpu.memory_space<vmem_shared>>
      %dma_wait3A_103 = tpu.memref_squeeze %dma_wait3A_102 : memref<1x320xi32, #tpu.memory_space<vmem_shared>> -> memref<320xi32, #tpu.memory_space<vmem_shared>>
      tpu.wait_dma2 semaphore(%run_scoped3A_85 : memref<!tpu.dma_semaphore, #tpu.memory_space<semaphore_mem>>) src(%dma_wait3A_103 : memref<320xi32, #tpu.memory_space<vmem_shared>>) dst(%dma_wait3A_101 : memref<320xi32, #tpu.memory_space<vmem>>)
      tpu.yield
    }) : () -> ()
    %run_scoped3A_69 = arith.constant 15 : i32
    %run_scoped3A_70 = arith.constant 15 : i32
    "tpu.region"() ({
      %run_scoped3A_85 = tpu.sem_alloc : memref<!tpu.dma_semaphore, #tpu.memory_space<semaphore_mem>>
      %dma_start3A = arith.constant 0 : i32
      %dma_start3A_86 = tpu.memref_slice %arg12[%run_scoped3A_70, %dma_start3A] : memref<16x320xi32, #tpu.memory_space<vmem>> -> memref<1x320xi32, #tpu.memory_space<vmem>>
      %dma_start3A_87 = tpu.memref_squeeze %dma_start3A_86 : memref<1x320xi32, #tpu.memory_space<vmem>> -> memref<320xi32, #tpu.memory_space<vmem>>
      %dma_start3A_88 = tpu.memref_slice %arg17[%run_scoped3A_69, %add3A_29] : memref<16x10240xi32, #tpu.memory_space<vmem_shared>> -> memref<1x320xi32, #tpu.memory_space<vmem_shared>>
      %dma_start3A_89 = tpu.memref_squeeze %dma_start3A_88 : memref<1x320xi32, #tpu.memory_space<vmem_shared>> -> memref<320xi32, #tpu.memory_space<vmem_shared>>
      %dma_start3A_90 = arith.constant 0 : i32
      %dma_start3A_91 = tpu.memref_slice %arg12[%run_scoped3A_70, %dma_start3A_90] : memref<16x320xi32, #tpu.memory_space<vmem>> -> memref<1x320xi32, #tpu.memory_space<vmem>>
      %dma_start3A_92 = tpu.memref_squeeze %dma_start3A_91 : memref<1x320xi32, #tpu.memory_space<vmem>> -> memref<320xi32, #tpu.memory_space<vmem>>
      %dma_start3A_93 = tpu.memref_slice %arg17[%run_scoped3A_69, %add3A_29] : memref<16x10240xi32, #tpu.memory_space<vmem_shared>> -> memref<1x320xi32, #tpu.memory_space<vmem_shared>>
      %dma_start3A_94 = tpu.memref_squeeze %dma_start3A_93 : memref<1x320xi32, #tpu.memory_space<vmem_shared>> -> memref<320xi32, #tpu.memory_space<vmem_shared>>
      tpu.enqueue_dma source(%dma_start3A_94 : memref<320xi32, #tpu.memory_space<vmem_shared>>) target(%dma_start3A_92 : memref<320xi32, #tpu.memory_space<vmem>>) target_semaphore(%run_scoped3A_85 : memref<!tpu.dma_semaphore, #tpu.memory_space<semaphore_mem>>)
      %dma_wait3A = arith.constant 0 : i32
      %dma_wait3A_95 = tpu.memref_slice %arg12[%run_scoped3A_70, %dma_wait3A] : memref<16x320xi32, #tpu.memory_space<vmem>> -> memref<1x320xi32, #tpu.memory_space<vmem>>
      %dma_wait3A_96 = tpu.memref_squeeze %dma_wait3A_95 : memref<1x320xi32, #tpu.memory_space<vmem>> -> memref<320xi32, #tpu.memory_space<vmem>>
      %dma_wait3A_97 = tpu.memref_slice %arg17[%run_scoped3A_69, %add3A_29] : memref<16x10240xi32, #tpu.memory_space<vmem_shared>> -> memref<1x320xi32, #tpu.memory_space<vmem_shared>>
      %dma_wait3A_98 = tpu.memref_squeeze %dma_wait3A_97 : memref<1x320xi32, #tpu.memory_space<vmem_shared>> -> memref<320xi32, #tpu.memory_space<vmem_shared>>
      %dma_wait3A_99 = arith.constant 0 : i32
      %dma_wait3A_100 = tpu.memref_slice %arg12[%run_scoped3A_70, %dma_wait3A_99] : memref<16x320xi32, #tpu.memory_space<vmem>> -> memref<1x320xi32, #tpu.memory_space<vmem>>
      %dma_wait3A_101 = tpu.memref_squeeze %dma_wait3A_100 : memref<1x320xi32, #tpu.memory_space<vmem>> -> memref<320xi32, #tpu.memory_space<vmem>>
      %dma_wait3A_102 = tpu.memref_slice %arg17[%run_scoped3A_69, %add3A_29] : memref<16x10240xi32, #tpu.memory_space<vmem_shared>> -> memref<1x320xi32, #tpu.memory_space<vmem_shared>>
      %dma_wait3A_103 = tpu.memref_squeeze %dma_wait3A_102 : memref<1x320xi32, #tpu.memory_space<vmem_shared>> -> memref<320xi32, #tpu.memory_space<vmem_shared>>
      tpu.wait_dma2 semaphore(%run_scoped3A_85 : memref<!tpu.dma_semaphore, #tpu.memory_space<semaphore_mem>>) src(%dma_wait3A_103 : memref<320xi32, #tpu.memory_space<vmem_shared>>) dst(%dma_wait3A_101 : memref<320xi32, #tpu.memory_space<vmem>>)
      tpu.yield
    }) : () -> ()
    %scan3A_71 = arith.constant 0 : i32
    %scan3A_72 = arith.constant 20 : i32
    %scan3A_73 = arith.addi %scan3A_71, %scan3A_72 : i32
    %scan3A_74 = arith.constant 1 : i32
    scf.for %scan3A_85 = %scan3A_71 to %scan3A_73 step %scan3A_74  : i32 {
      %mul3A_86 = arith.constant 1 : i32
      %mul3A_87 = arith.muli %scan3A_85, %mul3A_86 : i32
      %add3A_88 = arith.constant 0 : i32
      %add3A_89 = arith.addi %add3A_88, %mul3A_87 : i32
      %mul3A_90 = arith.constant 16 : i32
      %mul3A_91 = arith.muli %add3A_89, %mul3A_90 : i32
      %get3A_92 = arith.constant 0 : i32
      %get3A_93 = arith.index_cast %get3A_92 : i32 to index
      %get3A_94 = arith.index_cast %mul3A_91 : i32 to index
      %get3A_95 = tpu.vector_load %arg12[%get3A_93, %get3A_94] {strides = array<i32>} : memref<16x320xi32, #tpu.memory_space<vmem>>, vector<16xi32>,
      %mul3A_96 = arith.constant 16 : i32
      %mul3A_97 = arith.muli %add3A_89, %mul3A_96 : i32
      %get3A_98 = arith.constant 1 : i32
      %get3A_99 = arith.index_cast %get3A_98 : i32 to index
      %get3A_100 = arith.index_cast %mul3A_97 : i32 to index
      %get3A_101 = tpu.vector_load %arg12[%get3A_99, %get3A_100] {strides = array<i32>} : memref<16x320xi32, #tpu.memory_space<vmem>>, vector<16xi32>,
      %add3A_102 = arith.addi %get3A_95, %get3A_101 : vector<16xi32>
      %mul3A_103 = arith.constant 16 : i32
      %mul3A_104 = arith.muli %add3A_89, %mul3A_103 : i32
      %get3A_105 = arith.constant 2 : i32
      %get3A_106 = arith.index_cast %get3A_105 : i32 to index
      %get3A_107 = arith.index_cast %mul3A_104 : i32 to index
      %get3A_108 = tpu.vector_load %arg12[%get3A_106, %get3A_107] {strides = array<i32>} : memref<16x320xi32, #tpu.memory_space<vmem>>, vector<16xi32>,
      %add3A_109 = arith.addi %add3A_102, %get3A_108 : vector<16xi32>
      %mul3A_110 = arith.constant 16 : i32
      %mul3A_111 = arith.muli %add3A_89, %mul3A_110 : i32
      %get3A_112 = arith.constant 3 : i32
      %get3A_113 = arith.index_cast %get3A_112 : i32 to index
      %get3A_114 = arith.index_cast %mul3A_111 : i32 to index
      %get3A_115 = tpu.vector_load %arg12[%get3A_113, %get3A_114] {strides = array<i32>} : memref<16x320xi32, #tpu.memory_space<vmem>>, vector<16xi32>,
      %add3A_116 = arith.addi %add3A_109, %get3A_115 : vector<16xi32>
      %mul3A_117 = arith.constant 16 : i32
      %mul3A_118 = arith.muli %add3A_89, %mul3A_117 : i32
      %get3A_119 = arith.constant 4 : i32
      %get3A_120 = arith.index_cast %get3A_119 : i32 to index
      %get3A_121 = arith.index_cast %mul3A_118 : i32 to index
      %get3A_122 = tpu.vector_load %arg12[%get3A_120, %get3A_121] {strides = array<i32>} : memref<16x320xi32, #tpu.memory_space<vmem>>, vector<16xi32>,
      %add3A_123 = arith.addi %add3A_116, %get3A_122 : vector<16xi32>
      %mul3A_124 = arith.constant 16 : i32
      %mul3A_125 = arith.muli %add3A_89, %mul3A_124 : i32
      %get3A_126 = arith.constant 5 : i32
      %get3A_127 = arith.index_cast %get3A_126 : i32 to index
      %get3A_128 = arith.index_cast %mul3A_125 : i32 to index
      %get3A_129 = tpu.vector_load %arg12[%get3A_127, %get3A_128] {strides = array<i32>} : memref<16x320xi32, #tpu.memory_space<vmem>>, vector<16xi32>,
      %add3A_130 = arith.addi %add3A_123, %get3A_129 : vector<16xi32>
      %mul3A_131 = arith.constant 16 : i32
      %mul3A_132 = arith.muli %add3A_89, %mul3A_131 : i32
      %get3A_133 = arith.constant 6 : i32
      %get3A_134 = arith.index_cast %get3A_133 : i32 to index
      %get3A_135 = arith.index_cast %mul3A_132 : i32 to index
      %get3A_136 = tpu.vector_load %arg12[%get3A_134, %get3A_135] {strides = array<i32>} : memref<16x320xi32, #tpu.memory_space<vmem>>, vector<16xi32>,
      %add3A_137 = arith.addi %add3A_130, %get3A_136 : vector<16xi32>
      %mul3A_138 = arith.constant 16 : i32
      %mul3A_139 = arith.muli %add3A_89, %mul3A_138 : i32
      %get3A_140 = arith.constant 7 : i32
      %get3A_141 = arith.index_cast %get3A_140 : i32 to index
      %get3A_142 = arith.index_cast %mul3A_139 : i32 to index
      %get3A_143 = tpu.vector_load %arg12[%get3A_141, %get3A_142] {strides = array<i32>} : memref<16x320xi32, #tpu.memory_space<vmem>>, vector<16xi32>,
      %add3A_144 = arith.addi %add3A_137, %get3A_143 : vector<16xi32>
      %mul3A_145 = arith.constant 16 : i32
      %mul3A_146 = arith.muli %add3A_89, %mul3A_145 : i32
      %get3A_147 = arith.constant 8 : i32
      %get3A_148 = arith.index_cast %get3A_147 : i32 to index
      %get3A_149 = arith.index_cast %mul3A_146 : i32 to index
      %get3A_150 = tpu.vector_load %arg12[%get3A_148, %get3A_149] {strides = array<i32>} : memref<16x320xi32, #tpu.memory_space<vmem>>, vector<16xi32>,
      %add3A_151 = arith.addi %add3A_144, %get3A_150 : vector<16xi32>
      %mul3A_152 = arith.constant 16 : i32
      %mul3A_153 = arith.muli %add3A_89, %mul3A_152 : i32
      %get3A_154 = arith.constant 9 : i32
      %get3A_155 = arith.index_cast %get3A_154 : i32 to index
      %get3A_156 = arith.index_cast %mul3A_153 : i32 to index
      %get3A_157 = tpu.vector_load %arg12[%get3A_155, %get3A_156] {strides = array<i32>} : memref<16x320xi32, #tpu.memory_space<vmem>>, vector<16xi32>,
      %add3A_158 = arith.addi %add3A_151, %get3A_157 : vector<16xi32>
      %mul3A_159 = arith.constant 16 : i32
      %mul3A_160 = arith.muli %add3A_89, %mul3A_159 : i32
      %get3A_161 = arith.constant 10 : i32
      %get3A_162 = arith.index_cast %get3A_161 : i32 to index
      %get3A_163 = arith.index_cast %mul3A_160 : i32 to index
      %get3A_164 = tpu.vector_load %arg12[%get3A_162, %get3A_163] {strides = array<i32>} : memref<16x320xi32, #tpu.memory_space<vmem>>, vector<16xi32>,
      %add3A_165 = arith.addi %add3A_158, %get3A_164 : vector<16xi32>
      %mul3A_166 = arith.constant 16 : i32
      %mul3A_167 = arith.muli %add3A_89, %mul3A_166 : i32
      %get3A_168 = arith.constant 11 : i32
      %get3A_169 = arith.index_cast %get3A_168 : i32 to index
      %get3A_170 = arith.index_cast %mul3A_167 : i32 to index
      %get3A_171 = tpu.vector_load %arg12[%get3A_169, %get3A_170] {strides = array<i32>} : memref<16x320xi32, #tpu.memory_space<vmem>>, vector<16xi32>,
      %add3A_172 = arith.addi %add3A_165, %get3A_171 : vector<16xi32>
      %mul3A_173 = arith.constant 16 : i32
      %mul3A_174 = arith.muli %add3A_89, %mul3A_173 : i32
      %get3A_175 = arith.constant 12 : i32
      %get3A_176 = arith.index_cast %get3A_175 : i32 to index
      %get3A_177 = arith.index_cast %mul3A_174 : i32 to index
      %get3A_178 = tpu.vector_load %arg12[%get3A_176, %get3A_177] {strides = array<i32>} : memref<16x320xi32, #tpu.memory_space<vmem>>, vector<16xi32>,
      %add3A_179 = arith.addi %add3A_172, %get3A_178 : vector<16xi32>
      %mul3A_180 = arith.constant 16 : i32
      %mul3A_181 = arith.muli %add3A_89, %mul3A_180 : i32
      %get3A_182 = arith.constant 13 : i32
      %get3A_183 = arith.index_cast %get3A_182 : i32 to index
      %get3A_184 = arith.index_cast %mul3A_181 : i32 to index
      %get3A_185 = tpu.vector_load %arg12[%get3A_183, %get3A_184] {strides = array<i32>} : memref<16x320xi32, #tpu.memory_space<vmem>>, vector<16xi32>,
      %add3A_186 = arith.addi %add3A_179, %get3A_185 : vector<16xi32>
      %mul3A_187 = arith.constant 16 : i32
      %mul3A_188 = arith.muli %add3A_89, %mul3A_187 : i32
      %get3A_189 = arith.constant 14 : i32
      %get3A_190 = arith.index_cast %get3A_189 : i32 to index
      %get3A_191 = arith.index_cast %mul3A_188 : i32 to index
      %get3A_192 = tpu.vector_load %arg12[%get3A_190, %get3A_191] {strides = array<i32>} : memref<16x320xi32, #tpu.memory_space<vmem>>, vector<16xi32>,
      %add3A_193 = arith.addi %add3A_186, %get3A_192 : vector<16xi32>
      %mul3A_194 = arith.constant 16 : i32
      %mul3A_195 = arith.muli %add3A_89, %mul3A_194 : i32
      %get3A_196 = arith.constant 15 : i32
      %get3A_197 = arith.index_cast %get3A_196 : i32 to index
      %get3A_198 = arith.index_cast %mul3A_195 : i32 to index
      %get3A_199 = tpu.vector_load %arg12[%get3A_197, %get3A_198] {strides = array<i32>} : memref<16x320xi32, #tpu.memory_space<vmem>>, vector<16xi32>,
      %add3A_200 = arith.addi %add3A_193, %get3A_199 : vector<16xi32>
      %convert_element_type3A_201 = arith.sitofp %add3A_200 : vector<16xi32> to vector<16xf32>
      %add3A_202 = arith.constant 1.000000e+00 : f32
      %add3A_203 = vector.broadcast %add3A_202 : f32 to vector<16xf32>
      %add3A_204 = arith.addf %convert_element_type3A_201, %add3A_203 : vector<16xf32>
      %bitcast3A = vector.bitcast %add3A_204 : vector<16xf32> to vector<16xi32>
      %shift_right_arithmetic3A = arith.constant 1 : i32
      %shift_right_arithmetic3A_205 = vector.broadcast %shift_right_arithmetic3A : i32 to vector<16xi32>
      %shift_right_arithmetic3A_206 = arith.shrsi %bitcast3A, %shift_right_arithmetic3A_205 : vector<16xi32>
      %sub3A = arith.constant 1597463007 : i32
      %sub3A_207 = vector.broadcast %sub3A : i32 to vector<16xi32>
      %sub3A_208 = arith.subi %sub3A_207, %shift_right_arithmetic3A_206 : vector<16xi32>
      %bitcast3A_209 = vector.bitcast %sub3A_208 : vector<16xi32> to vector<16xf32>
      %mul3A_210 = arith.constant 5.000000e-01 : f32
      %mul3A_211 = vector.broadcast %mul3A_210 : f32 to vector<16xf32>
      %mul3A_212 = arith.mulf %mul3A_211, %add3A_204 : vector<16xf32>
      %mul3A_213 = arith.mulf %mul3A_212, %bitcast3A_209 : vector<16xf32>
      %mul3A_214 = arith.mulf %mul3A_213, %bitcast3A_209 : vector<16xf32>
      %sub3A_215 = arith.constant 1.500000e+00 : f32
      %sub3A_216 = vector.broadcast %sub3A_215 : f32 to vector<16xf32>
      %sub3A_217 = arith.subf %sub3A_216, %mul3A_214 : vector<16xf32>
      %mul3A_218 = arith.mulf %bitcast3A_209, %sub3A_217 : vector<16xf32>
      %mul3A_219 = arith.constant 5.000000e-01 : f32
      %mul3A_220 = vector.broadcast %mul3A_219 : f32 to vector<16xf32>
      %mul3A_221 = arith.mulf %mul3A_220, %add3A_204 : vector<16xf32>
      %mul3A_222 = arith.mulf %mul3A_221, %mul3A_218 : vector<16xf32>
      %mul3A_223 = arith.mulf %mul3A_222, %mul3A_218 : vector<16xf32>
      %sub3A_224 = arith.constant 1.500000e+00 : f32
      %sub3A_225 = vector.broadcast %sub3A_224 : f32 to vector<16xf32>
      %sub3A_226 = arith.subf %sub3A_225, %mul3A_223 : vector<16xf32>
      %mul3A_227 = arith.mulf %mul3A_218, %sub3A_226 : vector<16xf32>
      %mul3A_228 = arith.constant 5.000000e-01 : f32
      %mul3A_229 = vector.broadcast %mul3A_228 : f32 to vector<16xf32>
      %mul3A_230 = arith.mulf %mul3A_229, %add3A_204 : vector<16xf32>
      %mul3A_231 = arith.mulf %mul3A_230, %mul3A_227 : vector<16xf32>
      %mul3A_232 = arith.mulf %mul3A_231, %mul3A_227 : vector<16xf32>
      %sub3A_233 = arith.constant 1.500000e+00 : f32
      %sub3A_234 = vector.broadcast %sub3A_233 : f32 to vector<16xf32>
      %sub3A_235 = arith.subf %sub3A_234, %mul3A_232 : vector<16xf32>
      %mul3A_236 = arith.mulf %mul3A_227, %sub3A_235 : vector<16xf32>
      %mul3A_237 = arith.constant 16 : i32
      %mul3A_238 = arith.muli %add3A_89, %mul3A_237 : i32
      %swap3A = arith.index_cast %mul3A_238 : i32 to index
      %swap3A_239 = tpu.vector_load %arg16[%swap3A] {strides = array<i32>} : memref<320xf32, #tpu.memory_space<vmem>>, vector<16xf32>,
      tpu.vector_store %arg16[%swap3A], %mul3A_236 {strides = array<i32>} : memref<320xf32, #tpu.memory_space<vmem>>, vector<16xf32>,
    }
    %scan3A_75 = arith.constant 20 : i32
    %iota3A = tpu.iota {dimensions = array<i32: 0>} : vector<16xi32>
    %scan3A_76 = arith.constant 0 : i32
    %scan3A_77 = arith.constant 160 : i32
    %scan3A_78 = arith.addi %scan3A_76, %scan3A_77 : i32
    %scan3A_79 = arith.constant 2 : i32
    scf.for %scan3A_85 = %scan3A_76 to %scan3A_78 step %scan3A_79  : i32 {
      %mul3A_86 = arith.constant 1 : i32
      %mul3A_87 = arith.muli %scan3A_85, %mul3A_86 : i32
      %add3A_88 = arith.constant 0 : i32
      %add3A_89 = arith.addi %add3A_88, %mul3A_87 : i32
      %mul3A_90 = arith.constant 16 : i32
      %mul3A_91 = arith.muli %mul3A_90, %add3A_89 : i32
      %add3A_92 = vector.broadcast %mul3A_91 : i32 to vector<16xi32>
      %add3A_93 = arith.addi %add3A_92, %iota3A : vector<16xi32>
      %shift_right_arithmetic3A = arith.constant 3 : i32
      %shift_right_arithmetic3A_94 = vector.broadcast %shift_right_arithmetic3A : i32 to vector<16xi32>
      %shift_right_arithmetic3A_95 = arith.shrsi %add3A_93, %shift_right_arithmetic3A_94 : vector<16xi32>
      %and3A = arith.constant 7 : i32
      %and3A_96 = vector.broadcast %and3A : i32 to vector<16xi32>
      %and3A_97 = arith.andi %add3A_93, %and3A_96 : vector<16xi32>
      %mul3A_98 = arith.constant 320 : i32
      %mul3A_99 = vector.broadcast %mul3A_98 : i32 to vector<16xi32>
      %mul3A_100 = arith.muli %and3A_97, %mul3A_99 : vector<16xi32>
      %add3A_101 = arith.addi %mul3A_100, %shift_right_arithmetic3A_95 : vector<16xi32>
      %min3A = arith.constant 1599 : i32
      %min3A_102 = vector.broadcast %min3A : i32 to vector<16xi32>
      %min3A_103 = arith.minsi %add3A_101, %min3A_102 : vector<16xi32>
      %gather3A = tpu.vector_load_idx %arg13[%min3A_103] : memref<1600xf32, #tpu.memory_space<vmem>>[vector<16xi32>], vector<16xf32>,
      %lt3A = arith.constant 5 : i32
      %lt3A_104 = vector.broadcast %lt3A : i32 to vector<16xi32>
      %lt3A_105 = arith.cmpi slt, %and3A_97, %lt3A_104 : vector<16xi32>
      %jit3A = arith.constant 0.000000e+00 : f32
      %broadcast_in_dim3A_106 = vector.broadcast %jit3A : f32 to vector<16xf32>
      %select_n3A = arith.select %lt3A_105, %gather3A, %broadcast_in_dim3A_106 : vector<16xi1>, vector<16xf32>
      %gather3A_107 = tpu.vector_load_idx %arg16[%shift_right_arithmetic3A_95] : memref<320xf32, #tpu.memory_space<vmem>>[vector<16xi32>], vector<16xf32>,
      %mul3A_108 = arith.constant 16 : i32
      %mul3A_109 = arith.muli %mul3A_108, %add3A_89 : i32
      %swap3A = arith.index_cast %mul3A_109 : i32 to index
      %swap3A_110 = tpu.vector_load %arg15[%swap3A] {strides = array<i32>} : memref<2560xf32, #tpu.memory_space<vmem>>, vector<16xf32>,
      tpu.vector_store %arg15[%swap3A], %gather3A_107 {strides = array<i32>} : memref<2560xf32, #tpu.memory_space<vmem>>, vector<16xf32>,
      %mul3A_111 = arith.mulf %gather3A_107, %select_n3A : vector<16xf32>
      %mul3A_112 = arith.constant 16 : i32
      %mul3A_113 = arith.muli %mul3A_112, %add3A_89 : i32
      %swap3A_114 = arith.index_cast %mul3A_113 : i32 to index
      %swap3A_115 = tpu.vector_load %arg14[%swap3A_114] {strides = array<i32>} : memref<2560xf32, #tpu.memory_space<vmem>>, vector<16xf32>,
      tpu.vector_store %arg14[%swap3A_114], %mul3A_111 {strides = array<i32>} : memref<2560xf32, #tpu.memory_space<vmem>>, vector<16xf32>,
      %scan3A_116 = arith.constant 1 : i32
      %scan3A_117 = arith.addi %scan3A_85, %scan3A_116 : i32
      %mul3A_118 = arith.constant 1 : i32
      %mul3A_119 = arith.muli %scan3A_117, %mul3A_118 : i32
      %add3A_120 = arith.constant 0 : i32
      %add3A_121 = arith.addi %add3A_120, %mul3A_119 : i32
      %mul3A_122 = arith.constant 16 : i32
      %mul3A_123 = arith.muli %mul3A_122, %add3A_121 : i32
      %add3A_124 = vector.broadcast %mul3A_123 : i32 to vector<16xi32>
      %add3A_125 = arith.addi %add3A_124, %iota3A : vector<16xi32>
      %shift_right_arithmetic3A_126 = arith.constant 3 : i32
      %shift_right_arithmetic3A_127 = vector.broadcast %shift_right_arithmetic3A_126 : i32 to vector<16xi32>
      %shift_right_arithmetic3A_128 = arith.shrsi %add3A_125, %shift_right_arithmetic3A_127 : vector<16xi32>
      %and3A_129 = arith.constant 7 : i32
      %and3A_130 = vector.broadcast %and3A_129 : i32 to vector<16xi32>
      %and3A_131 = arith.andi %add3A_125, %and3A_130 : vector<16xi32>
      %mul3A_132 = arith.constant 320 : i32
      %mul3A_133 = vector.broadcast %mul3A_132 : i32 to vector<16xi32>
      %mul3A_134 = arith.muli %and3A_131, %mul3A_133 : vector<16xi32>
      %add3A_135 = arith.addi %mul3A_134, %shift_right_arithmetic3A_128 : vector<16xi32>
      %min3A_136 = arith.constant 1599 : i32
      %min3A_137 = vector.broadcast %min3A_136 : i32 to vector<16xi32>
      %min3A_138 = arith.minsi %add3A_135, %min3A_137 : vector<16xi32>
      %gather3A_139 = tpu.vector_load_idx %arg13[%min3A_138] : memref<1600xf32, #tpu.memory_space<vmem>>[vector<16xi32>], vector<16xf32>,
      %lt3A_140 = arith.constant 5 : i32
      %lt3A_141 = vector.broadcast %lt3A_140 : i32 to vector<16xi32>
      %lt3A_142 = arith.cmpi slt, %and3A_131, %lt3A_141 : vector<16xi32>
      %jit3A_143 = arith.constant 0.000000e+00 : f32
      %broadcast_in_dim3A_144 = vector.broadcast %jit3A_143 : f32 to vector<16xf32>
      %select_n3A_145 = arith.select %lt3A_142, %gather3A_139, %broadcast_in_dim3A_144 : vector<16xi1>, vector<16xf32>
      %gather3A_146 = tpu.vector_load_idx %arg16[%shift_right_arithmetic3A_128] : memref<320xf32, #tpu.memory_space<vmem>>[vector<16xi32>], vector<16xf32>,
      %mul3A_147 = arith.constant 16 : i32
      %mul3A_148 = arith.muli %mul3A_147, %add3A_121 : i32
      %swap3A_149 = arith.index_cast %mul3A_148 : i32 to index
      %swap3A_150 = tpu.vector_load %arg15[%swap3A_149] {strides = array<i32>} : memref<2560xf32, #tpu.memory_space<vmem>>, vector<16xf32>,
      tpu.vector_store %arg15[%swap3A_149], %gather3A_146 {strides = array<i32>} : memref<2560xf32, #tpu.memory_space<vmem>>, vector<16xf32>,
      %mul3A_151 = arith.mulf %gather3A_146, %select_n3A_145 : vector<16xf32>
      %mul3A_152 = arith.constant 16 : i32
      %mul3A_153 = arith.muli %mul3A_152, %add3A_121 : i32
      %swap3A_154 = arith.index_cast %mul3A_153 : i32 to index
      %swap3A_155 = tpu.vector_load %arg14[%swap3A_154] {strides = array<i32>} : memref<2560xf32, #tpu.memory_space<vmem>>, vector<16xf32>,
      tpu.vector_store %arg14[%swap3A_154], %mul3A_151 {strides = array<i32>} : memref<2560xf32, #tpu.memory_space<vmem>>, vector<16xf32>,
    }
    %scan3A_80 = arith.constant 160 : i32
    %mul3A_81 = arith.constant 8 : i32
    %mul3A_82 = arith.muli %add3A_29, %mul3A_81 : i32
    "tpu.region"() ({
      %run_scoped3A_85 = tpu.sem_alloc : memref<!tpu.dma_semaphore, #tpu.memory_space<semaphore_mem>>
      %dma_start3A = tpu.memref_slice %arg9[%mul3A_82] : memref<81920xf32, #tpu.memory_space<hbm>> -> memref<2560xf32, #tpu.memory_space<hbm>>
      %dma_start3A_86 = tpu.memref_slice %arg9[%mul3A_82] : memref<81920xf32, #tpu.memory_space<hbm>> -> memref<2560xf32, #tpu.memory_space<hbm>>
      tpu.enqueue_dma source(%arg15 : memref<2560xf32, #tpu.memory_space<vmem>>) target(%dma_start3A_86 : memref<2560xf32, #tpu.memory_space<hbm>>) target_semaphore(%run_scoped3A_85 : memref<!tpu.dma_semaphore, #tpu.memory_space<semaphore_mem>>)
      %dma_wait3A = tpu.memref_slice %arg9[%mul3A_82] : memref<81920xf32, #tpu.memory_space<hbm>> -> memref<2560xf32, #tpu.memory_space<hbm>>
      %dma_wait3A_87 = tpu.memref_slice %arg9[%mul3A_82] : memref<81920xf32, #tpu.memory_space<hbm>> -> memref<2560xf32, #tpu.memory_space<hbm>>
      tpu.wait_dma2 semaphore(%run_scoped3A_85 : memref<!tpu.dma_semaphore, #tpu.memory_space<semaphore_mem>>) src(%arg15 : memref<2560xf32, #tpu.memory_space<vmem>>) dst(%dma_wait3A_87 : memref<2560xf32, #tpu.memory_space<hbm>>)
      tpu.yield
    }) : () -> ()
    %mul3A_83 = arith.constant 8 : i32
    %mul3A_84 = arith.muli %add3A_29, %mul3A_83 : i32
    "tpu.region"() ({
      %run_scoped3A_85 = tpu.sem_alloc : memref<!tpu.dma_semaphore, #tpu.memory_space<semaphore_mem>>
      %dma_start3A = tpu.memref_slice %arg8[%mul3A_84] : memref<81920xf32, #tpu.memory_space<hbm>> -> memref<2560xf32, #tpu.memory_space<hbm>>
      %dma_start3A_86 = tpu.memref_slice %arg8[%mul3A_84] : memref<81920xf32, #tpu.memory_space<hbm>> -> memref<2560xf32, #tpu.memory_space<hbm>>
      tpu.enqueue_dma source(%arg14 : memref<2560xf32, #tpu.memory_space<vmem>>) target(%dma_start3A_86 : memref<2560xf32, #tpu.memory_space<hbm>>) target_semaphore(%run_scoped3A_85 : memref<!tpu.dma_semaphore, #tpu.memory_space<semaphore_mem>>)
      %dma_wait3A = tpu.memref_slice %arg8[%mul3A_84] : memref<81920xf32, #tpu.memory_space<hbm>> -> memref<2560xf32, #tpu.memory_space<hbm>>
      %dma_wait3A_87 = tpu.memref_slice %arg8[%mul3A_84] : memref<81920xf32, #tpu.memory_space<hbm>> -> memref<2560xf32, #tpu.memory_space<hbm>>
      tpu.wait_dma2 semaphore(%run_scoped3A_85 : memref<!tpu.dma_semaphore, #tpu.memory_space<semaphore_mem>>) src(%arg14 : memref<2560xf32, #tpu.memory_space<vmem>>) dst(%dma_wait3A_87 : memref<2560xf32, #tpu.memory_space<hbm>>)
      tpu.yield
    }) : () -> ()
    return
  }
}

#map = affine_map<(d0, d1) -> (0, 0)>
#map1 = affine_map<(d0, d1) -> (0, 0, 0)>
module attributes {stable_mosaic.version = 14 : i64} {
  func.func @_agg_body(%arg0: i32, %arg1: i32, %arg2: memref<10240x8xf32, #tpu.memory_space<hbm>>, %arg3: memref<1250x128xi32, #tpu.memory_space<hbm>>, %arg4: memref<1250x128xi32, #tpu.memory_space<hbm>>, %arg5: memref<10240x8xf32, #tpu.memory_space<hbm>>, %arg6: memref<2x10240x8xf32, #tpu.memory_space<hbm>>, %arg7: memref<40x128xi32, #tpu.memory_space<vmem>>, %arg8: memref<40x128xi32, #tpu.memory_space<vmem>>, %arg9: memref<16x128x8xf32, #tpu.memory_space<vmem>>, %arg10: memref<!tpu.dma_semaphore, #tpu.memory_space<semaphore_mem>>, %arg11: memref<!tpu.dma_semaphore, #tpu.memory_space<semaphore_mem>>, %arg12: memref<10240x8xf32, #tpu.memory_space<vmem_shared>>) attributes {dimension_semantics = [#tpu.dimension_semantics<core_parallel>, #tpu.dimension_semantics<subcore_parallel>], iteration_bounds = array<i64: 2, 16>, scalar_prefetch = 0 : i64, scratch_operands = 6 : i64, tpu.core_type = #tpu.core_type<sc_vector_subcore>, window_params = [{transform_indices = #map}, {transform_indices = #map}, {transform_indices = #map}, {transform_indices = #map}, {transform_indices = #map1}]} {
    %mul3A = arith.constant 16 : i32
    %mul3A_0 = arith.muli %arg0, %mul3A : i32
    %add3A = arith.addi %mul3A_0, %arg1 : i32
    %mul3A_1 = arith.constant 640 : i32
    %mul3A_2 = arith.muli %arg1, %mul3A_1 : i32
    "tpu.region"() ({
      %run_scoped3A = tpu.sem_alloc : memref<!tpu.dma_semaphore, #tpu.memory_space<semaphore_mem>>
      %dma_start3A = arith.constant 0 : i32
      %dma_start3A_58 = tpu.memref_slice %arg12[%mul3A_2, %dma_start3A] : memref<10240x8xf32, #tpu.memory_space<vmem_shared>> -> memref<640x8xf32, #tpu.memory_space<vmem_shared>>
      %dma_start3A_59 = arith.constant 0 : i32
      %dma_start3A_60 = tpu.memref_slice %arg5[%mul3A_2, %dma_start3A_59] : memref<10240x8xf32, #tpu.memory_space<hbm>> -> memref<640x8xf32, #tpu.memory_space<hbm>>
      tpu.enqueue_dma source(%dma_start3A_60 : memref<640x8xf32, #tpu.memory_space<hbm>>) target(%dma_start3A_58 : memref<640x8xf32, #tpu.memory_space<vmem_shared>>) target_semaphore(%run_scoped3A : memref<!tpu.dma_semaphore, #tpu.memory_space<semaphore_mem>>)
      %dma_wait3A = arith.constant 0 : i32
      %dma_wait3A_61 = tpu.memref_slice %arg12[%mul3A_2, %dma_wait3A] : memref<10240x8xf32, #tpu.memory_space<vmem_shared>> -> memref<640x8xf32, #tpu.memory_space<vmem_shared>>
      %dma_wait3A_62 = arith.constant 0 : i32
      %dma_wait3A_63 = tpu.memref_slice %arg5[%mul3A_2, %dma_wait3A_62] : memref<10240x8xf32, #tpu.memory_space<hbm>> -> memref<640x8xf32, #tpu.memory_space<hbm>>
      tpu.wait_dma2 semaphore(%run_scoped3A : memref<!tpu.dma_semaphore, #tpu.memory_space<semaphore_mem>>) src(%dma_wait3A_63 : memref<640x8xf32, #tpu.memory_space<hbm>>) dst(%dma_wait3A_61 : memref<640x8xf32, #tpu.memory_space<vmem_shared>>)
      tpu.yield
    }) : () -> ()
    %mul3A_3 = arith.constant 39 : i32
    %mul3A_4 = arith.muli %add3A, %mul3A_3 : i32
    %min3A = arith.constant 2 : i32
    %min3A_5 = arith.minsi %add3A, %min3A : i32
    %add3A_6 = arith.addi %mul3A_4, %min3A_5 : i32
    %lt3A = arith.constant 2 : i32
    %lt3A_7 = arith.cmpi slt, %add3A, %lt3A : i32
    %convert_element_type3A = arith.extui %lt3A_7 : i1 to i32
    %add3A_8 = arith.constant 39 : i32
    %add3A_9 = arith.addi %add3A_8, %convert_element_type3A : i32
    %lt3A_10 = arith.constant 2 : i32
    %lt3A_11 = arith.cmpi slt, %add3A, %lt3A_10 : i32
    %convert_element_type3A_12 = arith.extui %lt3A_11 : i1 to i32
    %cond3A = arith.constant 0 : i32
    %cond3A_13 = arith.cmpi ne, %convert_element_type3A_12, %cond3A : i32
    scf.if %cond3A_13 {
      "tpu.region"() ({
        %run_scoped3A = tpu.sem_alloc : memref<!tpu.dma_semaphore, #tpu.memory_space<semaphore_mem>>
        %dma_start3A = arith.constant 0 : i32
        %dma_start3A_58 = tpu.memref_slice %arg3[%add3A_6, %dma_start3A] : memref<1250x128xi32, #tpu.memory_space<hbm>> -> memref<40x128xi32, #tpu.memory_space<hbm>>
        %dma_start3A_59 = arith.constant 0 : i32
        %dma_start3A_60 = tpu.memref_slice %arg3[%add3A_6, %dma_start3A_59] : memref<1250x128xi32, #tpu.memory_space<hbm>> -> memref<40x128xi32, #tpu.memory_space<hbm>>
        tpu.enqueue_dma source(%dma_start3A_60 : memref<40x128xi32, #tpu.memory_space<hbm>>) target(%arg7 : memref<40x128xi32, #tpu.memory_space<vmem>>) target_semaphore(%run_scoped3A : memref<!tpu.dma_semaphore, #tpu.memory_space<semaphore_mem>>)
        %dma_wait3A = arith.constant 0 : i32
        %dma_wait3A_61 = tpu.memref_slice %arg3[%add3A_6, %dma_wait3A] : memref<1250x128xi32, #tpu.memory_space<hbm>> -> memref<40x128xi32, #tpu.memory_space<hbm>>
        %dma_wait3A_62 = arith.constant 0 : i32
        %dma_wait3A_63 = tpu.memref_slice %arg3[%add3A_6, %dma_wait3A_62] : memref<1250x128xi32, #tpu.memory_space<hbm>> -> memref<40x128xi32, #tpu.memory_space<hbm>>
        tpu.wait_dma2 semaphore(%run_scoped3A : memref<!tpu.dma_semaphore, #tpu.memory_space<semaphore_mem>>) src(%dma_wait3A_63 : memref<40x128xi32, #tpu.memory_space<hbm>>) dst(%arg7 : memref<40x128xi32, #tpu.memory_space<vmem>>)
        tpu.yield
      }) : () -> ()
      "tpu.region"() ({
        %run_scoped3A = tpu.sem_alloc : memref<!tpu.dma_semaphore, #tpu.memory_space<semaphore_mem>>
        %dma_start3A = arith.constant 0 : i32
        %dma_start3A_58 = tpu.memref_slice %arg4[%add3A_6, %dma_start3A] : memref<1250x128xi32, #tpu.memory_space<hbm>> -> memref<40x128xi32, #tpu.memory_space<hbm>>
        %dma_start3A_59 = arith.constant 0 : i32
        %dma_start3A_60 = tpu.memref_slice %arg4[%add3A_6, %dma_start3A_59] : memref<1250x128xi32, #tpu.memory_space<hbm>> -> memref<40x128xi32, #tpu.memory_space<hbm>>
        tpu.enqueue_dma source(%dma_start3A_60 : memref<40x128xi32, #tpu.memory_space<hbm>>) target(%arg8 : memref<40x128xi32, #tpu.memory_space<vmem>>) target_semaphore(%run_scoped3A : memref<!tpu.dma_semaphore, #tpu.memory_space<semaphore_mem>>)
        %dma_wait3A = arith.constant 0 : i32
        %dma_wait3A_61 = tpu.memref_slice %arg4[%add3A_6, %dma_wait3A] : memref<1250x128xi32, #tpu.memory_space<hbm>> -> memref<40x128xi32, #tpu.memory_space<hbm>>
        %dma_wait3A_62 = arith.constant 0 : i32
        %dma_wait3A_63 = tpu.memref_slice %arg4[%add3A_6, %dma_wait3A_62] : memref<1250x128xi32, #tpu.memory_space<hbm>> -> memref<40x128xi32, #tpu.memory_space<hbm>>
        tpu.wait_dma2 semaphore(%run_scoped3A : memref<!tpu.dma_semaphore, #tpu.memory_space<semaphore_mem>>) src(%dma_wait3A_63 : memref<40x128xi32, #tpu.memory_space<hbm>>) dst(%arg8 : memref<40x128xi32, #tpu.memory_space<vmem>>)
        tpu.yield
      }) : () -> ()
    } else {
    }
    %ge3A = arith.constant 2 : i32
    %ge3A_14 = arith.cmpi sge, %add3A, %ge3A : i32
    %convert_element_type3A_15 = arith.extui %ge3A_14 : i1 to i32
    %cond3A_16 = arith.constant 0 : i32
    %cond3A_17 = arith.cmpi ne, %convert_element_type3A_15, %cond3A_16 : i32
    scf.if %cond3A_17 {
      "tpu.region"() ({
        %run_scoped3A = tpu.sem_alloc : memref<!tpu.dma_semaphore, #tpu.memory_space<semaphore_mem>>
        %dma_start3A = arith.constant 0 : i32
        %dma_start3A_58 = arith.constant 0 : i32
        %dma_start3A_59 = tpu.memref_slice %arg7[%dma_start3A, %dma_start3A_58] : memref<40x128xi32, #tpu.memory_space<vmem>> -> memref<39x128xi32, #tpu.memory_space<vmem>>
        %dma_start3A_60 = arith.constant 0 : i32
        %dma_start3A_61 = tpu.memref_slice %arg3[%add3A_6, %dma_start3A_60] : memref<1250x128xi32, #tpu.memory_space<hbm>> -> memref<39x128xi32, #tpu.memory_space<hbm>>
        %dma_start3A_62 = arith.constant 0 : i32
        %dma_start3A_63 = arith.constant 0 : i32
        %dma_start3A_64 = tpu.memref_slice %arg7[%dma_start3A_62, %dma_start3A_63] : memref<40x128xi32, #tpu.memory_space<vmem>> -> memref<39x128xi32, #tpu.memory_space<vmem>>
        %dma_start3A_65 = arith.constant 0 : i32
        %dma_start3A_66 = tpu.memref_slice %arg3[%add3A_6, %dma_start3A_65] : memref<1250x128xi32, #tpu.memory_space<hbm>> -> memref<39x128xi32, #tpu.memory_space<hbm>>
        tpu.enqueue_dma source(%dma_start3A_66 : memref<39x128xi32, #tpu.memory_space<hbm>>) target(%dma_start3A_64 : memref<39x128xi32, #tpu.memory_space<vmem>>) target_semaphore(%run_scoped3A : memref<!tpu.dma_semaphore, #tpu.memory_space<semaphore_mem>>)
        %dma_wait3A = arith.constant 0 : i32
        %dma_wait3A_67 = arith.constant 0 : i32
        %dma_wait3A_68 = tpu.memref_slice %arg7[%dma_wait3A, %dma_wait3A_67] : memref<40x128xi32, #tpu.memory_space<vmem>> -> memref<39x128xi32, #tpu.memory_space<vmem>>
        %dma_wait3A_69 = arith.constant 0 : i32
        %dma_wait3A_70 = tpu.memref_slice %arg3[%add3A_6, %dma_wait3A_69] : memref<1250x128xi32, #tpu.memory_space<hbm>> -> memref<39x128xi32, #tpu.memory_space<hbm>>
        %dma_wait3A_71 = arith.constant 0 : i32
        %dma_wait3A_72 = arith.constant 0 : i32
        %dma_wait3A_73 = tpu.memref_slice %arg7[%dma_wait3A_71, %dma_wait3A_72] : memref<40x128xi32, #tpu.memory_space<vmem>> -> memref<39x128xi32, #tpu.memory_space<vmem>>
        %dma_wait3A_74 = arith.constant 0 : i32
        %dma_wait3A_75 = tpu.memref_slice %arg3[%add3A_6, %dma_wait3A_74] : memref<1250x128xi32, #tpu.memory_space<hbm>> -> memref<39x128xi32, #tpu.memory_space<hbm>>
        tpu.wait_dma2 semaphore(%run_scoped3A : memref<!tpu.dma_semaphore, #tpu.memory_space<semaphore_mem>>) src(%dma_wait3A_75 : memref<39x128xi32, #tpu.memory_space<hbm>>) dst(%dma_wait3A_73 : memref<39x128xi32, #tpu.memory_space<vmem>>)
        tpu.yield
      }) : () -> ()
      "tpu.region"() ({
        %run_scoped3A = tpu.sem_alloc : memref<!tpu.dma_semaphore, #tpu.memory_space<semaphore_mem>>
        %dma_start3A = arith.constant 0 : i32
        %dma_start3A_58 = arith.constant 0 : i32
        %dma_start3A_59 = tpu.memref_slice %arg8[%dma_start3A, %dma_start3A_58] : memref<40x128xi32, #tpu.memory_space<vmem>> -> memref<39x128xi32, #tpu.memory_space<vmem>>
        %dma_start3A_60 = arith.constant 0 : i32
        %dma_start3A_61 = tpu.memref_slice %arg4[%add3A_6, %dma_start3A_60] : memref<1250x128xi32, #tpu.memory_space<hbm>> -> memref<39x128xi32, #tpu.memory_space<hbm>>
        %dma_start3A_62 = arith.constant 0 : i32
        %dma_start3A_63 = arith.constant 0 : i32
        %dma_start3A_64 = tpu.memref_slice %arg8[%dma_start3A_62, %dma_start3A_63] : memref<40x128xi32, #tpu.memory_space<vmem>> -> memref<39x128xi32, #tpu.memory_space<vmem>>
        %dma_start3A_65 = arith.constant 0 : i32
        %dma_start3A_66 = tpu.memref_slice %arg4[%add3A_6, %dma_start3A_65] : memref<1250x128xi32, #tpu.memory_space<hbm>> -> memref<39x128xi32, #tpu.memory_space<hbm>>
        tpu.enqueue_dma source(%dma_start3A_66 : memref<39x128xi32, #tpu.memory_space<hbm>>) target(%dma_start3A_64 : memref<39x128xi32, #tpu.memory_space<vmem>>) target_semaphore(%run_scoped3A : memref<!tpu.dma_semaphore, #tpu.memory_space<semaphore_mem>>)
        %dma_wait3A = arith.constant 0 : i32
        %dma_wait3A_67 = arith.constant 0 : i32
        %dma_wait3A_68 = tpu.memref_slice %arg8[%dma_wait3A, %dma_wait3A_67] : memref<40x128xi32, #tpu.memory_space<vmem>> -> memref<39x128xi32, #tpu.memory_space<vmem>>
        %dma_wait3A_69 = arith.constant 0 : i32
        %dma_wait3A_70 = tpu.memref_slice %arg4[%add3A_6, %dma_wait3A_69] : memref<1250x128xi32, #tpu.memory_space<hbm>> -> memref<39x128xi32, #tpu.memory_space<hbm>>
        %dma_wait3A_71 = arith.constant 0 : i32
        %dma_wait3A_72 = arith.constant 0 : i32
        %dma_wait3A_73 = tpu.memref_slice %arg8[%dma_wait3A_71, %dma_wait3A_72] : memref<40x128xi32, #tpu.memory_space<vmem>> -> memref<39x128xi32, #tpu.memory_space<vmem>>
        %dma_wait3A_74 = arith.constant 0 : i32
        %dma_wait3A_75 = tpu.memref_slice %arg4[%add3A_6, %dma_wait3A_74] : memref<1250x128xi32, #tpu.memory_space<hbm>> -> memref<39x128xi32, #tpu.memory_space<hbm>>
        tpu.wait_dma2 semaphore(%run_scoped3A : memref<!tpu.dma_semaphore, #tpu.memory_space<semaphore_mem>>) src(%dma_wait3A_75 : memref<39x128xi32, #tpu.memory_space<hbm>>) dst(%dma_wait3A_73 : memref<39x128xi32, #tpu.memory_space<vmem>>)
        tpu.yield
      }) : () -> ()
    } else {
    }
    %barrier3A = arith.constant 0 : index
    tpu.barrier barrier_id(%barrier3A)
    %scan3A = arith.constant 0 : i32
    %scan3A_18 = arith.constant 8 : i32
    %scan3A_19 = arith.addi %scan3A, %scan3A_18 : i32
    %scan3A_20 = arith.constant 1 : i32
    scf.for %scan3A_58 = %scan3A to %scan3A_19 step %scan3A_20  : i32 {
      %mul3A_59 = arith.constant 1 : i32
      %mul3A_60 = arith.muli %scan3A_58, %mul3A_59 : i32
      %add3A_61 = arith.constant 0 : i32
      %add3A_62 = arith.addi %add3A_61, %mul3A_60 : i32
      %dma_start3A = arith.constant 0 : i32
      %dma_start3A_63 = arith.constant 0 : i32
      %dma_start3A_64 = tpu.memref_slice %arg9[%add3A_62, %dma_start3A, %dma_start3A_63] : memref<16x128x8xf32, #tpu.memory_space<vmem>> -> memref<1x128x8xf32, #tpu.memory_space<vmem>>
      %dma_start3A_65 = tpu.memref_squeeze %dma_start3A_64 : memref<1x128x8xf32, #tpu.memory_space<vmem>> -> memref<128x8xf32, #tpu.memory_space<vmem>>
      %dma_start3A_66 = arith.constant 0 : i32
      %dma_start3A_67 = tpu.memref_slice %arg7[%add3A_62, %dma_start3A_66] : memref<40x128xi32, #tpu.memory_space<vmem>> -> memref<1x128xi32, #tpu.memory_space<vmem>>
      %dma_start3A_68 = tpu.memref_squeeze %dma_start3A_67 : memref<1x128xi32, #tpu.memory_space<vmem>> -> memref<128xi32, #tpu.memory_space<vmem>>
      %dma_start3A_69 = arith.constant 0 : i32
      %dma_start3A_70 = arith.constant 0 : i32
      %dma_start3A_71 = tpu.memref_slice %arg2[%dma_start3A_69, %dma_start3A_70] : memref<10240x8xf32, #tpu.memory_space<hbm>> -> memref<10240x8xf32, #tpu.memory_space<hbm>>
      tpu.enqueue_indirect_dma source(%dma_start3A_71 : memref<10240x8xf32, #tpu.memory_space<hbm>>) target(%dma_start3A_65 : memref<128x8xf32, #tpu.memory_space<vmem>>) offsets(%dma_start3A_68 : memref<128xi32, #tpu.memory_space<vmem>>) semaphore(%arg10 : memref<!tpu.dma_semaphore, #tpu.memory_space<semaphore_mem>>)
    }
    %scan3A_21 = arith.constant 8 : i32
    %sub3A = arith.constant 0 : i32
    %sub3A_22 = arith.subi %add3A_9, %sub3A : i32
    %sub3A_23 = arith.constant 1 : i32
    %sub3A_24 = arith.constant 1 : i32
    %sub3A_25 = arith.subi %sub3A_23, %sub3A_24 : i32
    %add3A_26 = arith.addi %sub3A_22, %sub3A_25 : i32
    %div3A = arith.constant 1 : i32
    %div3A_27 = arith.divsi %add3A_26, %div3A : i32
    %while3A = arith.constant 1 : i32
    %while3A_28 = arith.constant 0 : i32
    %while3A_29 = arith.constant 0 : i32
    %while3A_30 = arith.subi %div3A_27, %while3A_29 : i32
    %while3A_31 = arith.addi %while3A_29, %while3A_30 : i32
    %while3A_32 = arith.constant 1 : i32
    %while3A_33 = arith.divsi %while3A_30, %while3A_32 : i32
    %while3A_34 = arith.muli %while3A_33, %while3A_32 : i32
    %while3A_35 = arith.addi %while3A_29, %while3A_34 : i32
    %while3A_36 = arith.constant 1 : i32
    scf.for %while3A_58 = %while3A_29 to %while3A_35 step %while3A_36  : i32 {
      %mul3A_59 = arith.muli %while3A_58, %while3A : i32
      %add3A_60 = arith.addi %while3A_28, %mul3A_59 : i32
      %add3A_61 = arith.constant 8 : i32
      %add3A_62 = arith.addi %add3A_60, %add3A_61 : i32
      %lt3A_63 = arith.cmpi slt, %add3A_62, %add3A_9 : i32
      %convert_element_type3A_64 = arith.extui %lt3A_63 : i1 to i32
      %cond3A_65 = arith.constant 0 : i32
      %cond3A_66 = arith.cmpi ne, %convert_element_type3A_64, %cond3A_65 : i32
      scf.if %cond3A_66 {
        %add3A_86 = arith.constant 8 : i32
        %add3A_87 = arith.addi %add3A_60, %add3A_86 : i32
        %rem3A_88 = arith.constant 16 : i32
        %rem3A_89 = arith.remsi %add3A_87, %rem3A_88 : i32
        %ge3A_90 = arith.constant 16 : i32
        %ge3A_91 = arith.cmpi sge, %add3A_87, %ge3A_90 : i32
        %convert_element_type3A_92 = arith.extui %ge3A_91 : i1 to i32
        %cond3A_93 = arith.constant 0 : i32
        %cond3A_94 = arith.cmpi ne, %convert_element_type3A_92, %cond3A_93 : i32
        scf.if %cond3A_94 {
          %sub3A_105 = arith.constant 16 : i32
          %sub3A_106 = arith.subi %add3A_87, %sub3A_105 : i32
          %dma_wait3A_107 = arith.constant 0 : i32
          %dma_wait3A_108 = arith.constant 0 : i32
          %dma_wait3A_109 = tpu.memref_slice %arg9[%rem3A_89, %dma_wait3A_107, %dma_wait3A_108] : memref<16x128x8xf32, #tpu.memory_space<vmem>> -> memref<1x128x8xf32, #tpu.memory_space<vmem>>
          %dma_wait3A_110 = tpu.memref_squeeze %dma_wait3A_109 : memref<1x128x8xf32, #tpu.memory_space<vmem>> -> memref<128x8xf32, #tpu.memory_space<vmem>>
          %dma_wait3A_111 = arith.constant 0 : i32
          %dma_wait3A_112 = tpu.memref_slice %arg8[%sub3A_106, %dma_wait3A_111] : memref<40x128xi32, #tpu.memory_space<vmem>> -> memref<1x128xi32, #tpu.memory_space<vmem>>
          %dma_wait3A_113 = tpu.memref_squeeze %dma_wait3A_112 : memref<1x128xi32, #tpu.memory_space<vmem>> -> memref<128xi32, #tpu.memory_space<vmem>>
          %dma_wait3A_114 = arith.constant 0 : i32
          %dma_wait3A_115 = arith.constant 0 : i32
          %dma_wait3A_116 = tpu.memref_slice %arg12[%dma_wait3A_114, %dma_wait3A_115] : memref<10240x8xf32, #tpu.memory_space<vmem_shared>> -> memref<10240x8xf32, #tpu.memory_space<vmem_shared>>
          tpu.wait_indirect_dma semaphore(%arg11 : memref<!tpu.dma_semaphore, #tpu.memory_space<semaphore_mem>>) src(%dma_wait3A_110 : memref<128x8xf32, #tpu.memory_space<vmem>>) dst(%dma_wait3A_116 : memref<10240x8xf32, #tpu.memory_space<vmem_shared>>)
        } else {
        }
        %dma_start3A_95 = arith.constant 0 : i32
        %dma_start3A_96 = arith.constant 0 : i32
        %dma_start3A_97 = tpu.memref_slice %arg9[%rem3A_89, %dma_start3A_95, %dma_start3A_96] : memref<16x128x8xf32, #tpu.memory_space<vmem>> -> memref<1x128x8xf32, #tpu.memory_space<vmem>>
        %dma_start3A_98 = tpu.memref_squeeze %dma_start3A_97 : memref<1x128x8xf32, #tpu.memory_space<vmem>> -> memref<128x8xf32, #tpu.memory_space<vmem>>
        %dma_start3A_99 = arith.constant 0 : i32
        %dma_start3A_100 = tpu.memref_slice %arg7[%add3A_87, %dma_start3A_99] : memref<40x128xi32, #tpu.memory_space<vmem>> -> memref<1x128xi32, #tpu.memory_space<vmem>>
        %dma_start3A_101 = tpu.memref_squeeze %dma_start3A_100 : memref<1x128xi32, #tpu.memory_space<vmem>> -> memref<128xi32, #tpu.memory_space<vmem>>
        %dma_start3A_102 = arith.constant 0 : i32
        %dma_start3A_103 = arith.constant 0 : i32
        %dma_start3A_104 = tpu.memref_slice %arg2[%dma_start3A_102, %dma_start3A_103] : memref<10240x8xf32, #tpu.memory_space<hbm>> -> memref<10240x8xf32, #tpu.memory_space<hbm>>
        tpu.enqueue_indirect_dma source(%dma_start3A_104 : memref<10240x8xf32, #tpu.memory_space<hbm>>) target(%dma_start3A_98 : memref<128x8xf32, #tpu.memory_space<vmem>>) offsets(%dma_start3A_101 : memref<128xi32, #tpu.memory_space<vmem>>) semaphore(%arg10 : memref<!tpu.dma_semaphore, #tpu.memory_space<semaphore_mem>>)
      } else {
      }
      %rem3A = arith.constant 16 : i32
      %rem3A_67 = arith.remsi %add3A_60, %rem3A : i32
      %dma_wait3A = arith.constant 0 : i32
      %dma_wait3A_68 = arith.constant 0 : i32
      %dma_wait3A_69 = tpu.memref_slice %arg9[%rem3A_67, %dma_wait3A, %dma_wait3A_68] : memref<16x128x8xf32, #tpu.memory_space<vmem>> -> memref<1x128x8xf32, #tpu.memory_space<vmem>>
      %dma_wait3A_70 = tpu.memref_squeeze %dma_wait3A_69 : memref<1x128x8xf32, #tpu.memory_space<vmem>> -> memref<128x8xf32, #tpu.memory_space<vmem>>
      %dma_wait3A_71 = arith.constant 0 : i32
      %dma_wait3A_72 = tpu.memref_slice %arg7[%add3A_60, %dma_wait3A_71] : memref<40x128xi32, #tpu.memory_space<vmem>> -> memref<1x128xi32, #tpu.memory_space<vmem>>
      %dma_wait3A_73 = tpu.memref_squeeze %dma_wait3A_72 : memref<1x128xi32, #tpu.memory_space<vmem>> -> memref<128xi32, #tpu.memory_space<vmem>>
      %dma_wait3A_74 = arith.constant 0 : i32
      %dma_wait3A_75 = arith.constant 0 : i32
      %dma_wait3A_76 = tpu.memref_slice %arg2[%dma_wait3A_74, %dma_wait3A_75] : memref<10240x8xf32, #tpu.memory_space<hbm>> -> memref<10240x8xf32, #tpu.memory_space<hbm>>
      tpu.wait_indirect_dma semaphore(%arg10 : memref<!tpu.dma_semaphore, #tpu.memory_space<semaphore_mem>>) src(%dma_wait3A_76 : memref<10240x8xf32, #tpu.memory_space<hbm>>) dst(%dma_wait3A_70 : memref<128x8xf32, #tpu.memory_space<vmem>>)
      %dma_start3A = arith.constant 0 : i32
      %dma_start3A_77 = arith.constant 0 : i32
      %dma_start3A_78 = tpu.memref_slice %arg9[%rem3A_67, %dma_start3A, %dma_start3A_77] : memref<16x128x8xf32, #tpu.memory_space<vmem>> -> memref<1x128x8xf32, #tpu.memory_space<vmem>>
      %dma_start3A_79 = tpu.memref_squeeze %dma_start3A_78 : memref<1x128x8xf32, #tpu.memory_space<vmem>> -> memref<128x8xf32, #tpu.memory_space<vmem>>
      %dma_start3A_80 = arith.constant 0 : i32
      %dma_start3A_81 = tpu.memref_slice %arg8[%add3A_60, %dma_start3A_80] : memref<40x128xi32, #tpu.memory_space<vmem>> -> memref<1x128xi32, #tpu.memory_space<vmem>>
      %dma_start3A_82 = tpu.memref_squeeze %dma_start3A_81 : memref<1x128xi32, #tpu.memory_space<vmem>> -> memref<128xi32, #tpu.memory_space<vmem>>
      %dma_start3A_83 = arith.constant 0 : i32
      %dma_start3A_84 = arith.constant 0 : i32
      %dma_start3A_85 = tpu.memref_slice %arg12[%dma_start3A_83, %dma_start3A_84] : memref<10240x8xf32, #tpu.memory_space<vmem_shared>> -> memref<10240x8xf32, #tpu.memory_space<vmem_shared>>
      tpu.enqueue_indirect_dma source(%dma_start3A_79 : memref<128x8xf32, #tpu.memory_space<vmem>>) target(%dma_start3A_85 : memref<10240x8xf32, #tpu.memory_space<vmem_shared>>) offsets(%dma_start3A_82 : memref<128xi32, #tpu.memory_space<vmem>>) semaphore(%arg11 : memref<!tpu.dma_semaphore, #tpu.memory_space<semaphore_mem>>) {add = true}
    }
    %while3A_37 = arith.constant 1 : i32
    scf.for %while3A_58 = %while3A_35 to %while3A_31 step %while3A_37  : i32 {
      %mul3A_59 = arith.muli %while3A_58, %while3A : i32
      %add3A_60 = arith.addi %while3A_28, %mul3A_59 : i32
      %add3A_61 = arith.constant 8 : i32
      %add3A_62 = arith.addi %add3A_60, %add3A_61 : i32
      %lt3A_63 = arith.cmpi slt, %add3A_62, %add3A_9 : i32
      %convert_element_type3A_64 = arith.extui %lt3A_63 : i1 to i32
      %cond3A_65 = arith.constant 0 : i32
      %cond3A_66 = arith.cmpi ne, %convert_element_type3A_64, %cond3A_65 : i32
      scf.if %cond3A_66 {
        %add3A_86 = arith.constant 8 : i32
        %add3A_87 = arith.addi %add3A_60, %add3A_86 : i32
        %rem3A_88 = arith.constant 16 : i32
        %rem3A_89 = arith.remsi %add3A_87, %rem3A_88 : i32
        %ge3A_90 = arith.constant 16 : i32
        %ge3A_91 = arith.cmpi sge, %add3A_87, %ge3A_90 : i32
        %convert_element_type3A_92 = arith.extui %ge3A_91 : i1 to i32
        %cond3A_93 = arith.constant 0 : i32
        %cond3A_94 = arith.cmpi ne, %convert_element_type3A_92, %cond3A_93 : i32
        scf.if %cond3A_94 {
          %sub3A_105 = arith.constant 16 : i32
          %sub3A_106 = arith.subi %add3A_87, %sub3A_105 : i32
          %dma_wait3A_107 = arith.constant 0 : i32
          %dma_wait3A_108 = arith.constant 0 : i32
          %dma_wait3A_109 = tpu.memref_slice %arg9[%rem3A_89, %dma_wait3A_107, %dma_wait3A_108] : memref<16x128x8xf32, #tpu.memory_space<vmem>> -> memref<1x128x8xf32, #tpu.memory_space<vmem>>
          %dma_wait3A_110 = tpu.memref_squeeze %dma_wait3A_109 : memref<1x128x8xf32, #tpu.memory_space<vmem>> -> memref<128x8xf32, #tpu.memory_space<vmem>>
          %dma_wait3A_111 = arith.constant 0 : i32
          %dma_wait3A_112 = tpu.memref_slice %arg8[%sub3A_106, %dma_wait3A_111] : memref<40x128xi32, #tpu.memory_space<vmem>> -> memref<1x128xi32, #tpu.memory_space<vmem>>
          %dma_wait3A_113 = tpu.memref_squeeze %dma_wait3A_112 : memref<1x128xi32, #tpu.memory_space<vmem>> -> memref<128xi32, #tpu.memory_space<vmem>>
          %dma_wait3A_114 = arith.constant 0 : i32
          %dma_wait3A_115 = arith.constant 0 : i32
          %dma_wait3A_116 = tpu.memref_slice %arg12[%dma_wait3A_114, %dma_wait3A_115] : memref<10240x8xf32, #tpu.memory_space<vmem_shared>> -> memref<10240x8xf32, #tpu.memory_space<vmem_shared>>
          tpu.wait_indirect_dma semaphore(%arg11 : memref<!tpu.dma_semaphore, #tpu.memory_space<semaphore_mem>>) src(%dma_wait3A_110 : memref<128x8xf32, #tpu.memory_space<vmem>>) dst(%dma_wait3A_116 : memref<10240x8xf32, #tpu.memory_space<vmem_shared>>)
        } else {
        }
        %dma_start3A_95 = arith.constant 0 : i32
        %dma_start3A_96 = arith.constant 0 : i32
        %dma_start3A_97 = tpu.memref_slice %arg9[%rem3A_89, %dma_start3A_95, %dma_start3A_96] : memref<16x128x8xf32, #tpu.memory_space<vmem>> -> memref<1x128x8xf32, #tpu.memory_space<vmem>>
        %dma_start3A_98 = tpu.memref_squeeze %dma_start3A_97 : memref<1x128x8xf32, #tpu.memory_space<vmem>> -> memref<128x8xf32, #tpu.memory_space<vmem>>
        %dma_start3A_99 = arith.constant 0 : i32
        %dma_start3A_100 = tpu.memref_slice %arg7[%add3A_87, %dma_start3A_99] : memref<40x128xi32, #tpu.memory_space<vmem>> -> memref<1x128xi32, #tpu.memory_space<vmem>>
        %dma_start3A_101 = tpu.memref_squeeze %dma_start3A_100 : memref<1x128xi32, #tpu.memory_space<vmem>> -> memref<128xi32, #tpu.memory_space<vmem>>
        %dma_start3A_102 = arith.constant 0 : i32
        %dma_start3A_103 = arith.constant 0 : i32
        %dma_start3A_104 = tpu.memref_slice %arg2[%dma_start3A_102, %dma_start3A_103] : memref<10240x8xf32, #tpu.memory_space<hbm>> -> memref<10240x8xf32, #tpu.memory_space<hbm>>
        tpu.enqueue_indirect_dma source(%dma_start3A_104 : memref<10240x8xf32, #tpu.memory_space<hbm>>) target(%dma_start3A_98 : memref<128x8xf32, #tpu.memory_space<vmem>>) offsets(%dma_start3A_101 : memref<128xi32, #tpu.memory_space<vmem>>) semaphore(%arg10 : memref<!tpu.dma_semaphore, #tpu.memory_space<semaphore_mem>>)
      } else {
      }
      %rem3A = arith.constant 16 : i32
      %rem3A_67 = arith.remsi %add3A_60, %rem3A : i32
      %dma_wait3A = arith.constant 0 : i32
      %dma_wait3A_68 = arith.constant 0 : i32
      %dma_wait3A_69 = tpu.memref_slice %arg9[%rem3A_67, %dma_wait3A, %dma_wait3A_68] : memref<16x128x8xf32, #tpu.memory_space<vmem>> -> memref<1x128x8xf32, #tpu.memory_space<vmem>>
      %dma_wait3A_70 = tpu.memref_squeeze %dma_wait3A_69 : memref<1x128x8xf32, #tpu.memory_space<vmem>> -> memref<128x8xf32, #tpu.memory_space<vmem>>
      %dma_wait3A_71 = arith.constant 0 : i32
      %dma_wait3A_72 = tpu.memref_slice %arg7[%add3A_60, %dma_wait3A_71] : memref<40x128xi32, #tpu.memory_space<vmem>> -> memref<1x128xi32, #tpu.memory_space<vmem>>
      %dma_wait3A_73 = tpu.memref_squeeze %dma_wait3A_72 : memref<1x128xi32, #tpu.memory_space<vmem>> -> memref<128xi32, #tpu.memory_space<vmem>>
      %dma_wait3A_74 = arith.constant 0 : i32
      %dma_wait3A_75 = arith.constant 0 : i32
      %dma_wait3A_76 = tpu.memref_slice %arg2[%dma_wait3A_74, %dma_wait3A_75] : memref<10240x8xf32, #tpu.memory_space<hbm>> -> memref<10240x8xf32, #tpu.memory_space<hbm>>
      tpu.wait_indirect_dma semaphore(%arg10 : memref<!tpu.dma_semaphore, #tpu.memory_space<semaphore_mem>>) src(%dma_wait3A_76 : memref<10240x8xf32, #tpu.memory_space<hbm>>) dst(%dma_wait3A_70 : memref<128x8xf32, #tpu.memory_space<vmem>>)
      %dma_start3A = arith.constant 0 : i32
      %dma_start3A_77 = arith.constant 0 : i32
      %dma_start3A_78 = tpu.memref_slice %arg9[%rem3A_67, %dma_start3A, %dma_start3A_77] : memref<16x128x8xf32, #tpu.memory_space<vmem>> -> memref<1x128x8xf32, #tpu.memory_space<vmem>>
      %dma_start3A_79 = tpu.memref_squeeze %dma_start3A_78 : memref<1x128x8xf32, #tpu.memory_space<vmem>> -> memref<128x8xf32, #tpu.memory_space<vmem>>
      %dma_start3A_80 = arith.constant 0 : i32
      %dma_start3A_81 = tpu.memref_slice %arg8[%add3A_60, %dma_start3A_80] : memref<40x128xi32, #tpu.memory_space<vmem>> -> memref<1x128xi32, #tpu.memory_space<vmem>>
      %dma_start3A_82 = tpu.memref_squeeze %dma_start3A_81 : memref<1x128xi32, #tpu.memory_space<vmem>> -> memref<128xi32, #tpu.memory_space<vmem>>
      %dma_start3A_83 = arith.constant 0 : i32
      %dma_start3A_84 = arith.constant 0 : i32
      %dma_start3A_85 = tpu.memref_slice %arg12[%dma_start3A_83, %dma_start3A_84] : memref<10240x8xf32, #tpu.memory_space<vmem_shared>> -> memref<10240x8xf32, #tpu.memory_space<vmem_shared>>
      tpu.enqueue_indirect_dma source(%dma_start3A_79 : memref<128x8xf32, #tpu.memory_space<vmem>>) target(%dma_start3A_85 : memref<10240x8xf32, #tpu.memory_space<vmem_shared>>) offsets(%dma_start3A_82 : memref<128xi32, #tpu.memory_space<vmem>>) semaphore(%arg11 : memref<!tpu.dma_semaphore, #tpu.memory_space<semaphore_mem>>) {add = true}
    }
    %sub3A_38 = arith.constant 16 : i32
    %sub3A_39 = arith.subi %add3A_9, %sub3A_38 : i32
    %sub3A_40 = arith.subi %add3A_9, %sub3A_39 : i32
    %sub3A_41 = arith.constant 1 : i32
    %sub3A_42 = arith.constant 1 : i32
    %sub3A_43 = arith.subi %sub3A_41, %sub3A_42 : i32
    %add3A_44 = arith.addi %sub3A_40, %sub3A_43 : i32
    %div3A_45 = arith.constant 1 : i32
    %div3A_46 = arith.divsi %add3A_44, %div3A_45 : i32
    %while3A_47 = arith.constant 1 : i32
    %while3A_48 = arith.constant 0 : i32
    %while3A_49 = arith.subi %div3A_46, %while3A_48 : i32
    %while3A_50 = arith.addi %while3A_48, %while3A_49 : i32
    %while3A_51 = arith.constant 1 : i32
    %while3A_52 = arith.divsi %while3A_49, %while3A_51 : i32
    %while3A_53 = arith.muli %while3A_52, %while3A_51 : i32
    %while3A_54 = arith.addi %while3A_48, %while3A_53 : i32
    %while3A_55 = arith.constant 1 : i32
    scf.for %while3A_58 = %while3A_48 to %while3A_54 step %while3A_55  : i32 {
      %mul3A_59 = arith.muli %while3A_58, %while3A_47 : i32
      %add3A_60 = arith.addi %sub3A_39, %mul3A_59 : i32
      %rem3A = arith.constant 16 : i32
      %rem3A_61 = arith.remsi %add3A_60, %rem3A : i32
      %dma_wait3A = arith.constant 0 : i32
      %dma_wait3A_62 = arith.constant 0 : i32
      %dma_wait3A_63 = tpu.memref_slice %arg9[%rem3A_61, %dma_wait3A, %dma_wait3A_62] : memref<16x128x8xf32, #tpu.memory_space<vmem>> -> memref<1x128x8xf32, #tpu.memory_space<vmem>>
      %dma_wait3A_64 = tpu.memref_squeeze %dma_wait3A_63 : memref<1x128x8xf32, #tpu.memory_space<vmem>> -> memref<128x8xf32, #tpu.memory_space<vmem>>
      %dma_wait3A_65 = arith.constant 0 : i32
      %dma_wait3A_66 = tpu.memref_slice %arg8[%add3A_60, %dma_wait3A_65] : memref<40x128xi32, #tpu.memory_space<vmem>> -> memref<1x128xi32, #tpu.memory_space<vmem>>
      %dma_wait3A_67 = tpu.memref_squeeze %dma_wait3A_66 : memref<1x128xi32, #tpu.memory_space<vmem>> -> memref<128xi32, #tpu.memory_space<vmem>>
      %dma_wait3A_68 = arith.constant 0 : i32
      %dma_wait3A_69 = arith.constant 0 : i32
      %dma_wait3A_70 = tpu.memref_slice %arg12[%dma_wait3A_68, %dma_wait3A_69] : memref<10240x8xf32, #tpu.memory_space<vmem_shared>> -> memref<10240x8xf32, #tpu.memory_space<vmem_shared>>
      tpu.wait_indirect_dma semaphore(%arg11 : memref<!tpu.dma_semaphore, #tpu.memory_space<semaphore_mem>>) src(%dma_wait3A_64 : memref<128x8xf32, #tpu.memory_space<vmem>>) dst(%dma_wait3A_70 : memref<10240x8xf32, #tpu.memory_space<vmem_shared>>)
    }
    %while3A_56 = arith.constant 1 : i32
    scf.for %while3A_58 = %while3A_54 to %while3A_50 step %while3A_56  : i32 {
      %mul3A_59 = arith.muli %while3A_58, %while3A_47 : i32
      %add3A_60 = arith.addi %sub3A_39, %mul3A_59 : i32
      %rem3A = arith.constant 16 : i32
      %rem3A_61 = arith.remsi %add3A_60, %rem3A : i32
      %dma_wait3A = arith.constant 0 : i32
      %dma_wait3A_62 = arith.constant 0 : i32
      %dma_wait3A_63 = tpu.memref_slice %arg9[%rem3A_61, %dma_wait3A, %dma_wait3A_62] : memref<16x128x8xf32, #tpu.memory_space<vmem>> -> memref<1x128x8xf32, #tpu.memory_space<vmem>>
      %dma_wait3A_64 = tpu.memref_squeeze %dma_wait3A_63 : memref<1x128x8xf32, #tpu.memory_space<vmem>> -> memref<128x8xf32, #tpu.memory_space<vmem>>
      %dma_wait3A_65 = arith.constant 0 : i32
      %dma_wait3A_66 = tpu.memref_slice %arg8[%add3A_60, %dma_wait3A_65] : memref<40x128xi32, #tpu.memory_space<vmem>> -> memref<1x128xi32, #tpu.memory_space<vmem>>
      %dma_wait3A_67 = tpu.memref_squeeze %dma_wait3A_66 : memref<1x128xi32, #tpu.memory_space<vmem>> -> memref<128xi32, #tpu.memory_space<vmem>>
      %dma_wait3A_68 = arith.constant 0 : i32
      %dma_wait3A_69 = arith.constant 0 : i32
      %dma_wait3A_70 = tpu.memref_slice %arg12[%dma_wait3A_68, %dma_wait3A_69] : memref<10240x8xf32, #tpu.memory_space<vmem_shared>> -> memref<10240x8xf32, #tpu.memory_space<vmem_shared>>
      tpu.wait_indirect_dma semaphore(%arg11 : memref<!tpu.dma_semaphore, #tpu.memory_space<semaphore_mem>>) src(%dma_wait3A_64 : memref<128x8xf32, #tpu.memory_space<vmem>>) dst(%dma_wait3A_70 : memref<10240x8xf32, #tpu.memory_space<vmem_shared>>)
    }
    %barrier3A_57 = arith.constant 0 : index
    tpu.barrier barrier_id(%barrier3A_57)
    "tpu.region"() ({
      %run_scoped3A = tpu.sem_alloc : memref<!tpu.dma_semaphore, #tpu.memory_space<semaphore_mem>>
      %dma_start3A = arith.constant 0 : i32
      %dma_start3A_58 = tpu.memref_slice %arg6[%arg0, %mul3A_2, %dma_start3A] : memref<2x10240x8xf32, #tpu.memory_space<hbm>> -> memref<1x640x8xf32, #tpu.memory_space<hbm>>
      %dma_start3A_59 = tpu.memref_squeeze %dma_start3A_58 : memref<1x640x8xf32, #tpu.memory_space<hbm>> -> memref<640x8xf32, #tpu.memory_space<hbm>>
      %dma_start3A_60 = arith.constant 0 : i32
      %dma_start3A_61 = tpu.memref_slice %arg12[%mul3A_2, %dma_start3A_60] : memref<10240x8xf32, #tpu.memory_space<vmem_shared>> -> memref<640x8xf32, #tpu.memory_space<vmem_shared>>
      tpu.enqueue_dma source(%dma_start3A_61 : memref<640x8xf32, #tpu.memory_space<vmem_shared>>) target(%dma_start3A_59 : memref<640x8xf32, #tpu.memory_space<hbm>>) target_semaphore(%run_scoped3A : memref<!tpu.dma_semaphore, #tpu.memory_space<semaphore_mem>>)
      %dma_wait3A = arith.constant 0 : i32
      %dma_wait3A_62 = tpu.memref_slice %arg6[%arg0, %mul3A_2, %dma_wait3A] : memref<2x10240x8xf32, #tpu.memory_space<hbm>> -> memref<1x640x8xf32, #tpu.memory_space<hbm>>
      %dma_wait3A_63 = tpu.memref_squeeze %dma_wait3A_62 : memref<1x640x8xf32, #tpu.memory_space<hbm>> -> memref<640x8xf32, #tpu.memory_space<hbm>>
      %dma_wait3A_64 = arith.constant 0 : i32
      %dma_wait3A_65 = tpu.memref_slice %arg12[%mul3A_2, %dma_wait3A_64] : memref<10240x8xf32, #tpu.memory_space<vmem_shared>> -> memref<640x8xf32, #tpu.memory_space<vmem_shared>>
      tpu.wait_dma2 semaphore(%run_scoped3A : memref<!tpu.dma_semaphore, #tpu.memory_space<semaphore_mem>>) src(%dma_wait3A_65 : memref<640x8xf32, #tpu.memory_space<vmem_shared>>) dst(%dma_wait3A_63 : memref<640x8xf32, #tpu.memory_space<hbm>>)
      tpu.yield
    }) : () -> ()
    return
  }
}

module attributes {stable_mosaic.version = 14 : i64} {
  func.func @_t2_body(%arg0: i32, %arg1: memref<1x2560x8xf32, #tpu.memory_space<vmem>>, %arg2: memref<1x2560x8xf32, #tpu.memory_space<vmem>>, %arg3: memref<2560x8xf32, #tpu.memory_space<vmem>>, %arg4: memref<2560x8xf32, #tpu.memory_space<vmem>>, %arg5: memref<8x1024xf32, #tpu.memory_space<vmem>>, %arg6: memref<1x1024xf32, #tpu.memory_space<vmem>>, %arg7: memref<1024x8xf32, #tpu.memory_space<vmem>>, %arg8: memref<2560x8xf32, #tpu.memory_space<vmem>>) attributes {dimension_semantics = [#tpu.dimension_semantics<arbitrary>], iteration_bounds = array<i64: 4>, scalar_prefetch = 0 : i64, scratch_operands = 0 : i64, tpu.core_type = #tpu.core_type<tc>, window_params = [{transform_indices = @transform_0, window_bounds = array<i64: 1, 2560, 8>}, {transform_indices = @transform_1, window_bounds = array<i64: 1, 2560, 8>}, {transform_indices = @transform_2, window_bounds = array<i64: 2560, 8>}, {transform_indices = @transform_3, window_bounds = array<i64: 2560, 8>}, {pipeline_mode = #tpu.pipeline_mode<synchronous>, transform_indices = @transform_4, window_bounds = array<i64: 8, 1024>}, {pipeline_mode = #tpu.pipeline_mode<synchronous>, transform_indices = @transform_5, window_bounds = array<i64: 1, 1024>}, {pipeline_mode = #tpu.pipeline_mode<synchronous>, transform_indices = @transform_6, window_bounds = array<i64: 1024, 8>}, {transform_indices = @transform_7, window_bounds = array<i64: 2560, 8>}]} {
    %get3A = arith.constant 0 : index
    %get3A_0 = arith.constant 0 : index
    %get3A_1 = vector.load %arg4[%get3A, %get3A_0] : memref<2560x8xf32, #tpu.memory_space<vmem>>, vector<2560x8xf32>
    %get3A_2 = arith.constant 0 : index
    %get3A_3 = arith.constant 0 : index
    %get3A_4 = arith.constant 0 : index
    %get3A_5 = vector.load %arg1[%get3A_2, %get3A_3, %get3A_4] : memref<1x2560x8xf32, #tpu.memory_space<vmem>>, vector<1x2560x8xf32>
    %get3A_6 = vector.shape_cast %get3A_5 : vector<1x2560x8xf32> to vector<2560x8xf32>
    %get3A_7 = arith.constant 0 : index
    %get3A_8 = arith.constant 0 : index
    %get3A_9 = arith.constant 0 : index
    %get3A_10 = vector.load %arg2[%get3A_7, %get3A_8, %get3A_9] : memref<1x2560x8xf32, #tpu.memory_space<vmem>>, vector<1x2560x8xf32>
    %get3A_11 = vector.shape_cast %get3A_10 : vector<1x2560x8xf32> to vector<2560x8xf32>
    %add3A = arith.addf %get3A_6, %get3A_11 : vector<2560x8xf32>
    %get3A_12 = arith.constant 0 : index
    %get3A_13 = arith.constant 0 : index
    %get3A_14 = vector.load %arg3[%get3A_12, %get3A_13] : memref<2560x8xf32, #tpu.memory_space<vmem>>, vector<2560x8xf32>
    %add3A_15 = arith.addf %add3A, %get3A_14 : vector<2560x8xf32>
    %mul3A = arith.mulf %get3A_1, %add3A_15 : vector<2560x8xf32>
    %get3A_16 = arith.constant 0 : index
    %get3A_17 = arith.constant 0 : index
    %get3A_18 = vector.load %arg5[%get3A_16, %get3A_17] : memref<8x1024xf32, #tpu.memory_space<vmem>>, vector<8x1024xf32>
    %dot_general3A = arith.constant dense<0.000000e+00> : vector<2560x1024xf32>
    %dot_general3A_19 = tpu.matmul %mul3A, %get3A_18, %dot_general3A {dimension_numbers = #tpu.dot_dimension_numbers<[1], [0], [0], [1], [0, 0, 1, 1], [], []>, transpose_lhs_hint = false} : vector<2560x8xf32>, vector<8x1024xf32>, vector<2560x1024xf32> -> vector<2560x1024xf32>
    %get3A_20 = arith.constant 0 : index
    %get3A_21 = arith.constant 0 : index
    %get3A_22 = vector.load %arg6[%get3A_20, %get3A_21] : memref<1x1024xf32, #tpu.memory_space<vmem>>, vector<1x1024xf32>
    %add3A_23 = vector.broadcast %get3A_22 : vector<1x1024xf32> to vector<2560x1024xf32>
    %add3A_24 = arith.addf %dot_general3A_19, %add3A_23 : vector<2560x1024xf32>
    %max3A = arith.constant 0.000000e+00 : f32
    %max3A_25 = vector.broadcast %max3A : f32 to vector<2560x1024xf32>
    %max3A_26 = arith.maximumf %add3A_24, %max3A_25 : vector<2560x1024xf32>
    %get3A_27 = arith.constant 0 : index
    %get3A_28 = arith.constant 0 : index
    %get3A_29 = vector.load %arg7[%get3A_27, %get3A_28] : memref<1024x8xf32, #tpu.memory_space<vmem>>, vector<1024x8xf32>
    %dot_general3A_30 = arith.constant dense<0.000000e+00> : vector<2560x8xf32>
    %dot_general3A_31 = tpu.matmul %max3A_26, %get3A_29, %dot_general3A_30 {dimension_numbers = #tpu.dot_dimension_numbers<[1], [0], [0], [1], [0, 0, 1, 1], [], []>, transpose_lhs_hint = false} : vector<2560x1024xf32>, vector<1024x8xf32>, vector<2560x8xf32> -> vector<2560x8xf32>
    %get3A_32 = arith.constant 0 : index
    %get3A_33 = arith.constant 0 : index
    %get3A_34 = vector.load %arg4[%get3A_32, %get3A_33] : memref<2560x8xf32, #tpu.memory_space<vmem>>, vector<2560x8xf32>
    %mul3A_35 = arith.mulf %get3A_34, %dot_general3A_31 : vector<2560x8xf32>
    %swap3A = arith.constant 0 : index
    %swap3A_36 = arith.constant 0 : index
    %swap3A_37 = vector.load %arg8[%swap3A, %swap3A_36] : memref<2560x8xf32, #tpu.memory_space<vmem>>, vector<2560x8xf32>
    tpu.vector_store %arg8[%swap3A, %swap3A_36], %mul3A_35 {strides = array<i32>} : memref<2560x8xf32, #tpu.memory_space<vmem>>, vector<2560x8xf32>,
    return
  }
  func.func @transform_0(%arg0: i32) -> (i32, i32, i32) {
    %c0_i32 = arith.constant 0 : i32
    %c0_i32_0 = arith.constant 0 : i32
    %c0_i32_1 = arith.constant 0 : i32
    return %c0_i32, %arg0, %c0_i32_0 : i32, i32, i32
  }
  func.func @transform_1(%arg0: i32) -> (i32, i32, i32) {
    %c1_i32 = arith.constant 1 : i32
    %c0_i32 = arith.constant 0 : i32
    %c0_i32_0 = arith.constant 0 : i32
    return %c1_i32, %arg0, %c0_i32 : i32, i32, i32
  }
  func.func @transform_2(%arg0: i32) -> (i32, i32) {
    %c0_i32 = arith.constant 0 : i32
    %c0_i32_0 = arith.constant 0 : i32
    return %arg0, %c0_i32 : i32, i32
  }
  func.func @transform_3(%arg0: i32) -> (i32, i32) {
    %c0_i32 = arith.constant 0 : i32
    %c0_i32_0 = arith.constant 0 : i32
    return %arg0, %c0_i32 : i32, i32
  }
  func.func @transform_4(%arg0: i32) -> (i32, i32) {
    %c0_i32 = arith.constant 0 : i32
    %c0_i32_0 = arith.constant 0 : i32
    %c0_i32_1 = arith.constant 0 : i32
    return %c0_i32, %c0_i32_0 : i32, i32
  }
  func.func @transform_5(%arg0: i32) -> (i32, i32) {
    %c0_i32 = arith.constant 0 : i32
    %c0_i32_0 = arith.constant 0 : i32
    %c0_i32_1 = arith.constant 0 : i32
    return %c0_i32, %c0_i32_0 : i32, i32
  }
  func.func @transform_6(%arg0: i32) -> (i32, i32) {
    %c0_i32 = arith.constant 0 : i32
    %c0_i32_0 = arith.constant 0 : i32
    %c0_i32_1 = arith.constant 0 : i32
    return %c0_i32, %c0_i32_0 : i32, i32
  }
  func.func @transform_7(%arg0: i32) -> (i32, i32) {
    %c0_i32 = arith.constant 0 : i32
    %c0_i32_0 = arith.constant 0 : i32
    return %arg0, %c0_i32 : i32, i32
  }
}

module attributes {stable_mosaic.version = 14 : i64} {
  func.func @_t3_body(%arg0: i32, %arg1: memref<640x128xf32, #tpu.memory_space<vmem>>, %arg2: memref<640x128xf32, #tpu.memory_space<vmem>>, %arg3: memref<640x128xf32, #tpu.memory_space<vmem>>, %arg4: memref<640x128xf32, #tpu.memory_space<vmem>>, %arg5: memref<1x128xf32, #tpu.memory_space<vmem>>, %arg6: memref<640x128xf32, #tpu.memory_space<vmem>>) attributes {dimension_semantics = [#tpu.dimension_semantics<arbitrary>], iteration_bounds = array<i64: 1>, scalar_prefetch = 0 : i64, scratch_operands = 0 : i64, tpu.core_type = #tpu.core_type<tc>, window_params = [{transform_indices = @transform_0, window_bounds = array<i64: 640, 128>}, {transform_indices = @transform_1, window_bounds = array<i64: 640, 128>}, {pipeline_mode = #tpu.pipeline_mode<synchronous>, transform_indices = @transform_2, window_bounds = array<i64: 640, 128>}, {pipeline_mode = #tpu.pipeline_mode<synchronous>, transform_indices = @transform_3, window_bounds = array<i64: 640, 128>}, {pipeline_mode = #tpu.pipeline_mode<synchronous>, transform_indices = @transform_4, window_bounds = array<i64: 1, 128>}, {pipeline_mode = #tpu.pipeline_mode<synchronous>, transform_indices = @transform_5, window_bounds = array<i64: 640, 128>}]} {
    %get3A = arith.constant 0 : index
    %get3A_0 = arith.constant 0 : index
    %get3A_1 = vector.load %arg4[%get3A, %get3A_0] : memref<640x128xf32, #tpu.memory_space<vmem>>, vector<640x128xf32>
    %get3A_2 = arith.constant 0 : index
    %get3A_3 = arith.constant 0 : index
    %get3A_4 = vector.load %arg1[%get3A_2, %get3A_3] : memref<640x128xf32, #tpu.memory_space<vmem>>, vector<640x128xf32>
    %get3A_5 = arith.constant 0 : index
    %get3A_6 = arith.constant 0 : index
    %get3A_7 = vector.load %arg2[%get3A_5, %get3A_6] : memref<640x128xf32, #tpu.memory_space<vmem>>, vector<640x128xf32>
    %add3A = arith.addf %get3A_4, %get3A_7 : vector<640x128xf32>
    %get3A_8 = arith.constant 0 : index
    %get3A_9 = arith.constant 0 : index
    %get3A_10 = vector.load %arg3[%get3A_8, %get3A_9] : memref<640x128xf32, #tpu.memory_space<vmem>>, vector<640x128xf32>
    %add3A_11 = arith.addf %add3A, %get3A_10 : vector<640x128xf32>
    %mul3A = arith.mulf %get3A_1, %add3A_11 : vector<640x128xf32>
    %get3A_12 = arith.constant 0 : index
    %get3A_13 = arith.constant 0 : index
    %get3A_14 = vector.load %arg5[%get3A_12, %get3A_13] : memref<1x128xf32, #tpu.memory_space<vmem>>, vector<1x128xf32>
    %add3A_15 = vector.broadcast %get3A_14 : vector<1x128xf32> to vector<640x128xf32>
    %add3A_16 = arith.addf %mul3A, %add3A_15 : vector<640x128xf32>
    %swap3A = arith.constant 0 : index
    %swap3A_17 = arith.constant 0 : index
    %swap3A_18 = vector.load %arg6[%swap3A, %swap3A_17] : memref<640x128xf32, #tpu.memory_space<vmem>>, vector<640x128xf32>
    tpu.vector_store %arg6[%swap3A, %swap3A_17], %add3A_16 {strides = array<i32>} : memref<640x128xf32, #tpu.memory_space<vmem>>, vector<640x128xf32>,
    return
  }
  func.func @transform_0(%arg0: i32) -> (i32, i32) {
    %c0_i32 = arith.constant 0 : i32
    %c0_i32_0 = arith.constant 0 : i32
    %c0_i32_1 = arith.constant 0 : i32
    return %c0_i32, %c0_i32_0 : i32, i32
  }
  func.func @transform_1(%arg0: i32) -> (i32, i32) {
    %c1_i32 = arith.constant 1 : i32
    %c0_i32 = arith.constant 0 : i32
    %c0_i32_0 = arith.constant 0 : i32
    return %c1_i32, %c0_i32 : i32, i32
  }
  func.func @transform_2(%arg0: i32) -> (i32, i32) {
    %c0_i32 = arith.constant 0 : i32
    %c0_i32_0 = arith.constant 0 : i32
    %c0_i32_1 = arith.constant 0 : i32
    return %c0_i32, %c0_i32_0 : i32, i32
  }
  func.func @transform_3(%arg0: i32) -> (i32, i32) {
    %c0_i32 = arith.constant 0 : i32
    %c0_i32_0 = arith.constant 0 : i32
    %c0_i32_1 = arith.constant 0 : i32
    return %c0_i32, %c0_i32_0 : i32, i32
  }
  func.func @transform_4(%arg0: i32) -> (i32, i32) {
    %c0_i32 = arith.constant 0 : i32
    %c0_i32_0 = arith.constant 0 : i32
    %c0_i32_1 = arith.constant 0 : i32
    return %c0_i32, %c0_i32_0 : i32, i32
  }
  func.func @transform_5(%arg0: i32) -> (i32, i32) {
    %c0_i32 = arith.constant 0 : i32
    %c0_i32_0 = arith.constant 0 : i32
    %c0_i32_1 = arith.constant 0 : i32
    return %c0_i32, %c0_i32_0 : i32, i32
  }
}

</mosaic_0001>

<sc_bundles>
// kernel: kernel.10.cloned.1.call-start
scs
__scs_entry_jumppad:
0x0: {  	(pc) =	sbr.rel $0x88, $3  }
0x1: {  	(tag) =	ssettag $0x0;
	lr =	simm.s32 $0x1  }
0x2: {  	[smem:$0x3F97] =	sst lr;
	_ =	strace $0xD0000000  }
0x3: {  	_ = 	snop  }
0x4: {  	_ = 	snop  }
0x5: {  	_ = 	snop  }
0x6: {  	_ = 	snop  }
0x7: {  	_ = 	snop  }
__scs_overlays_trampoline_lowered:
0x8: {  	[smem:$0x3FA6] =	sst s0  }
0x9: {  	[smem:$0x3FA7] =	sst s1  }
0xa: {  	[smem:$0x3FA8] =	sst s2  }
0xb: {  	[smem:$0x3FA9] =	sst s3  }
0xc: {  	[smem:$0x3FAA] =	sst s4  }
0xd: {  	[smem:$0x3FAB] =	sst s5  }
0xe: {  	[smem:$0x3FAC] =	sst s6  }
0xf: {  	[smem:$0x3FAD] =	sst s7  }
0x10: {  	[smem:$0x3FAE] =	sst s8  }
0x11: {  	[smem:$0x3FAF] =	sst s9;
	s0 =	simm.s32 @!p0 $0x0  }
0x12: {  	s1 =	sld [smem:$0x3F95];
	s0 =	simm.s32 @p0 $0x1  }
0x13: {  	[smem:$0x3FB0] =	sst s0;
	s0 =	simm.s32 @!p1 $0x0  }
0x14: {  	s2 =	sld [smem:$0x3F94];
	s0 =	simm.s32 @p1 $0x1  }
0x15: {  	[smem:$0x3FB1] =	sst s0;
	s0 =	simm.s32 @!p2 $0x0  }
0x16: {  	s3 =	sld [smem:$0x3FDB];
	s0 =	simm.s32 @p2 $0x1  }
0x17: {  	s4 =	simm.s32 $0x1BF5;
	[smem:$0x3FB3] =	sst s0  }
0x18: {  	s0 =	sld [smem:$0x3F96];
	_ =	swait.ge [sflag:s4], $0x0  }
0x19: {  	s7 =	sld [smem:$0x3F97]  }
0x1a: {  	s8 =	sadd.s32 $0xFFFFE003, lr  }
0x1b: {  	s9 =	sadd.s32 $0xFFFFFEF7, lr;
	s5 =	simm.s32 $0xFFFFFFFF;
	p2 =	slt.u32 s8, $0xFFFFF086  }
0x1c: {  	p1 =	slt.u32 s9, $0xF7A;
	s5 =	simm.s32 @!p2 $0x0  }
0x1d: {  	s5 =	simm.s32 @p1 $0x1;
	p0 =	seq.s32 s7, s2  }
0x1e: {  	s7 =	smul.u32 @!p0 $0xF7A, s2;
	p2 =	seq.s32 @!p0 s5, $0x0  }
0x1f: {  	s9 =	smul.u32 $0xF7A, s1;
	s8 =	simm.s32 @!p0 $0x1BF5;
	p2 =	por !p2, p0  }
0x20: {  	[sflag:s8] =	ssyncset.s32 @!p0 $0xFFFFF086;
	s6 =	sadd.s32 @!p0 s3, s7;
	s7 =	simm.s32 @!p0 $0x108  }
0x21: {  	s3 =	sadd.s32 s3, s9;
	s6 =	sadd.s32 @!p0 $0x88, s6;
	s7 =	simm.s32 @p2 $0x1082  }
0x22: {  	[simem:s7], [sflag:s8] =	dma.local @!p0 [hbm:s6], $0xF7A  }
0x23: {  	s9 =	sor.u32 $0xD0000000, s2;
	s6 =	simm.s32 $0x108;
	_ =	swait.ge @!p0 [sflag:s8], $0x0  }
0x24: {  	s3 =	sadd.s32 $0x88, s3;
	s6 =	simm.s32 @!p1 $0x1082;
	[sflag:s4] =	ssyncset.s32 $0xFFFFF086  }
0x25: {  	[simem:s6], [sflag:s4] =	dma.local [hbm:s3], $0xF7A  }
0x26: {  	[smem:$0x3F97] =	sst s1;
	(tag) =	ssettag s2;
	_ =	strace s9  }
0x27: {  	s1 =	sld [smem:$0x3FA7]  }
0x28: {  	s2 =	sld [smem:$0x3FA8]  }
0x29: {  	s4 =	sld [smem:$0x3FAA]  }
0x2a: {  	p0 =	seq.s32 s5, $0x0;
	s5 =	sld [smem:$0x3FAB]  }
0x2b: {  	s6 =	sld [smem:$0x3FAC]  }
0x2c: {  	s7 =	sld [smem:$0x3FAD]  }
0x2d: {  	s3 =	simm.s32 $0x108;
	s8 =	sld [smem:$0x3FAE]  }
0x2e: {  	s3 =	simm.s32 @!p0 $0x1082;
	s9 =	sld [smem:$0x3FAF]  }
0x2f: {  	lr =	sadd.s32 s0, s3;
	s0 =	sld [smem:$0x3FA6]  }
0x30: {  	s3 =	sld [smem:$0x3FA9]  }
0x31: {  	[smem:$0x3FB2] =	sst s10  }
0x32: {  	s10 =	sld [smem:$0x3FB0];
	_ =	sdelay $0x3  }
0x33: {  	p0 =	seq.s32 s10, $0x1;
	s10 =	sld [smem:$0x3FB2];
	_ =	sdelay $0x3  }
0x34: {  	[smem:$0x3FB2] =	sst s10  }
0x35: {  	s10 =	sld [smem:$0x3FB1];
	_ =	sdelay $0x3  }
0x36: {  	p1 =	seq.s32 s10, $0x1;
	s10 =	sld [smem:$0x3FB2];
	_ =	sdelay $0x3  }
0x37: {  	[smem:$0x3FB2] =	sst s10  }
0x38: {  	s10 =	sld [smem:$0x3FB3]  }
0x39: {  	_ = 	snop;
	(pc) =	sbr.ind lr, $3  }
0x3a: {  	_ = 	snop  }
0x3b: {  	_ = 	snop  }
0x3c: {  	p2 =	seq.s32 s10, $0x1;
	s10 =	sld [smem:$0x3FB2]  }
0x3d: {  	_ =	shalt  }
0x3e: {  	_ =	shalt  }
0x3f: {  	_ =	shalt  }
0x40: {  	_ =	shalt  }
0x41: {  	_ =	shalt  }
0x42: {  	_ =	shalt  }
0x43: {  	_ =	shalt  }
0x44: {  	_ =	shalt  }
0x45: {  	_ =	shalt  }
0x46: {  	_ =	shalt  }
0x47: {  	_ =	shalt  }
0x48: {  	_ =	shalt  }
0x49: {  	_ =	shalt  }
0x4a: {  	_ =	shalt  }
0x4b: {  	_ =	shalt  }
0x4c: {  	_ =	shalt  }
0x4d: {  	_ =	shalt  }
0x4e: {  	_ =	shalt  }
0x4f: {  	_ =	shalt  }
0x50: {  	_ =	shalt  }
0x51: {  	_ =	shalt  }
0x52: {  	_ =	shalt  }
0x53: {  	_ =	shalt  }
0x54: {  	_ =	shalt  }
0x55: {  	_ =	shalt  }
0x56: {  	_ =	shalt  }
0x57: {  	_ =	shalt  }
0x58: {  	_ =	shalt  }
0x59: {  	_ =	shalt  }
0x5a: {  	_ =	shalt  }
0x5b: {  	_ =	shalt  }
0x5c: {  	_ =	shalt  }
0x5d: {  	_ =	shalt  }
0x5e: {  	_ =	shalt  }
0x5f: {  	_ =	shalt  }
0x60: {  	_ =	shalt  }
0x61: {  	_ =	shalt  }
0x62: {  	_ =	shalt  }
0x63: {  	_ =	shalt  }
0x64: {  	_ =	shalt  }
0x65: {  	_ =	shalt  }
0x66: {  	_ =	shalt  }
0x67: {  	_ =	shalt  }
0x68: {  	_ =	shalt  }
0x69: {  	_ =	shalt  }
0x6a: {  	_ =	shalt  }
0x6b: {  	_ =	shalt  }
0x6c: {  	_ =	shalt  }
0x6d: {  	_ =	shalt  }
0x6e: {  	_ =	shalt  }
0x6f: {  	_ =	shalt  }
0x70: {  	_ =	shalt  }
0x71: {  	_ =	shalt  }
0x72: {  	_ =	shalt  }
0x73: {  	_ =	shalt  }
0x74: {  	_ =	shalt  }
0x75: {  	_ =	shalt  }
0x76: {  	_ =	shalt  }
0x77: {  	_ =	shalt  }
0x78: {  	_ =	shalt  }
0x79: {  	_ =	shalt  }
0x7a: {  	_ =	shalt  }
0x7b: {  	_ =	shalt  }
0x7c: {  	_ =	shalt  }
0x7d: {  	_ =	shalt  }
0x7e: {  	_ =	shalt  }
0x7f: {  	_ =	shalt  }
0x80: {  	_ =	shalt  }
0x81: {  	_ =	shalt  }
0x82: {  	_ =	shalt  }
0x83: {  	_ =	shalt  }
0x84: {  	_ =	shalt  }
0x85: {  	_ =	shalt  }
0x86: {  	_ =	shalt  }
0x87: {  	_ =	shalt  }
.Lfunc_end0:
.L_simem_size_0:
called_computation.1_lowered:
.L_overlay_start_0:
0x88: {  	s2 =	sld [smem:$0x3FD9]  }
0x89: {  	s3 =	sld [smem:$0x3FFE];
	_ =	sdelay $0x1  }
0x8a: {  	s1 =	srdreg.scid  }
0x8b: {  	s0 =	sand.u32 $0x1, s1  }
0x8c: {  	s16 =	sshll.u32 s0, $0xA;
	s2 =	sadd.s32 s3, s2  }
0x8d: {  	s2 =	sadd.s32 s2, s16  }
0x8e: {  	[smem:$0x3FBE] =	sst s2  }
0x8f: {  	_ = 	snop  }
0x90: {  	(tm) =	ssettm $0x1  }
0x91: {  	s17 =	sld [smem:$0x3FFB];
	_ =	sdelay $0x3  }
0x92: {  	_ =	strace s17  }
0x93: {  	s2 =	sld [smem:$0x3FFC];
	_ =	sdelay $0x3  }
0x94: {  	_ =	strace s2  }
0x95: {  	s2 =	sld [smem:$0x3FFD];
	_ =	sdelay $0x3  }
0x96: {  	_ =	strace s2  }
0x97: {  	_ =	strace $0x8FFFFFFF  }
0x98: {  	s18 =	sld [smem:$0x3FDB];
	_ =	sdelay $0x1  }
0x99: {  	s19 =	simm.s32 $_scs_section_size  }
0x9a: {  	s4 =	simm.s32 $_size__tile_overlayer_lowered;
	s5 =	simm.s32 $_tile_overlayer_lowered  }
0x9b: {  	s22 =	simm.s32 $0x1BFF;
	s21 =	sshll.u32 s5, $0x1;
	s2 =	sadd.s32 s19, s18  }
0x9c: {  	s6 =	simm.s32 $0x0;
	s20 =	sshll.u32 s4, $0x1;
	s4 =	sadd.s32 s21, s2  }
0x9d: {  	[timem:s6], [sflag:s22] =	dma.local [hbm:s4], s20  }
0x9e: {  	_ =	swait.ge [sflag:s22], s20  }
0x9f: {  	s3 =	ssub.s32 $0x0, s20;
	[sflag:s22] =	ssyncset.done $0x0  }
0xa0: {  	[sflag:s22] =	ssyncadd.s32 s3;
	_ =	sdelay $0x1  }
0xa1: {  	s23 =	simm.s32 $0x1B8B  }
0xa2: {  	_ =	swait.ge [sflag:s23], $0x1  }
0xa3: {  	[sflag:s23] =	ssyncset.done $0x0  }
0xa4: {  	s25 =	simm.s32 $0x1B8E;
	s24 =	sld [smem:$0x3FFE];
	[sflag:s23] =	ssyncadd.s32 $0xFFFFFFFF  }
0xa5: {  	s26 =	simm.s32 $execute0_lowered;
	[smem:$0x3FD2] =	sst s25  }
0xa6: {  	s4 =	sshll.u32 s26, $0x1;
	_ =	strace $0x80000049;
	[dreg:$0x1] =	wrdreg $0xFFFFFFFF  }
0xa7: {  	s28 =	simm.s32 $_size_execute0_lowered;
	s2 =	sadd.s32 s2, s4;
	[dreg:$0x0] =	wrdreg $0x0  }
0xa8: {  	s4 =	sshll.u32 s28, $0x1;
	[dreg:$0x2] =	wrdreg s2  }
0xa9: {  	[dreg:$0x3] =	wrdreg s4  }
0xaa: {  	[dreg:$0x4] =	wrdreg $0xC0  }
0xab: {  	_ =	task [dreg:s6], $0x5FFFF  }
0xac: {  	[dreg:$0x1] =	wrdreg $0xFFFFFFFF  }
0xad: {  	[dreg:$0x0] =	wrdreg $0x60  }
0xae: {  	[dreg:$0x2] =	wrdreg s24  }
0xaf: {  	[dreg:$0x3] =	wrdreg $0x68000  }
0xb0: {  	[dreg:$0x4] =	wrdreg $0x9  }
0xb1: {  	_ =	task.clear_ibuf [dreg:s6], $0x5FFFF;
	_ =	strace $0x90000049  }
0xb2: {  	s29 =	simm.s32 $0x9;
	_ =	strace $0x8000004B  }
0xb3: {  	_ =	swait.ge [sflag:s29], $0x1  }
0xb4: {  	[sflag:s29] =	ssyncadd.s32 $0xFFFFFFFF  }
0xb5: {  	_ =	strace $0x9000004B  }
0xb6: {  	_ =	sfence  }
0xb7: {  	s30 =	sld [smem:$0x0];
	_ =	sdelay $0x2  }
0xb8: {  	s31 =	sshll.u32 s1, $0xD;
	s1 =	sshrl.u32 s1, $0x2  }
0xb9: {  	s3 =	sand.u32 $0x4000, s31;
	s1 =	sadd.s32 s1, s30  }
0xba: {  	s0 =	sor.u32 s3, s0;
	s1 =	sshll.u32 s1, $0x11  }
0xbb: {  	s0 =	sor.u32 s1, s0  }
0xbc: {  	s0 =	sadd.s32 $0x8F2B, s0  }
0xbd: {  	[sflag:s0] =	ssyncadd.remote.s32 $0x1  }
0xbe: {  	_ =	sfence.sel $0xFFFF  }
0xbf: {  	[dreg:$0x0] =	wrdreg $0xFFFFFFFF;
	(pc) =	sbr.abs _section_cstart, $3  }
0xc0: {  	[dreg:$0x1] =	wrdreg $0xFFFFFFFF  }
0xc1: {  	_ =	task.clear_ibuf [dreg:s6], $0x2FFFF;
	_ =	strace $0x9FFFFFFF  }
0xc2: {  	(tm) =	ssettm $0x7FFFFFFF  }
0xc3: {  	_ =	shalt  }
tec
execute0_lowered:
.L_overlay_start_1:
0x0: {  	(tag) =	ssettag $0x1  }
0x1: {  	s0 =	rddreg [dreg:$0x0]  }
0x2: {  	s2 =	rddreg [dreg:$0x1]  }
0x3: {  	s3 =	simm.s32 $0x0;
	s11 =	stileid.u32;
	s1 =	srdreg.scid  }
0x4: {  	s15 =	simm.s32 $0x80;
	s28 =	simm.s32 $0x4000;
	s29 =	simm.s32 $0x380  }
0x5: {  	s30 =	simm.s32 $0x4400;
	s31 =	simm.s32 $0x1;
	[smem:$0x7FF] =	sst s3  }
0x6: {  	s5 =	smul.u32 $0x1400, s11;
	s1 =	sand.u32 $0x1, s1;
	s4 =	sadd.s32 $0xE000, s0  }
0x7: {  	s25 =	sshll.u32 s11, $0x6;
	_ =	strace $0x8000004A;
	s6 =	smul.u32 $0x14000, s1  }
0x8: {  	s8 =	sshll.u32 s1, $0x4;
	s1 =	ssub.s32 $0x2, s1;
	s7 =	sshrl.u32 s5, $0x3  }
0x9: {  	s13 =	sor.u32 s11, s8;
	s23 =	sshrl.u32 s1, $0x1;
	s14 =	sadd.s32 s5, s2  }
0xa: {  	s7 =	sadd.s32 s7, s0;
	s6 =	sadd.s32 s5, s6;
	s8 =	smul.u32 $0x27, s13  }
0xb: {  	s9 =	smin.u32 s13, $0x2;
	s1 =	ssub.s32 s1, s23;
	p0 =	slt.u32 s13, $0x2  }
0xc: {  	s6 =	sshrl.u32 s6, $0x3;
	s5 =	sadd.s32 $0x10800, s7;
	s11 =	smax.u32 s1, $0x1  }
0xd: {  	s1 =	simm.s32 $0x0;
	s10 =	sadd.s32 s6, s0;
	s24 =	sadd.s32 s9, s8  }
0xe: {  	s6 =	simm.s32 $0x28;
	s8 =	sor.u32 $0x1C03, s25;
	s25 =	simm.s32 $0x3C00  }
0xf: {  	s26 =	sshll.u32 s24, $0x4;
	s6 =	simm.s32 @!p0 $0x27;
	s10 =	sadd.s32 $0x13000, s10  }
0x10: {  	p0 =	sgt.u32 s13, $0x1;
	s13 =	sshrl.u32 s14, $0x3;
	s14 =	simm.s32 $0x3  }
0x11: {  	s24 =	simm.s32 $0x280;
	s7 =	sadd.s32 s0, s26;
	s12 =	sshll.u32 s6, $0xC  }
0x12: {  	s26 =	simm.s32 $0x300;
	s0 =	simm.s32 $0x2;
	s9 =	sadd.s32 $0x5000, s7  }
.LBB2_1:
0x13: {  	[spmem:s13], [sflag:s8] =	dma.local [hbm:s5], $0x280  }
0x14: {  	_ =	swait.ge [sflag:s14], $0x280  }
0x15: {  	[sflag:s14] =	ssyncset.done $0x0  }
0x16: {  	s16 =	simm.s32 @p0 $0x0;
	s17 =	simm.s32 @p0 $0x3;
	[sflag:s14] =	ssyncadd.s32 $0xFFFFFD80  }
0x17: {  	[tilespmem:s16], [sflag:$0x3] =	stream.linear.gather @p0 [hbm4b:s7+s16], $0x1380, $0x38;
	[tilespmem:$0x7C00] =	vst v63  }
0x18: {  	_ =	swait.ge @p0 [sflag:s17], $0x1380  }
0x19: {  	[sflag:s17] =	ssyncset.done @p0 $0x0  }
0x1a: {  	s18 =	simm.s32 @p0 $0x1400;
	[sflag:s17] =	ssyncadd.s32 @p0 $0xFFFFEC80  }
0x1b: {  	[tilespmem:s18], [sflag:$0x3] =	stream.linear.gather @p0 [hbm4b:s9+s16], $0x1380, $0x38;
	[tilespmem:$0x7C00] =	vst v63  }
0x1c: {  	_ =	swait.ge @p0 [sflag:s17], $0x1380  }
0x1d: {  	[sflag:s17] =	ssyncset.done @p0 $0x0  }
0x1e: {  	s16 =	simm.s32 @!p0 $0x0;
	[sflag:s17] =	ssyncadd.s32 @p0 $0xFFFFEC80;
	s17 =	simm.s32 @!p0 $0x3  }
0x1f: {  	[tilespmem:s16], [sflag:$0x3] =	stream.linear.gather @!p0 [hbm4b:s7+s16], $0x1400, $0x38;
	[tilespmem:$0x7C00] =	vst v63  }
0x20: {  	_ =	swait.ge @!p0 [sflag:s17], $0x1400  }
0x21: {  	[sflag:s17] =	ssyncset.done @!p0 $0x0  }
0x22: {  	s18 =	simm.s32 @!p0 $0x1400;
	[sflag:s17] =	ssyncadd.s32 @!p0 $0xFFFFEC00  }
0x23: {  	[tilespmem:s18], [sflag:$0x3] =	stream.linear.gather @!p0 [hbm4b:s9+s16], $0x1400, $0x38;
	[tilespmem:$0x7C00] =	vst v63  }
0x24: {  	_ =	swait.ge @!p0 [sflag:s17], $0x1400  }
0x25: {  	[sflag:s17] =	ssyncset.done @!p0 $0x0  }
0x26: {  	[sflag:s17] =	ssyncadd.s32 @!p0 $0xFFFFEC00  }
0x27: {  	s20 =	simm.s32 $0x2800;
	[bflag:$0x0] =	sbarrier.arrive $0xFFFF  }
0x28: {  	[tilespmem:s20], [sflag:$0x1] =	stream.indirect.gather [hbm4b:s4+s15], $0x8, s3, s15, $0xb8;
	[tilespmem:$0x7C00] =	vst v63  }
0x29: {  	s21 =	simm.s32 $0x2C00  }
0x2a: {  	[tilespmem:s21], [sflag:$0x1] =	stream.indirect.gather [hbm4b:s4+s15], $0x8, s15, s15, $0xb8;
	[tilespmem:$0x7C00] =	vst v63  }
0x2b: {  	s22 =	simm.s32 $0x100;
	s23 =	simm.s32 $0x3000  }
0x2c: {  	[tilespmem:s23], [sflag:$0x1] =	stream.indirect.gather [hbm4b:s4+s15], $0x8, s22, s15, $0xb8;
	[tilespmem:$0x7C00] =	vst v63  }
0x2d: {  	s19 =	simm.s32 $0x3400;
	s18 =	simm.s32 $0x180  }
0x2e: {  	[tilespmem:s19], [sflag:$0x1] =	stream.indirect.gather [hbm4b:s4+s15], $0x8, s18, s15, $0xb8;
	[tilespmem:$0x7C00] =	vst v63  }
0x2f: {  	p1 =	sle.u32 s6, $0x8;
	s20 =	simm.s32 $0x200;
	s21 =	simm.s32 $0x3800  }
0x30: {  	[tilespmem:s21], [sflag:$0x1] =	stream.indirect.gather [hbm4b:s4+s15], $0x8, s20, s15, $0xb8;
	[tilespmem:$0x7C00] =	vst v63  }
0x31: {  	p2 =	por @!p1 $0x1, $0x1  }
0x32: {  	[tilespmem:s25], [sflag:$0x1] =	stream.indirect.gather [hbm4b:s4+s15], $0x8, s24, s15, $0xb8;
	[tilespmem:$0x7C00] =	vst v63  }
0x33: {  	p3 =	por p2, p1;
	p2 =	sne.s32 s12, $0x1000;
	s19 =	simm.s32 @!p1 $0x8000  }
0x34: {  	[tilespmem:s28], [sflag:$0x1] =	stream.indirect.gather [hbm4b:s4+s15], $0x8, s26, s15, $0xb8;
	[tilespmem:$0x7C00] =	vst v63  }
0x35: {  	s16 =	simm.s32 $0x1400;
	s19 =	sand.u32 @!p1 $0xF000, s19;
	s20 =	simm.s32 @!p3 $0x2  }
0x36: {  	[tilespmem:s30], [sflag:$0x1] =	stream.indirect.gather [hbm4b:s4+s15], $0x8, s29, s15, $0xb8;
	[tilespmem:$0x7C00] =	vst v63  }
0x37: {  	s22 =	sand.u32 $0xF000, s3;
	s19 =	sshrl.u32 @!p1 s19, $0x2;
	_ =	swait.ge @!p3 [sflag:s20], $0x400  }
0x38: {  	s18 =	simm.s32 $0x400;
	s19 =	sadd.s32 @!p1 $0x2800, s19;
	[sflag:s20] =	ssyncset.done @!p3 $0x0  }
.Ltmp0:
0x39: {  	[sflag:s20] =	ssyncadd.s32 @!p3 $0xFFFFFC00;
	s20 =	simm.s32 @!p1 $0x80;
	(pc) =	sbr.rel @!p2 .LBB2_3-.Ltmp0, $4  }
0x3a: {  	[tilespmem:s19], [sflag:$0x1] =	stream.indirect.gather @!p1 [hbm4b:s4+s20], $0x8, s18, s20, $0xb8;
	[tilespmem:$0x7C00] =	vst v63  }
0x3b: {  	s17 =	simm.s32 $0x1000;
	s23 =	sshrl.u32 s22, $0x2;
	_ =	swait.ge [sflag:s31], $0x400  }
0x3c: {  	s21 =	sadd.s32 $0x2800, s23;
	s18 =	simm.s32 $0x9;
	[sflag:s31] =	ssyncset.done $0x0  }
0x3d: {  	s19 =	simm.s32 $0x480;
	s20 =	simm.s32 $0x1480;
	[sflag:s31] =	ssyncadd.s32 $0xFFFFFC00  }
.LBB2_2:
0x3e: {  	[spmem:s2] =	stream.indirect.scatter.add.f32 [tilespmem:s21], [sflag:$0x2], $0x8, s16, s15, $0xb8;
	[tilespmem:$0x7C00] =	vst v63  }
0x3f: {  	s21 =	smov.u32 s17;
	s16 =	smov.u32 s20  }
0x40: {  	s22 =	sadd.s32 $0xFFFFFFF8, s18;
	p2 =	sge.u32 s18, s6;
	s17 =	sadd.s32 $0x1000, s17  }
0x41: {  	p3 =	slt.u32 @!p2 s22, $0x8;
	s22 =	sadd.s32 @!p2 $0x8000, s21;
	p1 =	sne.s32 s12, s17  }
0x42: {  	p3 =	por p3, p2;
	s22 =	sand.u32 @!p2 $0xF000, s22  }
0x43: {  	s23 =	simm.s32 @!p3 $0x2;
	s22 =	sshrl.u32 @!p2 s22, $0x2  }
0x44: {  	s22 =	sadd.s32 @!p2 $0x2800, s22;
	_ =	swait.ge @!p3 [sflag:s23], $0x400  }
0x45: {  	[sflag:s23] =	ssyncset.done @!p3 $0x0  }
.Ltmp1:
0x46: {  	[sflag:s23] =	ssyncadd.s32 @!p3 $0xFFFFFC00;
	s23 =	simm.s32 @!p2 $0x80;
	(pc) =	sbr.rel @p1 .LBB2_2-.Ltmp1, $4  }
0x47: {  	[tilespmem:s22], [sflag:$0x1] =	stream.indirect.gather @!p2 [hbm4b:s4+s23], $0x8, s19, s23, $0xb8;
	[tilespmem:$0x7C00] =	vst v63  }
0x48: {  	s18 =	sadd.s32 $0x1, s18;
	s21 =	sand.u32 $0xF000, s21;
	_ =	swait.ge [sflag:s31], $0x400  }
0x49: {  	s21 =	sshrl.u32 s21, $0x2;
	s19 =	sadd.s32 $0x80, s19;
	[sflag:s31] =	ssyncset.done $0x0  }
0x4a: {  	s20 =	sadd.s32 $0x80, s20;
	s21 =	sadd.s32 $0x2800, s21;
	[sflag:s31] =	ssyncadd.s32 $0xFFFFFC00  }
.LBB2_3:
0x4b: {  	[spmem:s2] =	stream.indirect.scatter.add.f32 [tilespmem:s21], [sflag:$0x2], $0x8, s16, s15, $0xb8;
	[tilespmem:$0x7C00] =	vst v63  }
0x4c: {  	_ =	swait.ge [sflag:s0], $0x400  }
0x4d: {  	[sflag:s0] =	ssyncset.done $0x0  }
0x4e: {  	[sflag:s0] =	ssyncadd.s32 $0xFFFFFC00  }
0x4f: {  	_ =	swait.ge [sflag:s0], $0x400  }
0x50: {  	[sflag:s0] =	ssyncset.done $0x0  }
0x51: {  	[sflag:s0] =	ssyncadd.s32 $0xFFFFFC00  }
0x52: {  	_ =	swait.ge [sflag:s0], $0x400  }
0x53: {  	[sflag:s0] =	ssyncset.done $0x0  }
0x54: {  	[sflag:s0] =	ssyncadd.s32 $0xFFFFFC00  }
0x55: {  	_ =	swait.ge [sflag:s0], $0x400  }
0x56: {  	[sflag:s0] =	ssyncset.done $0x0  }
0x57: {  	[sflag:s0] =	ssyncadd.s32 $0xFFFFFC00  }
0x58: {  	_ =	swait.ge [sflag:s0], $0x400  }
0x59: {  	[sflag:s0] =	ssyncset.done $0x0  }
0x5a: {  	[sflag:s0] =	ssyncadd.s32 $0xFFFFFC00  }
0x5b: {  	_ =	swait.ge [sflag:s0], $0x400  }
0x5c: {  	[sflag:s0] =	ssyncset.done $0x0  }
0x5d: {  	[sflag:s0] =	ssyncadd.s32 $0xFFFFFC00  }
0x5e: {  	_ =	swait.ge [sflag:s0], $0x400  }
0x5f: {  	[sflag:s0] =	ssyncset.done $0x0  }
0x60: {  	[sflag:s0] =	ssyncadd.s32 $0xFFFFFC00  }
0x61: {  	_ =	swait.ge [sflag:s0], $0x400  }
0x62: {  	[sflag:s0] =	ssyncset.done $0x0  }
0x63: {  	[sflag:s0] =	ssyncadd.s32 $0xFFFFFC00  }
0x64: {  	_ =	swait.ge [sflag:s0], $0x400  }
0x65: {  	[sflag:s0] =	ssyncset.done $0x0  }
0x66: {  	[sflag:s0] =	ssyncadd.s32 $0xFFFFFC00  }
0x67: {  	_ =	swait.ge [sflag:s0], $0x400  }
0x68: {  	[sflag:s0] =	ssyncset.done $0x0  }
0x69: {  	[sflag:s0] =	ssyncadd.s32 $0xFFFFFC00  }
0x6a: {  	_ =	swait.ge [sflag:s0], $0x400  }
0x6b: {  	[sflag:s0] =	ssyncset.done $0x0  }
0x6c: {  	[sflag:s0] =	ssyncadd.s32 $0xFFFFFC00  }
0x6d: {  	_ =	swait.ge [sflag:s0], $0x400  }
0x6e: {  	[sflag:s0] =	ssyncset.done $0x0  }
0x6f: {  	[sflag:s0] =	ssyncadd.s32 $0xFFFFFC00  }
0x70: {  	_ =	swait.ge [sflag:s0], $0x400  }
0x71: {  	[sflag:s0] =	ssyncset.done $0x0  }
0x72: {  	[sflag:s0] =	ssyncadd.s32 $0xFFFFFC00  }
0x73: {  	_ =	swait.ge [sflag:s0], $0x400  }
0x74: {  	[sflag:s0] =	ssyncset.done $0x0  }
0x75: {  	[sflag:s0] =	ssyncadd.s32 $0xFFFFFC00  }
0x76: {  	_ =	swait.ge [sflag:s0], $0x400  }
0x77: {  	[sflag:s0] =	ssyncset.done $0x0  }
0x78: {  	[sflag:s0] =	ssyncadd.s32 $0xFFFFFC00  }
0x79: {  	_ =	swait.ge [sflag:s0], $0x400  }
0x7a: {  	s1 =	sadd.s32 $0x1, s1;
	[sflag:s0] =	ssyncset.done $0x0  }
0x7b: {  	p1 =	sne.s32 s1, s11;
	[sflag:s0] =	ssyncadd.s32 $0xFFFFFC00  }
.Ltmp2:
0x7c: {  	[bflag:$0x0] =	sbarrier.arrive $0xFFFF;
	(pc) =	sbr.rel @p1 .LBB2_1-.Ltmp2, $4  }
0x7d: {  	[hbm:s10], [sflag:s8] =	dma.local [spmem:s13], $0x280  }
0x7e: {  	_ =	swait.ge [sflag:s14], $0x280  }
0x7f: {  	[sflag:s14] =	ssyncset.done $0x0  }
0x80: {  	[sflag:s14] =	ssyncadd.s32 $0xFFFFFD80  }
0x81: {  	_ =	sfence.sel $0x180000  }
0x82: {  	[bflag:$0x0] =	sbarrier.arrive $0xFFFF  }
0x83: {  	_ =	strace $0x9000004A  }
0x84: {  	s0 =	stileid.u32;
	[bflag:$0x2] =	sbarrier.arrive $0xFFFF  }
0x85: {  	p0 =	sne.s32 s0, $0x0;
	s0 =	rddreg [dreg:$0x2]  }
0x86: {  	s0 =	sadd.s32 @!p0 $0x100000, s0  }
0x87: {  	[sflag:s0] =	ssyncadd.tile.s32 @!p0 $0x1;
	_ =	shalt  }
.Lfunc_end2:
_tile_overlayer_lowered:
.L_overlay_start_2:
0x88: {  	(tag) =	ssettag $0x2  }
0x89: {  	s0 =	rddreg [dreg:$0x0];
	s2 =	stileid.u32  }
0x8a: {  	s1 =	rddreg [dreg:$0x1];
	p0 =	sne.s32 s2, $0x0  }
0x8b: {  	s3 =	rddreg [dreg:$0x2];
	[bflag:$0x3] =	sbarrier.arrive $0xFFFF;
	s2 =	simm.s32 @!p0 $0x1C03  }
0x8c: {  	[timem:s3], [sflag:s2] =	dma.local @!p0 [hbm:s0], s1  }
0x8d: {  	s0 =	simm.s32 @!p0 $0x3  }
0x8e: {  	_ =	swait.ge @!p0 [sflag:s0], s1  }
0x8f: {  	s1 =	ssub.s32 @!p0 $0x0, s1;
	[sflag:s0] =	ssyncset.done @!p0 $0x0  }
0x90: {  	[sflag:s0] =	ssyncadd.s32 @!p0 s1  }
0x91: {  	[bflag:$0x3] =	sbarrier.arrive $0xFFFF  }
0x92: {  	_ =	shalt  }

// kernel: kernel.13.cloned.1.call-start
scs
__scs_entry_jumppad:
0x0: {  	(pc) =	sbr.rel $0x88, $3  }
0x1: {  	(tag) =	ssettag $0x0;
	lr =	simm.s32 $0x1  }
0x2: {  	[smem:$0x3F97] =	sst lr;
	_ =	strace $0xD0000000  }
0x3: {  	_ = 	snop  }
0x4: {  	_ = 	snop  }
0x5: {  	_ = 	snop  }
0x6: {  	_ = 	snop  }
0x7: {  	_ = 	snop  }
__scs_overlays_trampoline_lowered:
0x8: {  	[smem:$0x3FA6] =	sst s0  }
0x9: {  	[smem:$0x3FA7] =	sst s1  }
0xa: {  	[smem:$0x3FA8] =	sst s2  }
0xb: {  	[smem:$0x3FA9] =	sst s3  }
0xc: {  	[smem:$0x3FAA] =	sst s4  }
0xd: {  	[smem:$0x3FAB] =	sst s5  }
0xe: {  	[smem:$0x3FAC] =	sst s6  }
0xf: {  	[smem:$0x3FAD] =	sst s7  }
0x10: {  	[smem:$0x3FAE] =	sst s8  }
0x11: {  	[smem:$0x3FAF] =	sst s9;
	s0 =	simm.s32 @!p0 $0x0  }
0x12: {  	s1 =	sld [smem:$0x3F95];
	s0 =	simm.s32 @p0 $0x1  }
0x13: {  	[smem:$0x3FB0] =	sst s0;
	s0 =	simm.s32 @!p1 $0x0  }
0x14: {  	s2 =	sld [smem:$0x3F94];
	s0 =	simm.s32 @p1 $0x1  }
0x15: {  	[smem:$0x3FB1] =	sst s0;
	s0 =	simm.s32 @!p2 $0x0  }
0x16: {  	s3 =	sld [smem:$0x3FDB];
	s0 =	simm.s32 @p2 $0x1  }
0x17: {  	s4 =	simm.s32 $0x1BF5;
	[smem:$0x3FB3] =	sst s0  }
0x18: {  	s0 =	sld [smem:$0x3F96];
	_ =	swait.ge [sflag:s4], $0x0  }
0x19: {  	s7 =	sld [smem:$0x3F97]  }
0x1a: {  	s8 =	sadd.s32 $0xFFFFE003, lr  }
0x1b: {  	s9 =	sadd.s32 $0xFFFFFEF7, lr;
	s5 =	simm.s32 $0xFFFFFFFF;
	p2 =	slt.u32 s8, $0xFFFFF086  }
0x1c: {  	p1 =	slt.u32 s9, $0xF7A;
	s5 =	simm.s32 @!p2 $0x0  }
0x1d: {  	s5 =	simm.s32 @p1 $0x1;
	p0 =	seq.s32 s7, s2  }
0x1e: {  	s7 =	smul.u32 @!p0 $0xF7A, s2;
	p2 =	seq.s32 @!p0 s5, $0x0  }
0x1f: {  	s9 =	smul.u32 $0xF7A, s1;
	s8 =	simm.s32 @!p0 $0x1BF5;
	p2 =	por !p2, p0  }
0x20: {  	[sflag:s8] =	ssyncset.s32 @!p0 $0xFFFFF086;
	s6 =	sadd.s32 @!p0 s3, s7;
	s7 =	simm.s32 @!p0 $0x108  }
0x21: {  	s3 =	sadd.s32 s3, s9;
	s6 =	sadd.s32 @!p0 $0x88, s6;
	s7 =	simm.s32 @p2 $0x1082  }
0x22: {  	[simem:s7], [sflag:s8] =	dma.local @!p0 [hbm:s6], $0xF7A  }
0x23: {  	s9 =	sor.u32 $0xD0000000, s2;
	s6 =	simm.s32 $0x108;
	_ =	swait.ge @!p0 [sflag:s8], $0x0  }
0x24: {  	s3 =	sadd.s32 $0x88, s3;
	s6 =	simm.s32 @!p1 $0x1082;
	[sflag:s4] =	ssyncset.s32 $0xFFFFF086  }
0x25: {  	[simem:s6], [sflag:s4] =	dma.local [hbm:s3], $0xF7A  }
0x26: {  	[smem:$0x3F97] =	sst s1;
	(tag) =	ssettag s2;
	_ =	strace s9  }
0x27: {  	s1 =	sld [smem:$0x3FA7]  }
0x28: {  	s2 =	sld [smem:$0x3FA8]  }
0x29: {  	s4 =	sld [smem:$0x3FAA]  }
0x2a: {  	p0 =	seq.s32 s5, $0x0;
	s5 =	sld [smem:$0x3FAB]  }
0x2b: {  	s6 =	sld [smem:$0x3FAC]  }
0x2c: {  	s7 =	sld [smem:$0x3FAD]  }
0x2d: {  	s3 =	simm.s32 $0x108;
	s8 =	sld [smem:$0x3FAE]  }
0x2e: {  	s3 =	simm.s32 @!p0 $0x1082;
	s9 =	sld [smem:$0x3FAF]  }
0x2f: {  	lr =	sadd.s32 s0, s3;
	s0 =	sld [smem:$0x3FA6]  }
0x30: {  	s3 =	sld [smem:$0x3FA9]  }
0x31: {  	[smem:$0x3FB2] =	sst s10  }
0x32: {  	s10 =	sld [smem:$0x3FB0];
	_ =	sdelay $0x3  }
0x33: {  	p0 =	seq.s32 s10, $0x1;
	s10 =	sld [smem:$0x3FB2];
	_ =	sdelay $0x3  }
0x34: {  	[smem:$0x3FB2] =	sst s10  }
0x35: {  	s10 =	sld [smem:$0x3FB1];
	_ =	sdelay $0x3  }
0x36: {  	p1 =	seq.s32 s10, $0x1;
	s10 =	sld [smem:$0x3FB2];
	_ =	sdelay $0x3  }
0x37: {  	[smem:$0x3FB2] =	sst s10  }
0x38: {  	s10 =	sld [smem:$0x3FB3]  }
0x39: {  	_ = 	snop;
	(pc) =	sbr.ind lr, $3  }
0x3a: {  	_ = 	snop  }
0x3b: {  	_ = 	snop  }
0x3c: {  	p2 =	seq.s32 s10, $0x1;
	s10 =	sld [smem:$0x3FB2]  }
0x3d: {  	_ =	shalt  }
0x3e: {  	_ =	shalt  }
0x3f: {  	_ =	shalt  }
0x40: {  	_ =	shalt  }
0x41: {  	_ =	shalt  }
0x42: {  	_ =	shalt  }
0x43: {  	_ =	shalt  }
0x44: {  	_ =	shalt  }
0x45: {  	_ =	shalt  }
0x46: {  	_ =	shalt  }
0x47: {  	_ =	shalt  }
0x48: {  	_ =	shalt  }
0x49: {  	_ =	shalt  }
0x4a: {  	_ =	shalt  }
0x4b: {  	_ =	shalt  }
0x4c: {  	_ =	shalt  }
0x4d: {  	_ =	shalt  }
0x4e: {  	_ =	shalt  }
0x4f: {  	_ =	shalt  }
0x50: {  	_ =	shalt  }
0x51: {  	_ =	shalt  }
0x52: {  	_ =	shalt  }
0x53: {  	_ =	shalt  }
0x54: {  	_ =	shalt  }
0x55: {  	_ =	shalt  }
0x56: {  	_ =	shalt  }
0x57: {  	_ =	shalt  }
0x58: {  	_ =	shalt  }
0x59: {  	_ =	shalt  }
0x5a: {  	_ =	shalt  }
0x5b: {  	_ =	shalt  }
0x5c: {  	_ =	shalt  }
0x5d: {  	_ =	shalt  }
0x5e: {  	_ =	shalt  }
0x5f: {  	_ =	shalt  }
0x60: {  	_ =	shalt  }
0x61: {  	_ =	shalt  }
0x62: {  	_ =	shalt  }
0x63: {  	_ =	shalt  }
0x64: {  	_ =	shalt  }
0x65: {  	_ =	shalt  }
0x66: {  	_ =	shalt  }
0x67: {  	_ =	shalt  }
0x68: {  	_ =	shalt  }
0x69: {  	_ =	shalt  }
0x6a: {  	_ =	shalt  }
0x6b: {  	_ =	shalt  }
0x6c: {  	_ =	shalt  }
0x6d: {  	_ =	shalt  }
0x6e: {  	_ =	shalt  }
0x6f: {  	_ =	shalt  }
0x70: {  	_ =	shalt  }
0x71: {  	_ =	shalt  }
0x72: {  	_ =	shalt  }
0x73: {  	_ =	shalt  }
0x74: {  	_ =	shalt  }
0x75: {  	_ =	shalt  }
0x76: {  	_ =	shalt  }
0x77: {  	_ =	shalt  }
0x78: {  	_ =	shalt  }
0x79: {  	_ =	shalt  }
0x7a: {  	_ =	shalt  }
0x7b: {  	_ =	shalt  }
0x7c: {  	_ =	shalt  }
0x7d: {  	_ =	shalt  }
0x7e: {  	_ =	shalt  }
0x7f: {  	_ =	shalt  }
0x80: {  	_ =	shalt  }
0x81: {  	_ =	shalt  }
0x82: {  	_ =	shalt  }
0x83: {  	_ =	shalt  }
0x84: {  	_ =	shalt  }
0x85: {  	_ =	shalt  }
0x86: {  	_ =	shalt  }
0x87: {  	_ =	shalt  }
.Lfunc_end0:
.L_simem_size_0:
called_computation.2_lowered:
.L_overlay_start_0:
0x88: {  	s2 =	sld [smem:$0x3FD9]  }
0x89: {  	s3 =	sld [smem:$0x3FFE];
	_ =	sdelay $0x1  }
0x8a: {  	s1 =	srdreg.scid  }
0x8b: {  	s0 =	sand.u32 $0x1, s1  }
0x8c: {  	s16 =	sshll.u32 s0, $0xA;
	s2 =	sadd.s32 s3, s2  }
0x8d: {  	s2 =	sadd.s32 s2, s16  }
0x8e: {  	[smem:$0x3FBE] =	sst s2  }
0x8f: {  	_ = 	snop  }
0x90: {  	(tm) =	ssettm $0x1  }
0x91: {  	s17 =	sld [smem:$0x3FFB];
	_ =	sdelay $0x3  }
0x92: {  	_ =	strace s17  }
0x93: {  	s2 =	sld [smem:$0x3FFC];
	_ =	sdelay $0x3  }
0x94: {  	_ =	strace s2  }
0x95: {  	s2 =	sld [smem:$0x3FFD];
	_ =	sdelay $0x3  }
0x96: {  	_ =	strace s2  }
0x97: {  	_ =	strace $0x8FFFFFFF  }
0x98: {  	s18 =	sld [smem:$0x3FDB];
	_ =	sdelay $0x1  }
0x99: {  	s19 =	simm.s32 $_scs_section_size  }
0x9a: {  	s4 =	simm.s32 $_size__tile_overlayer_lowered;
	s5 =	simm.s32 $_tile_overlayer_lowered  }
0x9b: {  	s22 =	simm.s32 $0x1BFF;
	s21 =	sshll.u32 s5, $0x1;
	s2 =	sadd.s32 s19, s18  }
0x9c: {  	s6 =	simm.s32 $0x0;
	s20 =	sshll.u32 s4, $0x1;
	s4 =	sadd.s32 s21, s2  }
0x9d: {  	[timem:s6], [sflag:s22] =	dma.local [hbm:s4], s20  }
0x9e: {  	_ =	swait.ge [sflag:s22], s20  }
0x9f: {  	s3 =	ssub.s32 $0x0, s20;
	[sflag:s22] =	ssyncset.done $0x0  }
0xa0: {  	[sflag:s22] =	ssyncadd.s32 s3;
	_ =	sdelay $0x1  }
0xa1: {  	s23 =	simm.s32 $0x1B8B  }
0xa2: {  	_ =	swait.ge [sflag:s23], $0x1  }
0xa3: {  	[sflag:s23] =	ssyncset.done $0x0  }
0xa4: {  	s25 =	simm.s32 $0x1B8E;
	s24 =	sld [smem:$0x3FFE];
	[sflag:s23] =	ssyncadd.s32 $0xFFFFFFFF  }
0xa5: {  	s26 =	simm.s32 $execute0_lowered;
	[smem:$0x3FD2] =	sst s25  }
0xa6: {  	s4 =	sshll.u32 s26, $0x1;
	_ =	strace $0x8000004C;
	[dreg:$0x1] =	wrdreg $0xFFFFFFFF  }
0xa7: {  	s28 =	simm.s32 $_size_execute0_lowered;
	s2 =	sadd.s32 s2, s4;
	[dreg:$0x0] =	wrdreg $0x0  }
0xa8: {  	s4 =	sshll.u32 s28, $0x1;
	[dreg:$0x2] =	wrdreg s2  }
0xa9: {  	[dreg:$0x3] =	wrdreg s4  }
0xaa: {  	[dreg:$0x4] =	wrdreg $0xC0  }
0xab: {  	_ =	task [dreg:s6], $0x5FFFF  }
0xac: {  	[dreg:$0x1] =	wrdreg $0xFFFFFFFF  }
0xad: {  	[dreg:$0x0] =	wrdreg $0x60  }
0xae: {  	[dreg:$0x2] =	wrdreg s24  }
0xaf: {  	[dreg:$0x3] =	wrdreg $0x68000  }
0xb0: {  	[dreg:$0x4] =	wrdreg $0x9  }
0xb1: {  	_ =	task.clear_ibuf [dreg:s6], $0x5FFFF;
	_ =	strace $0x9000004C  }
0xb2: {  	s29 =	simm.s32 $0x9;
	_ =	strace $0x8000004E  }
0xb3: {  	_ =	swait.ge [sflag:s29], $0x1  }
0xb4: {  	[sflag:s29] =	ssyncadd.s32 $0xFFFFFFFF  }
0xb5: {  	_ =	strace $0x9000004E  }
0xb6: {  	_ =	sfence  }
0xb7: {  	s30 =	sld [smem:$0x0];
	_ =	sdelay $0x2  }
0xb8: {  	s31 =	sshll.u32 s1, $0xD;
	s1 =	sshrl.u32 s1, $0x2  }
0xb9: {  	s3 =	sand.u32 $0x4000, s31;
	s1 =	sadd.s32 s1, s30  }
0xba: {  	s0 =	sor.u32 s3, s0;
	s1 =	sshll.u32 s1, $0x11  }
0xbb: {  	s0 =	sor.u32 s1, s0  }
0xbc: {  	s0 =	sadd.s32 $0x8F2B, s0  }
0xbd: {  	[sflag:s0] =	ssyncadd.remote.s32 $0x1  }
0xbe: {  	_ =	sfence.sel $0xFFFF  }
0xbf: {  	[dreg:$0x0] =	wrdreg $0xFFFFFFFF;
	(pc) =	sbr.abs _section_cstart, $3  }
0xc0: {  	[dreg:$0x1] =	wrdreg $0xFFFFFFFF  }
0xc1: {  	_ =	task.clear_ibuf [dreg:s6], $0x2FFFF;
	_ =	strace $0x9FFFFFFF  }
0xc2: {  	(tm) =	ssettm $0x7FFFFFFF  }
0xc3: {  	_ =	shalt  }
tec
execute0_lowered:
.L_overlay_start_1:
0x0: {  	(tag) =	ssettag $0x1  }
0x1: {  	s0 =	rddreg [dreg:$0x0]  }
0x2: {  	s2 =	rddreg [dreg:$0x1]  }
0x3: {  	s3 =	simm.s32 $0x0;
	s11 =	stileid.u32;
	s1 =	srdreg.scid  }
0x4: {  	s15 =	simm.s32 $0x80;
	s28 =	simm.s32 $0x4000;
	s29 =	simm.s32 $0x380  }
0x5: {  	s30 =	simm.s32 $0x4400;
	s31 =	simm.s32 $0x1;
	[smem:$0x7FF] =	sst s3  }
0x6: {  	s5 =	smul.u32 $0x1400, s11;
	s1 =	sand.u32 $0x1, s1;
	s4 =	sadd.s32 $0xA000, s0  }
0x7: {  	s25 =	sshll.u32 s11, $0x6;
	_ =	strace $0x8000004D;
	s6 =	smul.u32 $0x14000, s1  }
0x8: {  	s8 =	sshll.u32 s1, $0x4;
	s1 =	ssub.s32 $0x2, s1;
	s7 =	sshrl.u32 s5, $0x3  }
0x9: {  	s13 =	sor.u32 s11, s8;
	s23 =	sshrl.u32 s1, $0x1;
	s14 =	sadd.s32 s5, s2  }
0xa: {  	s7 =	sadd.s32 s7, s0;
	s6 =	sadd.s32 s5, s6;
	s8 =	smul.u32 $0x27, s13  }
0xb: {  	s9 =	smin.u32 s13, $0x2;
	s1 =	ssub.s32 s1, s23;
	p0 =	slt.u32 s13, $0x2  }
0xc: {  	s6 =	sshrl.u32 s6, $0x3;
	s5 =	sadd.s32 $0x10800, s7;
	s11 =	smax.u32 s1, $0x1  }
0xd: {  	s1 =	simm.s32 $0x0;
	s10 =	sadd.s32 s6, s0;
	s24 =	sadd.s32 s9, s8  }
0xe: {  	s6 =	simm.s32 $0x28;
	s8 =	sor.u32 $0x1C03, s25;
	s25 =	simm.s32 $0x3C00  }
0xf: {  	s26 =	sshll.u32 s24, $0x4;
	s6 =	simm.s32 @!p0 $0x27;
	s10 =	sadd.s32 $0x13000, s10  }
0x10: {  	p0 =	sgt.u32 s13, $0x1;
	s13 =	sshrl.u32 s14, $0x3;
	s14 =	simm.s32 $0x3  }
0x11: {  	s24 =	simm.s32 $0x280;
	s7 =	sadd.s32 s0, s26;
	s12 =	sshll.u32 s6, $0xC  }
0x12: {  	s26 =	simm.s32 $0x300;
	s0 =	simm.s32 $0x2;
	s9 =	sadd.s32 $0x5000, s7  }
.LBB2_1:
0x13: {  	[spmem:s13], [sflag:s8] =	dma.local [hbm:s5], $0x280  }
0x14: {  	_ =	swait.ge [sflag:s14], $0x280  }
0x15: {  	[sflag:s14] =	ssyncset.done $0x0  }
0x16: {  	s16 =	simm.s32 @p0 $0x0;
	s17 =	simm.s32 @p0 $0x3;
	[sflag:s14] =	ssyncadd.s32 $0xFFFFFD80  }
0x17: {  	[tilespmem:s16], [sflag:$0x3] =	stream.linear.gather @p0 [hbm4b:s7+s16], $0x1380, $0x38;
	[tilespmem:$0x7C00] =	vst v63  }
0x18: {  	_ =	swait.ge @p0 [sflag:s17], $0x1380  }
0x19: {  	[sflag:s17] =	ssyncset.done @p0 $0x0  }
0x1a: {  	s18 =	simm.s32 @p0 $0x1400;
	[sflag:s17] =	ssyncadd.s32 @p0 $0xFFFFEC80  }
0x1b: {  	[tilespmem:s18], [sflag:$0x3] =	stream.linear.gather @p0 [hbm4b:s9+s16], $0x1380, $0x38;
	[tilespmem:$0x7C00] =	vst v63  }
0x1c: {  	_ =	swait.ge @p0 [sflag:s17], $0x1380  }
0x1d: {  	[sflag:s17] =	ssyncset.done @p0 $0x0  }
0x1e: {  	s16 =	simm.s32 @!p0 $0x0;
	[sflag:s17] =	ssyncadd.s32 @p0 $0xFFFFEC80;
	s17 =	simm.s32 @!p0 $0x3  }
0x1f: {  	[tilespmem:s16], [sflag:$0x3] =	stream.linear.gather @!p0 [hbm4b:s7+s16], $0x1400, $0x38;
	[tilespmem:$0x7C00] =	vst v63  }
0x20: {  	_ =	swait.ge @!p0 [sflag:s17], $0x1400  }
0x21: {  	[sflag:s17] =	ssyncset.done @!p0 $0x0  }
0x22: {  	s18 =	simm.s32 @!p0 $0x1400;
	[sflag:s17] =	ssyncadd.s32 @!p0 $0xFFFFEC00  }
0x23: {  	[tilespmem:s18], [sflag:$0x3] =	stream.linear.gather @!p0 [hbm4b:s9+s16], $0x1400, $0x38;
	[tilespmem:$0x7C00] =	vst v63  }
0x24: {  	_ =	swait.ge @!p0 [sflag:s17], $0x1400  }
0x25: {  	[sflag:s17] =	ssyncset.done @!p0 $0x0  }
0x26: {  	[sflag:s17] =	ssyncadd.s32 @!p0 $0xFFFFEC00  }
0x27: {  	s20 =	simm.s32 $0x2800;
	[bflag:$0x0] =	sbarrier.arrive $0xFFFF  }
0x28: {  	[tilespmem:s20], [sflag:$0x1] =	stream.indirect.gather [hbm4b:s4+s15], $0x8, s3, s15, $0xb8;
	[tilespmem:$0x7C00] =	vst v63  }
0x29: {  	s21 =	simm.s32 $0x2C00  }
0x2a: {  	[tilespmem:s21], [sflag:$0x1] =	stream.indirect.gather [hbm4b:s4+s15], $0x8, s15, s15, $0xb8;
	[tilespmem:$0x7C00] =	vst v63  }
0x2b: {  	s22 =	simm.s32 $0x100;
	s23 =	simm.s32 $0x3000  }
0x2c: {  	[tilespmem:s23], [sflag:$0x1] =	stream.indirect.gather [hbm4b:s4+s15], $0x8, s22, s15, $0xb8;
	[tilespmem:$0x7C00] =	vst v63  }
0x2d: {  	s19 =	simm.s32 $0x3400;
	s18 =	simm.s32 $0x180  }
0x2e: {  	[tilespmem:s19], [sflag:$0x1] =	stream.indirect.gather [hbm4b:s4+s15], $0x8, s18, s15, $0xb8;
	[tilespmem:$0x7C00] =	vst v63  }
0x2f: {  	p1 =	sle.u32 s6, $0x8;
	s20 =	simm.s32 $0x200;
	s21 =	simm.s32 $0x3800  }
0x30: {  	[tilespmem:s21], [sflag:$0x1] =	stream.indirect.gather [hbm4b:s4+s15], $0x8, s20, s15, $0xb8;
	[tilespmem:$0x7C00] =	vst v63  }
0x31: {  	p2 =	por @!p1 $0x1, $0x1  }
0x32: {  	[tilespmem:s25], [sflag:$0x1] =	stream.indirect.gather [hbm4b:s4+s15], $0x8, s24, s15, $0xb8;
	[tilespmem:$0x7C00] =	vst v63  }
0x33: {  	p3 =	por p2, p1;
	p2 =	sne.s32 s12, $0x1000;
	s19 =	simm.s32 @!p1 $0x8000  }
0x34: {  	[tilespmem:s28], [sflag:$0x1] =	stream.indirect.gather [hbm4b:s4+s15], $0x8, s26, s15, $0xb8;
	[tilespmem:$0x7C00] =	vst v63  }
0x35: {  	s16 =	simm.s32 $0x1400;
	s19 =	sand.u32 @!p1 $0xF000, s19;
	s20 =	simm.s32 @!p3 $0x2  }
0x36: {  	[tilespmem:s30], [sflag:$0x1] =	stream.indirect.gather [hbm4b:s4+s15], $0x8, s29, s15, $0xb8;
	[tilespmem:$0x7C00] =	vst v63  }
0x37: {  	s22 =	sand.u32 $0xF000, s3;
	s19 =	sshrl.u32 @!p1 s19, $0x2;
	_ =	swait.ge @!p3 [sflag:s20], $0x400  }
0x38: {  	s18 =	simm.s32 $0x400;
	s19 =	sadd.s32 @!p1 $0x2800, s19;
	[sflag:s20] =	ssyncset.done @!p3 $0x0  }
.Ltmp0:
0x39: {  	[sflag:s20] =	ssyncadd.s32 @!p3 $0xFFFFFC00;
	s20 =	simm.s32 @!p1 $0x80;
	(pc) =	sbr.rel @!p2 .LBB2_3-.Ltmp0, $4  }
0x3a: {  	[tilespmem:s19], [sflag:$0x1] =	stream.indirect.gather @!p1 [hbm4b:s4+s20], $0x8, s18, s20, $0xb8;
	[tilespmem:$0x7C00] =	vst v63  }
0x3b: {  	s17 =	simm.s32 $0x1000;
	s23 =	sshrl.u32 s22, $0x2;
	_ =	swait.ge [sflag:s31], $0x400  }
0x3c: {  	s21 =	sadd.s32 $0x2800, s23;
	s18 =	simm.s32 $0x9;
	[sflag:s31] =	ssyncset.done $0x0  }
0x3d: {  	s19 =	simm.s32 $0x480;
	s20 =	simm.s32 $0x1480;
	[sflag:s31] =	ssyncadd.s32 $0xFFFFFC00  }
.LBB2_2:
0x3e: {  	[spmem:s2] =	stream.indirect.scatter.add.f32 [tilespmem:s21], [sflag:$0x2], $0x8, s16, s15, $0xb8;
	[tilespmem:$0x7C00] =	vst v63  }
0x3f: {  	s21 =	smov.u32 s17;
	s16 =	smov.u32 s20  }
0x40: {  	s22 =	sadd.s32 $0xFFFFFFF8, s18;
	p2 =	sge.u32 s18, s6;
	s17 =	sadd.s32 $0x1000, s17  }
0x41: {  	p3 =	slt.u32 @!p2 s22, $0x8;
	s22 =	sadd.s32 @!p2 $0x8000, s21;
	p1 =	sne.s32 s12, s17  }
0x42: {  	p3 =	por p3, p2;
	s22 =	sand.u32 @!p2 $0xF000, s22  }
0x43: {  	s23 =	simm.s32 @!p3 $0x2;
	s22 =	sshrl.u32 @!p2 s22, $0x2  }
0x44: {  	s22 =	sadd.s32 @!p2 $0x2800, s22;
	_ =	swait.ge @!p3 [sflag:s23], $0x400  }
0x45: {  	[sflag:s23] =	ssyncset.done @!p3 $0x0  }
.Ltmp1:
0x46: {  	[sflag:s23] =	ssyncadd.s32 @!p3 $0xFFFFFC00;
	s23 =	simm.s32 @!p2 $0x80;
	(pc) =	sbr.rel @p1 .LBB2_2-.Ltmp1, $4  }
0x47: {  	[tilespmem:s22], [sflag:$0x1] =	stream.indirect.gather @!p2 [hbm4b:s4+s23], $0x8, s19, s23, $0xb8;
	[tilespmem:$0x7C00] =	vst v63  }
0x48: {  	s18 =	sadd.s32 $0x1, s18;
	s21 =	sand.u32 $0xF000, s21;
	_ =	swait.ge [sflag:s31], $0x400  }
0x49: {  	s21 =	sshrl.u32 s21, $0x2;
	s19 =	sadd.s32 $0x80, s19;
	[sflag:s31] =	ssyncset.done $0x0  }
0x4a: {  	s20 =	sadd.s32 $0x80, s20;
	s21 =	sadd.s32 $0x2800, s21;
	[sflag:s31] =	ssyncadd.s32 $0xFFFFFC00  }
.LBB2_3:
0x4b: {  	[spmem:s2] =	stream.indirect.scatter.add.f32 [tilespmem:s21], [sflag:$0x2], $0x8, s16, s15, $0xb8;
	[tilespmem:$0x7C00] =	vst v63  }
0x4c: {  	_ =	swait.ge [sflag:s0], $0x400  }
0x4d: {  	[sflag:s0] =	ssyncset.done $0x0  }
0x4e: {  	[sflag:s0] =	ssyncadd.s32 $0xFFFFFC00  }
0x4f: {  	_ =	swait.ge [sflag:s0], $0x400  }
0x50: {  	[sflag:s0] =	ssyncset.done $0x0  }
0x51: {  	[sflag:s0] =	ssyncadd.s32 $0xFFFFFC00  }
0x52: {  	_ =	swait.ge [sflag:s0], $0x400  }
0x53: {  	[sflag:s0] =	ssyncset.done $0x0  }
0x54: {  	[sflag:s0] =	ssyncadd.s32 $0xFFFFFC00  }
0x55: {  	_ =	swait.ge [sflag:s0], $0x400  }
0x56: {  	[sflag:s0] =	ssyncset.done $0x0  }
0x57: {  	[sflag:s0] =	ssyncadd.s32 $0xFFFFFC00  }
0x58: {  	_ =	swait.ge [sflag:s0], $0x400  }
0x59: {  	[sflag:s0] =	ssyncset.done $0x0  }
0x5a: {  	[sflag:s0] =	ssyncadd.s32 $0xFFFFFC00  }
0x5b: {  	_ =	swait.ge [sflag:s0], $0x400  }
0x5c: {  	[sflag:s0] =	ssyncset.done $0x0  }
0x5d: {  	[sflag:s0] =	ssyncadd.s32 $0xFFFFFC00  }
0x5e: {  	_ =	swait.ge [sflag:s0], $0x400  }
0x5f: {  	[sflag:s0] =	ssyncset.done $0x0  }
0x60: {  	[sflag:s0] =	ssyncadd.s32 $0xFFFFFC00  }
0x61: {  	_ =	swait.ge [sflag:s0], $0x400  }
0x62: {  	[sflag:s0] =	ssyncset.done $0x0  }
0x63: {  	[sflag:s0] =	ssyncadd.s32 $0xFFFFFC00  }
0x64: {  	_ =	swait.ge [sflag:s0], $0x400  }
0x65: {  	[sflag:s0] =	ssyncset.done $0x0  }
0x66: {  	[sflag:s0] =	ssyncadd.s32 $0xFFFFFC00  }
0x67: {  	_ =	swait.ge [sflag:s0], $0x400  }
0x68: {  	[sflag:s0] =	ssyncset.done $0x0  }
0x69: {  	[sflag:s0] =	ssyncadd.s32 $0xFFFFFC00  }
0x6a: {  	_ =	swait.ge [sflag:s0], $0x400  }
0x6b: {  	[sflag:s0] =	ssyncset.done $0x0  }
0x6c: {  	[sflag:s0] =	ssyncadd.s32 $0xFFFFFC00  }
0x6d: {  	_ =	swait.ge [sflag:s0], $0x400  }
0x6e: {  	[sflag:s0] =	ssyncset.done $0x0  }
0x6f: {  	[sflag:s0] =	ssyncadd.s32 $0xFFFFFC00  }
0x70: {  	_ =	swait.ge [sflag:s0], $0x400  }
0x71: {  	[sflag:s0] =	ssyncset.done $0x0  }
0x72: {  	[sflag:s0] =	ssyncadd.s32 $0xFFFFFC00  }
0x73: {  	_ =	swait.ge [sflag:s0], $0x400  }
0x74: {  	[sflag:s0] =	ssyncset.done $0x0  }
0x75: {  	[sflag:s0] =	ssyncadd.s32 $0xFFFFFC00  }
0x76: {  	_ =	swait.ge [sflag:s0], $0x400  }
0x77: {  	[sflag:s0] =	ssyncset.done $0x0  }
0x78: {  	[sflag:s0] =	ssyncadd.s32 $0xFFFFFC00  }
0x79: {  	_ =	swait.ge [sflag:s0], $0x400  }
0x7a: {  	s1 =	sadd.s32 $0x1, s1;
	[sflag:s0] =	ssyncset.done $0x0  }
0x7b: {  	p1 =	sne.s32 s1, s11;
	[sflag:s0] =	ssyncadd.s32 $0xFFFFFC00  }
.Ltmp2:
0x7c: {  	[bflag:$0x0] =	sbarrier.arrive $0xFFFF;
	(pc) =	sbr.rel @p1 .LBB2_1-.Ltmp2, $4  }
0x7d: {  	[hbm:s10], [sflag:s8] =	dma.local [spmem:s13], $0x280  }
0x7e: {  	_ =	swait.ge [sflag:s14], $0x280  }
0x7f: {  	[sflag:s14] =	ssyncset.done $0x0  }
0x80: {  	[sflag:s14] =	ssyncadd.s32 $0xFFFFFD80  }
0x81: {  	_ =	sfence.sel $0x180000  }
0x82: {  	[bflag:$0x0] =	sbarrier.arrive $0xFFFF  }
0x83: {  	_ =	strace $0x9000004D  }
0x84: {  	s0 =	stileid.u32;
	[bflag:$0x2] =	sbarrier.arrive $0xFFFF  }
0x85: {  	p0 =	sne.s32 s0, $0x0;
	s0 =	rddreg [dreg:$0x2]  }
0x86: {  	s0 =	sadd.s32 @!p0 $0x100000, s0  }
0x87: {  	[sflag:s0] =	ssyncadd.tile.s32 @!p0 $0x1;
	_ =	shalt  }
.Lfunc_end2:
_tile_overlayer_lowered:
.L_overlay_start_2:
0x88: {  	(tag) =	ssettag $0x2  }
0x89: {  	s0 =	rddreg [dreg:$0x0];
	s2 =	stileid.u32  }
0x8a: {  	s1 =	rddreg [dreg:$0x1];
	p0 =	sne.s32 s2, $0x0  }
0x8b: {  	s3 =	rddreg [dreg:$0x2];
	[bflag:$0x3] =	sbarrier.arrive $0xFFFF;
	s2 =	simm.s32 @!p0 $0x1C03  }
0x8c: {  	[timem:s3], [sflag:s2] =	dma.local @!p0 [hbm:s0], s1  }
0x8d: {  	s0 =	simm.s32 @!p0 $0x3  }
0x8e: {  	_ =	swait.ge @!p0 [sflag:s0], s1  }
0x8f: {  	s1 =	ssub.s32 @!p0 $0x0, s1;
	[sflag:s0] =	ssyncset.done @!p0 $0x0  }
0x90: {  	[sflag:s0] =	ssyncadd.s32 @!p0 s1  }
0x91: {  	[bflag:$0x3] =	sbarrier.arrive $0xFFFF  }
0x92: {  	_ =	shalt  }

// kernel: kernel.7.cloned.1.call-start
scs
__scs_entry_jumppad:
0x0: {  	(pc) =	sbr.rel $0x88, $3  }
0x1: {  	(tag) =	ssettag $0x0;
	lr =	simm.s32 $0x1  }
0x2: {  	[smem:$0x3F97] =	sst lr;
	_ =	strace $0xD0000000  }
0x3: {  	_ = 	snop  }
0x4: {  	_ = 	snop  }
0x5: {  	_ = 	snop  }
0x6: {  	_ = 	snop  }
0x7: {  	_ = 	snop  }
__scs_overlays_trampoline_lowered:
0x8: {  	[smem:$0x3FA6] =	sst s0  }
0x9: {  	[smem:$0x3FA7] =	sst s1  }
0xa: {  	[smem:$0x3FA8] =	sst s2  }
0xb: {  	[smem:$0x3FA9] =	sst s3  }
0xc: {  	[smem:$0x3FAA] =	sst s4  }
0xd: {  	[smem:$0x3FAB] =	sst s5  }
0xe: {  	[smem:$0x3FAC] =	sst s6  }
0xf: {  	[smem:$0x3FAD] =	sst s7  }
0x10: {  	[smem:$0x3FAE] =	sst s8  }
0x11: {  	[smem:$0x3FAF] =	sst s9;
	s0 =	simm.s32 @!p0 $0x0  }
0x12: {  	s1 =	sld [smem:$0x3F95];
	s0 =	simm.s32 @p0 $0x1  }
0x13: {  	[smem:$0x3FB0] =	sst s0;
	s0 =	simm.s32 @!p1 $0x0  }
0x14: {  	s2 =	sld [smem:$0x3F94];
	s0 =	simm.s32 @p1 $0x1  }
0x15: {  	[smem:$0x3FB1] =	sst s0;
	s0 =	simm.s32 @!p2 $0x0  }
0x16: {  	s3 =	sld [smem:$0x3FDB];
	s0 =	simm.s32 @p2 $0x1  }
0x17: {  	s4 =	simm.s32 $0x1BF5;
	[smem:$0x3FB3] =	sst s0  }
0x18: {  	s0 =	sld [smem:$0x3F96];
	_ =	swait.ge [sflag:s4], $0x0  }
0x19: {  	s7 =	sld [smem:$0x3F97]  }
0x1a: {  	s8 =	sadd.s32 $0xFFFFE003, lr  }
0x1b: {  	s9 =	sadd.s32 $0xFFFFFEF7, lr;
	s5 =	simm.s32 $0xFFFFFFFF;
	p2 =	slt.u32 s8, $0xFFFFF086  }
0x1c: {  	p1 =	slt.u32 s9, $0xF7A;
	s5 =	simm.s32 @!p2 $0x0  }
0x1d: {  	s5 =	simm.s32 @p1 $0x1;
	p0 =	seq.s32 s7, s2  }
0x1e: {  	s7 =	smul.u32 @!p0 $0xF7A, s2;
	p2 =	seq.s32 @!p0 s5, $0x0  }
0x1f: {  	s9 =	smul.u32 $0xF7A, s1;
	s8 =	simm.s32 @!p0 $0x1BF5;
	p2 =	por !p2, p0  }
0x20: {  	[sflag:s8] =	ssyncset.s32 @!p0 $0xFFFFF086;
	s6 =	sadd.s32 @!p0 s3, s7;
	s7 =	simm.s32 @!p0 $0x108  }
0x21: {  	s3 =	sadd.s32 s3, s9;
	s6 =	sadd.s32 @!p0 $0x88, s6;
	s7 =	simm.s32 @p2 $0x1082  }
0x22: {  	[simem:s7], [sflag:s8] =	dma.local @!p0 [hbm:s6], $0xF7A  }
0x23: {  	s9 =	sor.u32 $0xD0000000, s2;
	s6 =	simm.s32 $0x108;
	_ =	swait.ge @!p0 [sflag:s8], $0x0  }
0x24: {  	s3 =	sadd.s32 $0x88, s3;
	s6 =	simm.s32 @!p1 $0x1082;
	[sflag:s4] =	ssyncset.s32 $0xFFFFF086  }
0x25: {  	[simem:s6], [sflag:s4] =	dma.local [hbm:s3], $0xF7A  }
0x26: {  	[smem:$0x3F97] =	sst s1;
	(tag) =	ssettag s2;
	_ =	strace s9  }
0x27: {  	s1 =	sld [smem:$0x3FA7]  }
0x28: {  	s2 =	sld [smem:$0x3FA8]  }
0x29: {  	s4 =	sld [smem:$0x3FAA]  }
0x2a: {  	p0 =	seq.s32 s5, $0x0;
	s5 =	sld [smem:$0x3FAB]  }
0x2b: {  	s6 =	sld [smem:$0x3FAC]  }
0x2c: {  	s7 =	sld [smem:$0x3FAD]  }
0x2d: {  	s3 =	simm.s32 $0x108;
	s8 =	sld [smem:$0x3FAE]  }
0x2e: {  	s3 =	simm.s32 @!p0 $0x1082;
	s9 =	sld [smem:$0x3FAF]  }
0x2f: {  	lr =	sadd.s32 s0, s3;
	s0 =	sld [smem:$0x3FA6]  }
0x30: {  	s3 =	sld [smem:$0x3FA9]  }
0x31: {  	[smem:$0x3FB2] =	sst s10  }
0x32: {  	s10 =	sld [smem:$0x3FB0];
	_ =	sdelay $0x3  }
0x33: {  	p0 =	seq.s32 s10, $0x1;
	s10 =	sld [smem:$0x3FB2];
	_ =	sdelay $0x3  }
0x34: {  	[smem:$0x3FB2] =	sst s10  }
0x35: {  	s10 =	sld [smem:$0x3FB1];
	_ =	sdelay $0x3  }
0x36: {  	p1 =	seq.s32 s10, $0x1;
	s10 =	sld [smem:$0x3FB2];
	_ =	sdelay $0x3  }
0x37: {  	[smem:$0x3FB2] =	sst s10  }
0x38: {  	s10 =	sld [smem:$0x3FB3]  }
0x39: {  	_ = 	snop;
	(pc) =	sbr.ind lr, $3  }
0x3a: {  	_ = 	snop  }
0x3b: {  	_ = 	snop  }
0x3c: {  	p2 =	seq.s32 s10, $0x1;
	s10 =	sld [smem:$0x3FB2]  }
0x3d: {  	_ =	shalt  }
0x3e: {  	_ =	shalt  }
0x3f: {  	_ =	shalt  }
0x40: {  	_ =	shalt  }
0x41: {  	_ =	shalt  }
0x42: {  	_ =	shalt  }
0x43: {  	_ =	shalt  }
0x44: {  	_ =	shalt  }
0x45: {  	_ =	shalt  }
0x46: {  	_ =	shalt  }
0x47: {  	_ =	shalt  }
0x48: {  	_ =	shalt  }
0x49: {  	_ =	shalt  }
0x4a: {  	_ =	shalt  }
0x4b: {  	_ =	shalt  }
0x4c: {  	_ =	shalt  }
0x4d: {  	_ =	shalt  }
0x4e: {  	_ =	shalt  }
0x4f: {  	_ =	shalt  }
0x50: {  	_ =	shalt  }
0x51: {  	_ =	shalt  }
0x52: {  	_ =	shalt  }
0x53: {  	_ =	shalt  }
0x54: {  	_ =	shalt  }
0x55: {  	_ =	shalt  }
0x56: {  	_ =	shalt  }
0x57: {  	_ =	shalt  }
0x58: {  	_ =	shalt  }
0x59: {  	_ =	shalt  }
0x5a: {  	_ =	shalt  }
0x5b: {  	_ =	shalt  }
0x5c: {  	_ =	shalt  }
0x5d: {  	_ =	shalt  }
0x5e: {  	_ =	shalt  }
0x5f: {  	_ =	shalt  }
0x60: {  	_ =	shalt  }
0x61: {  	_ =	shalt  }
0x62: {  	_ =	shalt  }
0x63: {  	_ =	shalt  }
0x64: {  	_ =	shalt  }
0x65: {  	_ =	shalt  }
0x66: {  	_ =	shalt  }
0x67: {  	_ =	shalt  }
0x68: {  	_ =	shalt  }
0x69: {  	_ =	shalt  }
0x6a: {  	_ =	shalt  }
0x6b: {  	_ =	shalt  }
0x6c: {  	_ =	shalt  }
0x6d: {  	_ =	shalt  }
0x6e: {  	_ =	shalt  }
0x6f: {  	_ =	shalt  }
0x70: {  	_ =	shalt  }
0x71: {  	_ =	shalt  }
0x72: {  	_ =	shalt  }
0x73: {  	_ =	shalt  }
0x74: {  	_ =	shalt  }
0x75: {  	_ =	shalt  }
0x76: {  	_ =	shalt  }
0x77: {  	_ =	shalt  }
0x78: {  	_ =	shalt  }
0x79: {  	_ =	shalt  }
0x7a: {  	_ =	shalt  }
0x7b: {  	_ =	shalt  }
0x7c: {  	_ =	shalt  }
0x7d: {  	_ =	shalt  }
0x7e: {  	_ =	shalt  }
0x7f: {  	_ =	shalt  }
0x80: {  	_ =	shalt  }
0x81: {  	_ =	shalt  }
0x82: {  	_ =	shalt  }
0x83: {  	_ =	shalt  }
0x84: {  	_ =	shalt  }
0x85: {  	_ =	shalt  }
0x86: {  	_ =	shalt  }
0x87: {  	_ =	shalt  }
.Lfunc_end0:
.L_simem_size_0:
called_computation_lowered:
.L_overlay_start_0:
0x88: {  	s2 =	sld [smem:$0x3FD9]  }
0x89: {  	s3 =	sld [smem:$0x3FFE];
	_ =	sdelay $0x1  }
0x8a: {  	s1 =	srdreg.scid  }
0x8b: {  	s0 =	sand.u32 $0x1, s1  }
0x8c: {  	s17 =	sshll.u32 s0, $0xA;
	s2 =	sadd.s32 s3, s2  }
0x8d: {  	s2 =	sadd.s32 s2, s17  }
0x8e: {  	[smem:$0x3FBE] =	sst s2  }
0x8f: {  	_ = 	snop  }
0x90: {  	s2 =	sld [smem:$0x3FD0];
	(tm) =	ssettm $0x1  }
0x91: {  	s18 =	sld [smem:$0x3FFB];
	_ =	sdelay $0x3  }
0x92: {  	_ =	strace s18  }
0x93: {  	s3 =	sld [smem:$0x3FFC];
	_ =	sdelay $0x3  }
0x94: {  	_ =	strace s3  }
0x95: {  	s3 =	sld [smem:$0x3FFD];
	_ =	sdelay $0x3  }
0x96: {  	_ =	strace s3  }
0x97: {  	_ =	strace $0x8FFFFFFF  }
0x98: {  	s19 =	sld [smem:$0x3FDB];
	_ =	sdelay $0x1  }
0x99: {  	s4 =	simm.s32 $_scs_section_size  }
0x9a: {  	s5 =	simm.s32 $_size__tile_overlayer_lowered;
	s6 =	simm.s32 $_tile_overlayer_lowered  }
0x9b: {  	s22 =	simm.s32 $0x1BFF;
	s21 =	sshll.u32 s6, $0x1;
	s3 =	sadd.s32 s4, s19  }
0x9c: {  	s7 =	simm.s32 $0x0;
	s20 =	sshll.u32 s5, $0x1;
	s5 =	sadd.s32 s21, s3  }
0x9d: {  	[timem:s7], [sflag:s22] =	dma.local [hbm:s5], s20  }
0x9e: {  	_ =	swait.ge [sflag:s22], s20  }
0x9f: {  	s4 =	ssub.s32 $0x0, s20;
	[sflag:s22] =	ssyncset.done $0x0  }
0xa0: {  	[sflag:s22] =	ssyncadd.s32 s4;
	_ =	sdelay $0x1  }
0xa1: {  	s23 =	simm.s32 $0x1B8B  }
0xa2: {  	_ =	swait.ge [sflag:s23], $0x1  }
0xa3: {  	[sflag:s23] =	ssyncset.done $0x0  }
0xa4: {  	s25 =	simm.s32 $0x1B8E;
	s24 =	sld [smem:$0x3FFE];
	[sflag:s23] =	ssyncadd.s32 $0xFFFFFFFF  }
0xa5: {  	s26 =	simm.s32 $execute0_lowered;
	[smem:$0x3FD2] =	sst s25  }
0xa6: {  	s5 =	sshll.u32 s26, $0x1;
	_ =	strace $0x80000046;
	[dreg:$0x1] =	wrdreg $0xFFFFFFFF  }
0xa7: {  	s28 =	simm.s32 $_size_execute0_lowered;
	s3 =	sadd.s32 s3, s5;
	[dreg:$0x0] =	wrdreg $0x0  }
0xa8: {  	s5 =	sshll.u32 s28, $0x1;
	[dreg:$0x2] =	wrdreg s3  }
0xa9: {  	[dreg:$0x3] =	wrdreg s5  }
0xaa: {  	[dreg:$0x4] =	wrdreg $0xC0  }
0xab: {  	_ =	task [dreg:s7], $0x5FFFF  }
0xac: {  	[dreg:$0x1] =	wrdreg $0xFFFFFFFF  }
0xad: {  	[dreg:$0x0] =	wrdreg $0x60  }
0xae: {  	[dreg:$0x2] =	wrdreg s2  }
0xaf: {  	[dreg:$0x3] =	wrdreg s24  }
0xb0: {  	[dreg:$0x4] =	wrdreg $0x7E900  }
0xb1: {  	[dreg:$0x5] =	wrdreg $0x9  }
0xb2: {  	_ =	task.clear_ibuf [dreg:s7], $0x6FFFF;
	_ =	strace $0x90000046  }
0xb3: {  	s29 =	simm.s32 $0x9;
	_ =	strace $0x80000048  }
0xb4: {  	_ =	swait.ge [sflag:s29], $0x1  }
0xb5: {  	[sflag:s29] =	ssyncadd.s32 $0xFFFFFFFF  }
0xb6: {  	_ =	strace $0x90000048  }
0xb7: {  	_ =	sfence  }
0xb8: {  	s30 =	sld [smem:$0x0];
	_ =	sdelay $0x2  }
0xb9: {  	s31 =	sshll.u32 s1, $0xD;
	s1 =	sshrl.u32 s1, $0x2  }
0xba: {  	s3 =	sand.u32 $0x4000, s31;
	s1 =	sadd.s32 s1, s30  }
0xbb: {  	s0 =	sor.u32 s3, s0;
	s1 =	sshll.u32 s1, $0x11  }
0xbc: {  	s0 =	sor.u32 s1, s0  }
0xbd: {  	s0 =	sadd.s32 $0x8F2B, s0  }
0xbe: {  	[sflag:s0] =	ssyncadd.remote.s32 $0x1  }
0xbf: {  	_ =	sfence.sel $0xFFFF  }
0xc0: {  	[dreg:$0x0] =	wrdreg $0xFFFFFFFF;
	(pc) =	sbr.abs _section_cstart, $3  }
0xc1: {  	[dreg:$0x1] =	wrdreg $0xFFFFFFFF  }
0xc2: {  	_ =	task.clear_ibuf [dreg:s7], $0x2FFFF;
	_ =	strace $0x9FFFFFFF  }
0xc3: {  	(tm) =	ssettm $0x7FFFFFFF  }
tec
execute0_lowered:
.L_overlay_start_1:
0x0: {  	(tag) =	ssettag $0x1  }
0x1: {  	s0 =	rddreg [dreg:$0x0];
	s1 =	srdreg.scid  }
0x2: {  	s3 =	rddreg [dreg:$0x1];
	s7 =	stileid.u32  }
0x3: {  	s10 =	rddreg [dreg:$0x2];
	s5 =	smul.u32 $0x140, s7  }
0x4: {  	s2 =	simm.s32 $0x0;
	s30 =	simm.s32 $0x1;
	s21 =	smul.u32 $0x4E2, s7  }
0x5: {  	s31 =	simm.s32 $0x2710;
	s1 =	sand.u32 $0x1, s1;
	s7 =	smul.u32 $0xA000, s7  }
0x6: {  	[smem:$0x7FF] =	sst s2;
	s4 =	smul.u32 $0x1400, s1;
	s1 =	ssub.s32 $0x2, s1  }
0x7: {  	_ =	strace $0x80000047;
	s8 =	sshrl.u32 s1, $0x1;
	s7 =	sshrl.u32 s7, $0x2  }
0x8: {  	s4 =	sadd.s32 s5, s4;
	s5 =	sadd.s32 s21, s3;
	s1 =	ssub.s32 s1, s8  }
0x9: {  	s22 =	sadd.s32 s7, s10;
	s6 =	sshrl.u32 s4, $0x3;
	s5 =	sadd.s32 $0x5000, s5  }
0xa: {  	[dreg:$0x5] =	wrdreg s22;
	s10 =	sadd.s32 s4, s10;
	p0 =	sgt.u32 s4, $0x25D0  }
0xb: {  	s9 =	sadd.s32 s6, s3;
	s3 =	sadd.s32 s4, s3;
	[dreg:$0x4] =	wrdreg s5  }
0xc: {  	s5 =	sadd.s32 s0, s6;
	s23 =	sadd.s32 $0x2800, s10;
	s24 =	sadd.s32 $0x5000, s10  }
0xd: {  	s25 =	sadd.s32 $0x7800, s10;
	s26 =	sadd.s32 $0xA000, s10;
	s15 =	sadd.s32 $0xC800, s10  }
0xe: {  	s16 =	sadd.s32 $0xF000, s10;
	s17 =	sadd.s32 $0x11800, s10;
	s18 =	sadd.s32 $0x14000, s10  }
0xf: {  	s19 =	sadd.s32 $0x16800, s10;
	s20 =	sadd.s32 $0x19000, s10;
	s21 =	sadd.s32 $0x1B800, s10  }
0x10: {  	s22 =	sadd.s32 $0x1E000, s10;
	s28 =	sadd.s32 $0x23000, s10;
	[dreg:$0x6] =	wrdreg s23  }
0x11: {  	s29 =	sadd.s32 $0x25800, s10;
	s0 =	simm.s32 $0x7D50;
	[dreg:$0x7] =	wrdreg s24  }
0x12: {  	s6 =	sadd.s32 $0xB200, s9;
	s7 =	sadd.s32 $0xAC00, s9;
	[dreg:$0x8] =	wrdreg s25  }
0x13: {  	v0 =	vimm.s32 $0x0;
	v1 =	vlaneseq.u32;
	s8 =	sadd.s32 $0xA600, s9;
	s9 =	sadd.s32 $0xA000, s9;
	[dreg:$0x9] =	wrdreg s26  }
0x14: {  	vm0 =	vcmask $0x3320;
	vm1 =	vcmask $0x1300;
	v3 =	vand.u32 $0x7, v1;
	s23 =	sadd.s32 $0xB800, s3;
	s24 =	sadd.s32 $0xE000, s3;
	s25 =	smax.u32 s1, $0x1  }
0x15: {  	v2 =	vimm.f32 $0.0e+00;
	vm0 =	vmor vm1, vm0;
	v3 =	vmul.u32 $0x140, v3;
	s26 =	sadd.s32 $0x20800, s10;
	s1 =	simm.s32 $0x6310;
	s3 =	simm.s32 $0x0  }
.LBB2_1:
0x16: {  	s4 =	simm.s32 $0x40;
	s11 =	simm.s32 $0x0  }
.LBB2_2:
0x17: {  	p1 =	sne.s32 s4, $0x9FC0;
	[tilespmem:s11+$0x2710] =	vst v0;
	s11 =	smov.u32 s4;
	s4 =	sadd.s32 $0x40, s4  }
.Ltmp0:
0x18: {  	(pc) =	sbr.rel @p1 .LBB2_2-.Ltmp0, $2  }
0x19: {  	_ =	sdelay $0x2  }
0x1a: {  	s11 =	sshra.s32 s11, $0x2  }
0x1b: {  	[tilespmem:s11+$0x2710] =	vst v0;
	s4 =	rddreg [dreg:$0x4]  }
0x1c: {  	[tilespmem:s2], [sflag:$0x1] =	stream.linear.gather [hbm4b:s4+s2], $0x2710, $0x38;
	[tilespmem:$0xA690] =	vst v63  }
0x1d: {  	_ =	swait.ge [sflag:s30], $0x2710  }
0x1e: {  	[sflag:s30] =	ssyncset.done $0x0  }
0x1f: {  	s11 =	simm.s32 $0x20;
	s4 =	simm.s32 $0xFFFFFFFC;
	[sflag:s30] =	ssyncadd.s32 $0xFFFFD8F0  }
.LBB2_4:
0x20: {  	v4 =	vld [tilespmem:s11+$0xFFFFFFE0];
	_ =	sdelay $0x4  }
0x21: {  	(xrf1) =	vunique.msk.u32 $0xffff, v4;
	_ =	sdelay $0xd  }
0x22: {  	_, v5, vm1 =	vpop (xrf1);
	_ =	sdelay $0x5  }
0x23: {  	[tilespmem:v4+s31+$0x0] =	vst.idx.add.s32.msk vm1, v5  }
0x24: {  	v4 =	vld [tilespmem:s11+$0xFFFFFFF0];
	_ =	sdelay $0x4  }
0x25: {  	(xrf1) =	vunique.msk.u32 $0xffff, v4;
	_ =	sdelay $0xd  }
0x26: {  	_, v5, vm1 =	vpop (xrf1);
	_ =	sdelay $0x5  }
0x27: {  	[tilespmem:v4+s31+$0x0] =	vst.idx.add.s32.msk vm1, v5  }
0x28: {  	v4 =	vld [tilespmem:s11+$0x0];
	_ =	sdelay $0x4  }
0x29: {  	(xrf1) =	vunique.msk.u32 $0xffff, v4;
	_ =	sdelay $0xd  }
0x2a: {  	_, v5, vm1 =	vpop (xrf1);
	_ =	sdelay $0x5  }
0x2b: {  	[tilespmem:v4+s31+$0x0] =	vst.idx.add.s32.msk vm1, v5  }
0x2c: {  	v4 =	vld [tilespmem:s11+$0x10];
	_ =	sdelay $0x4  }
0x2d: {  	(xrf1) =	vunique.msk.u32 $0xffff, v4;
	_ =	sdelay $0xd  }
0x2e: {  	s4 =	sadd.s32 $0x4, s4;
	_, v5, vm1 =	vpop (xrf1)  }
0x2f: {  	p1 =	slt.u32 s4, $0x26C  }
.Ltmp1:
0x30: {  	_ = 	snop;
	(pc) =	sbr.rel @p1 .LBB2_4-.Ltmp1, $2  }
0x31: {  	_ =	sdelay $0x2  }
0x32: {  	s11 =	sadd.s32 $0x40, s11;
	[tilespmem:v4+s31+$0x0] =	vst.idx.add.s32.msk vm1, v5  }
0x33: {  	v4 =	vld [tilespmem:$0x2700];
	_ =	sdelay $0x4  }
0x34: {  	(xrf1) =	vunique.msk.u32 $0xffff, v4;
	_ =	sdelay $0xd  }
0x35: {  	_, v5, vm1 =	vpop (xrf1);
	_ =	sdelay $0x5  }
0x36: {  	s4 =	rddreg [dreg:$0x5];
	[tilespmem:v4+s31+$0x0] =	vst.idx.add.s32.msk vm1, v5  }
0x37: {  	[spmem:s4] =	stream.linear.scatter [tilespmem:s31], [sflag:$0x1], $0x2800, $0x38;
	[tilespmem:$0xA690] =	vst v63  }
0x38: {  	_ =	swait.ge [sflag:s30], $0x2800  }
0x39: {  	[sflag:s30] =	ssyncset.done $0x0  }
0x3a: {  	s11 =	simm.s32 $0x0;
	s4 =	simm.s32 $0x40;
	[sflag:s30] =	ssyncadd.s32 $0xFFFFD800  }
.LBB2_6:
0x3b: {  	p1 =	sne.s32 s4, $0x18C0;
	[tilespmem:s11+$0x6310] =	vst v2;
	s11 =	smov.u32 s4;
	s4 =	sadd.s32 $0x40, s4  }
.Ltmp2:
0x3c: {  	(pc) =	sbr.rel @p1 .LBB2_6-.Ltmp2, $2  }
0x3d: {  	_ =	sdelay $0x2  }
0x3e: {  	s11 =	sshra.s32 s11, $0x2  }
0x3f: {  	[tilespmem:s11+$0x6310] =	vst v2;
	s4 =	simm.s32 @p0 $0x0;
	s11 =	simm.s32 @p0 $0x6310  }
0x40: {  	[tilespmem:s11], [sflag:$0x1] =	stream.linear.gather @p0 [hbm4b:s5+s4], $0x50, $0x38;
	[tilespmem:$0xA690] =	vst v63  }
0x41: {  	s11 =	simm.s32 @p0 $0x1  }
0x42: {  	_ =	swait.ge @p0 [sflag:s11], $0x50  }
0x43: {  	[sflag:s11] =	ssyncset.done @p0 $0x0  }
0x44: {  	s12 =	simm.s32 @p0 $0x6450;
	[sflag:s11] =	ssyncadd.s32 @p0 $0xFFFFFFB0  }
0x45: {  	[tilespmem:s12], [sflag:$0x1] =	stream.linear.gather @p0 [hbm4b:s6+s4], $0x50, $0x38;
	[tilespmem:$0xA690] =	vst v63  }
0x46: {  	_ =	swait.ge @p0 [sflag:s11], $0x50  }
0x47: {  	[sflag:s11] =	ssyncset.done @p0 $0x0  }
0x48: {  	s12 =	simm.s32 @p0 $0x6590;
	[sflag:s11] =	ssyncadd.s32 @p0 $0xFFFFFFB0  }
0x49: {  	[tilespmem:s12], [sflag:$0x1] =	stream.linear.gather @p0 [hbm4b:s7+s4], $0x50, $0x38;
	[tilespmem:$0xA690] =	vst v63  }
0x4a: {  	_ =	swait.ge @p0 [sflag:s11], $0x50  }
0x4b: {  	[sflag:s11] =	ssyncset.done @p0 $0x0  }
0x4c: {  	s12 =	simm.s32 @p0 $0x66D0;
	[sflag:s11] =	ssyncadd.s32 @p0 $0xFFFFFFB0  }
0x4d: {  	[tilespmem:s12], [sflag:$0x1] =	stream.linear.gather @p0 [hbm4b:s8+s4], $0x50, $0x38;
	[tilespmem:$0xA690] =	vst v63  }
0x4e: {  	_ =	swait.ge @p0 [sflag:s11], $0x50  }
0x4f: {  	[sflag:s11] =	ssyncset.done @p0 $0x0  }
0x50: {  	s12 =	simm.s32 @p0 $0x6810;
	[sflag:s11] =	ssyncadd.s32 @p0 $0xFFFFFFB0  }
0x51: {  	[tilespmem:s12], [sflag:$0x1] =	stream.linear.gather @p0 [hbm4b:s9+s4], $0x50, $0x38;
	[tilespmem:$0xA690] =	vst v63  }
0x52: {  	_ =	swait.ge @p0 [sflag:s11], $0x50  }
0x53: {  	[sflag:s11] =	ssyncset.done @p0 $0x0  }
0x54: {  	s4 =	simm.s32 @!p0 $0x0;
	[sflag:s11] =	ssyncadd.s32 @p0 $0xFFFFFFB0;
	s11 =	simm.s32 @!p0 $0x6310  }
0x55: {  	[tilespmem:s11], [sflag:$0x1] =	stream.linear.gather @!p0 [hbm4b:s5+s4], $0x140, $0x38;
	[tilespmem:$0xA690] =	vst v63  }
0x56: {  	s11 =	simm.s32 @!p0 $0x1  }
0x57: {  	_ =	swait.ge @!p0 [sflag:s11], $0x140  }
0x58: {  	[sflag:s11] =	ssyncset.done @!p0 $0x0  }
0x59: {  	s12 =	simm.s32 @!p0 $0x6450;
	[sflag:s11] =	ssyncadd.s32 @!p0 $0xFFFFFEC0  }
0x5a: {  	[tilespmem:s12], [sflag:$0x1] =	stream.linear.gather @!p0 [hbm4b:s6+s4], $0x140, $0x38;
	[tilespmem:$0xA690] =	vst v63  }
0x5b: {  	_ =	swait.ge @!p0 [sflag:s11], $0x140  }
0x5c: {  	[sflag:s11] =	ssyncset.done @!p0 $0x0  }
0x5d: {  	s12 =	simm.s32 @!p0 $0x6590;
	[sflag:s11] =	ssyncadd.s32 @!p0 $0xFFFFFEC0  }
0x5e: {  	[tilespmem:s12], [sflag:$0x1] =	stream.linear.gather @!p0 [hbm4b:s7+s4], $0x140, $0x38;
	[tilespmem:$0xA690] =	vst v63  }
0x5f: {  	_ =	swait.ge @!p0 [sflag:s11], $0x140  }
0x60: {  	[sflag:s11] =	ssyncset.done @!p0 $0x0  }
0x61: {  	s12 =	simm.s32 @!p0 $0x66D0;
	[sflag:s11] =	ssyncadd.s32 @!p0 $0xFFFFFEC0  }
0x62: {  	[tilespmem:s12], [sflag:$0x1] =	stream.linear.gather @!p0 [hbm4b:s8+s4], $0x140, $0x38;
	[tilespmem:$0xA690] =	vst v63  }
0x63: {  	_ =	swait.ge @!p0 [sflag:s11], $0x140  }
0x64: {  	[sflag:s11] =	ssyncset.done @!p0 $0x0  }
0x65: {  	s12 =	simm.s32 @!p0 $0x6810;
	[sflag:s11] =	ssyncadd.s32 @!p0 $0xFFFFFEC0  }
0x66: {  	[tilespmem:s12], [sflag:$0x1] =	stream.linear.gather @!p0 [hbm4b:s9+s4], $0x140, $0x38;
	[tilespmem:$0xA690] =	vst v63  }
0x67: {  	_ =	swait.ge @!p0 [sflag:s11], $0x140  }
0x68: {  	[sflag:s11] =	ssyncset.done @!p0 $0x0  }
0x69: {  	[sflag:s11] =	ssyncadd.s32 @!p0 $0xFFFFFEC0  }
0x6a: {  	s14 =	simm.s32 $0x4F10;
	[bflag:$0x0] =	sbarrier.arrive $0xFFFF  }
0x6b: {  	[tilespmem:s14], [sflag:$0x1] =	stream.linear.gather [spmem:s10], $0x140, $0x38;
	[tilespmem:$0xA690] =	vst v63  }
0x6c: {  	_ =	swait.ge [sflag:s30], $0x140  }
0x6d: {  	[sflag:s30] =	ssyncset.done $0x0  }
0x6e: {  	s12 =	simm.s32 $0x5050;
	s11 =	rddreg [dreg:$0x6];
	[sflag:s30] =	ssyncadd.s32 $0xFFFFFEC0  }
0x6f: {  	[tilespmem:s12], [sflag:$0x1] =	stream.linear.gather [spmem:s11], $0x140, $0x38;
	[tilespmem:$0xA690] =	vst v63  }
0x70: {  	_ =	swait.ge [sflag:s30], $0x140  }
0x71: {  	[sflag:s30] =	ssyncset.done $0x0  }
0x72: {  	s14 =	simm.s32 $0x5190;
	s13 =	rddreg [dreg:$0x7];
	[sflag:s30] =	ssyncadd.s32 $0xFFFFFEC0  }
0x73: {  	[tilespmem:s14], [sflag:$0x1] =	stream.linear.gather [spmem:s13], $0x140, $0x38;
	[tilespmem:$0xA690] =	vst v63  }
0x74: {  	_ =	swait.ge [sflag:s30], $0x140  }
0x75: {  	[sflag:s30] =	ssyncset.done $0x0  }
0x76: {  	s12 =	simm.s32 $0x52D0;
	s11 =	rddreg [dreg:$0x8];
	[sflag:s30] =	ssyncadd.s32 $0xFFFFFEC0  }
0x77: {  	[tilespmem:s12], [sflag:$0x1] =	stream.linear.gather [spmem:s11], $0x140, $0x38;
	[tilespmem:$0xA690] =	vst v63  }
0x78: {  	_ =	swait.ge [sflag:s30], $0x140  }
0x79: {  	[sflag:s30] =	ssyncset.done $0x0  }
0x7a: {  	s14 =	simm.s32 $0x5410;
	s13 =	rddreg [dreg:$0x9];
	[sflag:s30] =	ssyncadd.s32 $0xFFFFFEC0  }
0x7b: {  	[tilespmem:s14], [sflag:$0x1] =	stream.linear.gather [spmem:s13], $0x140, $0x38;
	[tilespmem:$0xA690] =	vst v63  }
0x7c: {  	_ =	swait.ge [sflag:s30], $0x140  }
0x7d: {  	[sflag:s30] =	ssyncset.done $0x0  }
0x7e: {  	s12 =	simm.s32 $0x5550;
	[sflag:s30] =	ssyncadd.s32 $0xFFFFFEC0  }
0x7f: {  	[tilespmem:s12], [sflag:$0x1] =	stream.linear.gather [spmem:s15], $0x140, $0x38;
	[tilespmem:$0xA690] =	vst v63  }
0x80: {  	_ =	swait.ge [sflag:s30], $0x140  }
0x81: {  	[sflag:s30] =	ssyncset.done $0x0  }
0x82: {  	s13 =	simm.s32 $0x5690;
	[sflag:s30] =	ssyncadd.s32 $0xFFFFFEC0  }
0x83: {  	[tilespmem:s13], [sflag:$0x1] =	stream.linear.gather [spmem:s16], $0x140, $0x38;
	[tilespmem:$0xA690] =	vst v63  }
0x84: {  	_ =	swait.ge [sflag:s30], $0x140  }
0x85: {  	[sflag:s30] =	ssyncset.done $0x0  }
0x86: {  	s14 =	simm.s32 $0x57D0;
	[sflag:s30] =	ssyncadd.s32 $0xFFFFFEC0  }
0x87: {  	[tilespmem:s14], [sflag:$0x1] =	stream.linear.gather [spmem:s17], $0x140, $0x38;
	[tilespmem:$0xA690] =	vst v63  }
0x88: {  	_ =	swait.ge [sflag:s30], $0x140  }
0x89: {  	[sflag:s30] =	ssyncset.done $0x0  }
0x8a: {  	s11 =	simm.s32 $0x5910;
	[sflag:s30] =	ssyncadd.s32 $0xFFFFFEC0  }
0x8b: {  	[tilespmem:s11], [sflag:$0x1] =	stream.linear.gather [spmem:s18], $0x140, $0x38;
	[tilespmem:$0xA690] =	vst v63  }
0x8c: {  	_ =	swait.ge [sflag:s30], $0x140  }
0x8d: {  	[sflag:s30] =	ssyncset.done $0x0  }
0x8e: {  	s12 =	simm.s32 $0x5A50;
	[sflag:s30] =	ssyncadd.s32 $0xFFFFFEC0  }
0x8f: {  	[tilespmem:s12], [sflag:$0x1] =	stream.linear.gather [spmem:s19], $0x140, $0x38;
	[tilespmem:$0xA690] =	vst v63  }
0x90: {  	_ =	swait.ge [sflag:s30], $0x140  }
0x91: {  	[sflag:s30] =	ssyncset.done $0x0  }
0x92: {  	s13 =	simm.s32 $0x5B90;
	[sflag:s30] =	ssyncadd.s32 $0xFFFFFEC0  }
0x93: {  	[tilespmem:s13], [sflag:$0x1] =	stream.linear.gather [spmem:s20], $0x140, $0x38;
	[tilespmem:$0xA690] =	vst v63  }
0x94: {  	_ =	swait.ge [sflag:s30], $0x140  }
0x95: {  	[sflag:s30] =	ssyncset.done $0x0  }
0x96: {  	s14 =	simm.s32 $0x5CD0;
	[sflag:s30] =	ssyncadd.s32 $0xFFFFFEC0  }
0x97: {  	[tilespmem:s14], [sflag:$0x1] =	stream.linear.gather [spmem:s21], $0x140, $0x38;
	[tilespmem:$0xA690] =	vst v63  }
0x98: {  	_ =	swait.ge [sflag:s30], $0x140  }
0x99: {  	[sflag:s30] =	ssyncset.done $0x0  }
0x9a: {  	s11 =	simm.s32 $0x5E10;
	[sflag:s30] =	ssyncadd.s32 $0xFFFFFEC0  }
0x9b: {  	[tilespmem:s11], [sflag:$0x1] =	stream.linear.gather [spmem:s22], $0x140, $0x38;
	[tilespmem:$0xA690] =	vst v63  }
0x9c: {  	_ =	swait.ge [sflag:s30], $0x140  }
0x9d: {  	[sflag:s30] =	ssyncset.done $0x0  }
0x9e: {  	s12 =	simm.s32 $0x5F50;
	[sflag:s30] =	ssyncadd.s32 $0xFFFFFEC0  }
0x9f: {  	[tilespmem:s12], [sflag:$0x1] =	stream.linear.gather [spmem:s26], $0x140, $0x38;
	[tilespmem:$0xA690] =	vst v63  }
0xa0: {  	_ =	swait.ge [sflag:s30], $0x140  }
0xa1: {  	[sflag:s30] =	ssyncset.done $0x0  }
0xa2: {  	s13 =	simm.s32 $0x6090;
	[sflag:s30] =	ssyncadd.s32 $0xFFFFFEC0  }
0xa3: {  	[tilespmem:s13], [sflag:$0x1] =	stream.linear.gather [spmem:s28], $0x140, $0x38;
	[tilespmem:$0xA690] =	vst v63  }
0xa4: {  	_ =	swait.ge [sflag:s30], $0x140  }
0xa5: {  	[sflag:s30] =	ssyncset.done $0x0  }
0xa6: {  	s14 =	simm.s32 $0x61D0;
	[sflag:s30] =	ssyncadd.s32 $0xFFFFFEC0  }
0xa7: {  	[tilespmem:s14], [sflag:$0x1] =	stream.linear.gather [spmem:s29], $0x140, $0x38;
	[tilespmem:$0xA690] =	vst v63  }
0xa8: {  	_ =	swait.ge [sflag:s30], $0x140  }
0xa9: {  	[sflag:s30] =	ssyncset.done $0x0  }
0xaa: {  	s12 =	simm.s32 $0x0;
	[sflag:s30] =	ssyncadd.s32 $0xFFFFFEC0  }
0xab: {  	v4 =	vld [tilespmem:s12+$0x4F10]  }
0xac: {  	v5 =	vld [tilespmem:s12+$0x5050]  }
0xad: {  	v6 =	vld [tilespmem:s12+$0x5190]  }
0xae: {  	v7 =	vld [tilespmem:s12+$0x52D0]  }
0xaf: {  	v8 =	vld [tilespmem:s12+$0x5410]  }
0xb0: {  	v9 =	vld [tilespmem:s12+$0x61D0]  }
0xb1: {  	v10 =	vld [tilespmem:s12+$0x5550]  }
0xb2: {  	v11 =	vld [tilespmem:s12+$0x5690];
	v4 =	vadd.s32 v4, v5  }
0xb3: {  	v5 =	vld [tilespmem:s12+$0x57D0];
	v4 =	vadd.s32 v6, v4  }
0xb4: {  	v6 =	vld [tilespmem:s12+$0x5910];
	v4 =	vadd.s32 v7, v4  }
0xb5: {  	v7 =	vld [tilespmem:s12+$0x5A50];
	v4 =	vadd.s32 v8, v4  }
0xb6: {  	v8 =	vld [tilespmem:s12+$0x5B90];
	v4 =	vadd.s32 v10, v4  }
0xb7: {  	v10 =	vld [tilespmem:s12+$0x5CD0];
	v4 =	vadd.s32 v11, v4  }
0xb8: {  	v11 =	vld [tilespmem:s12+$0x5E10];
	v4 =	vadd.s32 v5, v4  }
0xb9: {  	v5 =	vld [tilespmem:s12+$0x5F50];
	v4 =	vadd.s32 v6, v4  }
0xba: {  	s11 =	simm.s32 $0x20;
	v6 =	vld [tilespmem:s12+$0x6090];
	v4 =	vadd.s32 v7, v4  }
0xbb: {  	s4 =	simm.s32 $0x10;
	v14 =	vld [tilespmem:s11+$0x4F10];
	v4 =	vadd.s32 v8, v4  }
0xbc: {  	v7 =	vld [tilespmem:s4+$0x4F10];
	v4 =	vadd.s32 v10, v4  }
0xbd: {  	v8 =	vld [tilespmem:s4+$0x5050];
	v4 =	vadd.s32 v11, v4  }
0xbe: {  	v10 =	vld [tilespmem:s4+$0x5190];
	v4 =	vadd.s32 v5, v4  }
0xbf: {  	v11 =	vld [tilespmem:s4+$0x52D0];
	v4 =	vadd.s32 v6, v4  }
0xc0: {  	v5 =	vld [tilespmem:s4+$0x5410];
	v4 =	vadd.s32 v9, v4  }
0xc1: {  	v9 =	vld [tilespmem:s4+$0x5550];
	v4 =	vcvt.s32.f32 v4  }
0xc2: {  	v7 =	vadd.s32 v7, v8;
	v8 =	vld [tilespmem:s4+$0x5690]  }
0xc3: {  	v7 =	vadd.s32 v10, v7;
	v10 =	vld [tilespmem:s4+$0x57D0];
	v4 =	vadd.f32 $1.000000000e+00, v4  }
0xc4: {  	v7 =	vadd.s32 v11, v7;
	v11 =	vld [tilespmem:s4+$0x5910]  }
0xc5: {  	v5 =	vadd.s32 v5, v7;
	v7 =	vld [tilespmem:s4+$0x5A50];
	v12 =	vshra.s32 v4, $0x1;
	v13 =	vmul.f32 $5.000000000e-01, v4  }
0xc6: {  	v4 =	vadd.s32 v9, v5;
	v5 =	vld [tilespmem:s4+$0x5B90];
	v9 =	vsub.s32 $0x5F3759DF, v12  }
0xc7: {  	v4 =	vadd.s32 v8, v4;
	v8 =	vld [tilespmem:s4+$0x5CD0];
	v12 =	vmul.f32 v9, v13  }
0xc8: {  	v4 =	vadd.s32 v10, v4;
	v10 =	vld [tilespmem:s4+$0x5E10]  }
0xc9: {  	v4 =	vadd.s32 v11, v4;
	v11 =	vld [tilespmem:s4+$0x5F50];
	v12 =	vmul.f32 v9, v12  }
0xca: {  	v4 =	vadd.s32 v7, v4;
	v7 =	vld [tilespmem:s4+$0x6090]  }
0xcb: {  	v6 =	vld [tilespmem:s4+$0x61D0];
	v4 =	vadd.s32 v5, v4;
	v5 =	vsub.f32 $1.500000000e+00, v12  }
0xcc: {  	v12 =	vld [tilespmem:s11+$0x5050];
	v4 =	vadd.s32 v8, v4  }
0xcd: {  	v8 =	vld [tilespmem:s11+$0x5190];
	v4 =	vadd.s32 v10, v4;
	v9 =	vmul.f32 v9, v5  }
0xce: {  	v10 =	vld [tilespmem:s11+$0x52D0];
	v4 =	vadd.s32 v11, v4  }
0xcf: {  	v11 =	vld [tilespmem:s11+$0x5410];
	v4 =	vadd.s32 v7, v4;
	v7 =	vmul.f32 v9, v13  }
0xd0: {  	v15 =	vld [tilespmem:s11+$0x5910];
	v4 =	vadd.s32 v6, v4  }
0xd1: {  	v6 =	vld [tilespmem:s11+$0x5550];
	v4 =	vcvt.s32.f32 v4;
	v12 =	vadd.s32 v14, v12;
	v7 =	vmul.f32 v7, v9  }
0xd2: {  	v14 =	vld [tilespmem:s11+$0x5690];
	v8 =	vadd.s32 v8, v12  }
0xd3: {  	v12 =	vld [tilespmem:s11+$0x57D0];
	v4 =	vadd.f32 $1.000000000e+00, v4;
	v8 =	vadd.s32 v10, v8;
	v7 =	vsub.f32 $1.500000000e+00, v7  }
0xd4: {  	v17 =	vld [tilespmem:s11+$0x5B90];
	v8 =	vadd.s32 v11, v8  }
0xd5: {  	v11 =	vld [tilespmem:s11+$0x5A50];
	v16 =	vshra.s32 v4, $0x1;
	v4 =	vmul.f32 $5.000000000e-01, v4;
	v10 =	vmul.f32 v7, v9  }
0xd6: {  	v5 =	vld [tilespmem:s11+$0x61D0];
	v7 =	vadd.s32 v6, v8;
	v6 =	vsub.s32 $0x5F3759DF, v16  }
0xd7: {  	v7 =	vadd.s32 v14, v7;
	v14 =	vld [tilespmem:s11+$0x5CD0];
	v16 =	vmul.f32 v6, v4;
	v13 =	vmul.f32 v10, v13  }
0xd8: {  	v9 =	vld [tilespmem:s11+$0x5E10];
	v7 =	vadd.s32 v12, v7  }
0xd9: {  	v8 =	vld [tilespmem:s11+$0x5F50];
	v7 =	vadd.s32 v15, v7;
	v15 =	vmul.f32 v6, v16;
	v13 =	vmul.f32 v13, v10  }
0xda: {  	s13 =	simm.s32 $0x30;
	v7 =	vadd.s32 v11, v7;
	v11 =	vld [tilespmem:s11+$0x6090]  }
0xdb: {  	v12 =	vld [tilespmem:s13+$0x4F10];
	v16 =	vadd.s32 v17, v7;
	v7 =	vsub.f32 $1.500000000e+00, v15;
	v15 =	vsub.f32 $1.500000000e+00, v13  }
0xdc: {  	s14 =	simm.s32 $0x100;
	v13 =	vld [tilespmem:s13+$0x5050];
	v14 =	vadd.s32 v14, v16  }
.LBB2_8:
0xdd: {  	p1 =	sne.s32 s14, $0x4C0;
	v16 =	vld [tilespmem:s13+$0x5190];
	v9 =	vadd.s32 v9, v14;
	v6 =	vmul.f32 v6, v7;
	v7 =	vmul.f32 v15, v10  }
0xde: {  	v10 =	vld [tilespmem:s13+$0x52D0];
	v8 =	vadd.s32 v8, v9  }
0xdf: {  	v9 =	vld [tilespmem:s13+$0x5410];
	v8 =	vadd.s32 v11, v8;
	v11 =	vmul.f32 v6, v4;
	[tilespmem:s12+$0x7D50] =	vst v7;
	s12 =	smov.u32 s4;
	s4 =	smov.u32 s11;
	s11 =	smov.u32 s13  }
0xe0: {  	v7 =	vadd.s32 v5, v8;
	v5 =	vld [tilespmem:s11+$0x61D0]  }
0xe1: {  	v8 =	vadd.s32 v12, v13;
	v12 =	vld [tilespmem:s11+$0x5550];
	v7 =	vcvt.s32.f32 v7;
	v11 =	vmul.f32 v11, v6  }
0xe2: {  	v8 =	vadd.s32 v16, v8;
	v13 =	vld [tilespmem:s11+$0x5690]  }
0xe3: {  	v8 =	vadd.s32 v10, v8;
	v14 =	vld [tilespmem:s11+$0x57D0];
	v7 =	vadd.f32 $1.000000000e+00, v7;
	v10 =	vsub.f32 $1.500000000e+00, v11  }
0xe4: {  	v8 =	vadd.s32 v9, v8;
	v11 =	vld [tilespmem:s11+$0x5910]  }
0xe5: {  	v15 =	vld [tilespmem:s11+$0x5A50];
	v9 =	vshra.s32 v7, $0x1;
	v7 =	vmul.f32 $5.000000000e-01, v7;
	v10 =	vmul.f32 v10, v6  }
0xe6: {  	v8 =	vadd.s32 v12, v8;
	v16 =	vld [tilespmem:s11+$0x5B90];
	v6 =	vsub.s32 $0x5F3759DF, v9  }
0xe7: {  	v8 =	vadd.s32 v13, v8;
	v17 =	vld [tilespmem:s11+$0x5CD0];
	v12 =	vmul.f32 v6, v7;
	v13 =	vmul.f32 v10, v4;
	v4 =	vmovc v7  }
.Ltmp3:
0xe8: {  	v7 =	vadd.s32 v14, v8;
	v9 =	vld [tilespmem:s11+$0x5E10];
	(pc) =	sbr.rel @p1 .LBB2_8-.Ltmp3, $4  }
0xe9: {  	v7 =	vadd.s32 v11, v7;
	v8 =	vld [tilespmem:s11+$0x5F50];
	v14 =	vmul.f32 v6, v12;
	v13 =	vmul.f32 v13, v10  }
0xea: {  	s13 =	sshra.s32 s14, $0x2;
	v7 =	vadd.s32 v15, v7;
	v11 =	vld [tilespmem:s11+$0x6090]  }
0xeb: {  	v12 =	vld [tilespmem:s13+$0x4F10];
	v16 =	vadd.s32 v16, v7;
	v7 =	vsub.f32 $1.500000000e+00, v14;
	v15 =	vsub.f32 $1.500000000e+00, v13  }
0xec: {  	s14 =	sadd.s32 $0x40, s14;
	v13 =	vld [tilespmem:s13+$0x5050];
	v14 =	vadd.s32 v17, v16  }
0xed: {  	v16 =	vld [tilespmem:s13+$0x5190];
	v10 =	vmul.f32 v15, v10  }
0xee: {  	v40 =	vld [tilespmem:s13+$0x52D0]  }
0xef: {  	v17 =	vld [tilespmem:s13+$0x5410];
	[tilespmem:s12+$0x7D50] =	vst v10  }
0xf0: {  	v10 =	vld [tilespmem:s13+$0x5550]  }
0xf1: {  	v41 =	vld [tilespmem:s13+$0x5690];
	v12 =	vadd.s32 v12, v13  }
0xf2: {  	v42 =	vld [tilespmem:s13+$0x57D0];
	v12 =	vadd.s32 v16, v12  }
0xf3: {  	v43 =	vld [tilespmem:s13+$0x5910];
	v12 =	vadd.s32 v40, v12  }
0xf4: {  	v44 =	vld [tilespmem:s13+$0x5A50];
	v12 =	vadd.s32 v17, v12  }
0xf5: {  	v45 =	vld [tilespmem:s13+$0x5B90];
	v10 =	vadd.s32 v10, v12  }
0xf6: {  	v46 =	vld [tilespmem:s13+$0x5CD0];
	v10 =	vadd.s32 v41, v10  }
0xf7: {  	v47 =	vld [tilespmem:s13+$0x5E10];
	v10 =	vadd.s32 v42, v10  }
0xf8: {  	v48 =	vld [tilespmem:s13+$0x5F50];
	v10 =	vadd.s32 v43, v10  }
0xf9: {  	v49 =	vld [tilespmem:s13+$0x6090];
	v10 =	vadd.s32 v44, v10  }
0xfa: {  	v50 =	vld [tilespmem:s13+$0x61D0];
	v10 =	vadd.s32 v45, v10  }
0xfb: {  	v9 =	vadd.s32 v9, v14;
	v10 =	vadd.s32 v46, v10  }
0xfc: {  	v8 =	vadd.s32 v8, v9;
	v51 =	vadd.s32 v47, v10  }
0xfd: {  	v8 =	vadd.s32 v11, v8;
	v9 =	vadd.s32 v48, v51  }
0xfe: {  	v5 =	vadd.s32 v5, v8;
	v52 =	vadd.s32 v49, v9  }
0xff: {  	v5 =	vcvt.s32.f32 v5;
	v8 =	vadd.s32 v50, v52  }
0x100: {  	v8 =	vcvt.s32.f32 v8  }
0x101: {  	v5 =	vadd.f32 $1.000000000e+00, v5  }
0x102: {  	v8 =	vadd.f32 $1.000000000e+00, v8  }
0x103: {  	v53 =	vshra.s32 v5, $0x1;
	v5 =	vmul.f32 $5.000000000e-01, v5  }
0x104: {  	v9 =	vsub.s32 $0x5F3759DF, v53;
	v54 =	vshra.s32 v8, $0x1;
	v8 =	vmul.f32 $5.000000000e-01, v8  }
0x105: {  	v55 =	vmul.f32 v9, v5;
	v10 =	vsub.s32 $0x5F3759DF, v54  }
0x106: {  	v56 =	vmul.f32 v10, v8  }
0x107: {  	v11 =	vmul.f32 v9, v55  }
0x108: {  	v12 =	vmul.f32 v10, v56  }
0x109: {  	v11 =	vsub.f32 $1.500000000e+00, v11  }
0x10a: {  	v6 =	vmul.f32 v6, v7;
	v7 =	vsub.f32 $1.500000000e+00, v12  }
0x10b: {  	v9 =	vmul.f32 v9, v11  }
0x10c: {  	v57 =	vmul.f32 v6, v4;
	v7 =	vmul.f32 v10, v7  }
0x10d: {  	v58 =	vmul.f32 v9, v5  }
0x10e: {  	v11 =	vmul.f32 v57, v6;
	v59 =	vmul.f32 v7, v8  }
0x10f: {  	v10 =	vmul.f32 v58, v9  }
0x110: {  	v11 =	vsub.f32 $1.500000000e+00, v11;
	v12 =	vmul.f32 v59, v7  }
0x111: {  	v10 =	vsub.f32 $1.500000000e+00, v10  }
0x112: {  	v6 =	vmul.f32 v11, v6;
	v60 =	vsub.f32 $1.500000000e+00, v12  }
0x113: {  	v9 =	vmul.f32 v10, v9  }
0x114: {  	v4 =	vmul.f32 v6, v4;
	v7 =	vmul.f32 v60, v7  }
0x115: {  	v5 =	vmul.f32 v9, v5  }
0x116: {  	s14 =	simm.s32 $0x0;
	v4 =	vmul.f32 v4, v6;
	v8 =	vmul.f32 v7, v8  }
0x117: {  	v61 =	vor.u32 s14, v1;
	v5 =	vmul.f32 v5, v9  }
0x118: {  	v4 =	vsub.f32 $1.500000000e+00, v4;
	v10 =	vshrl.u32 v61, $0x3;
	v8 =	vmul.f32 v8, v7  }
0x119: {  	v62 =	vadd.s32 v3, v10;
	v5 =	vsub.f32 $1.500000000e+00, v5  }
0x11a: {  	v4 =	vmul.f32 v4, v6;
	v63 =	vmin.u32 v62, $0x63F;
	v6 =	vsub.f32 $1.500000000e+00, v8  }
0x11b: {  	v5 =	vmul.f32 v5, v9  }
0x11c: {  	[tilespmem:s4+$0x7D50] =	vst v4;
	v4 =	vmul.f32 v6, v7  }
0x11d: {  	[tilespmem:s11+$0x7D50] =	vst v5  }
0x11e: {  	[tilespmem:s13+$0x7D50] =	vst v4  }
0x11f: {  	s14 =	simm.s32 $0x10;
	v5 =	vld.idx.msk [tilespmem:v63+s1+$0x0], $0xffff  }
0x120: {  	v4 =	vor.u32 s14, v1;
	v6 =	vld.idx.msk [tilespmem:v10+s0+$0x0], $0xffff  }
0x121: {  	v4 =	vshrl.u32 v4, $0x3  }
0x122: {  	v7 =	vadd.s32 v3, v4  }
0x123: {  	v7 =	vmin.u32 v7, $0x63F  }
0x124: {  	v5 =	vnsel vm0, $0x0, v5  }
0x125: {  	s4 =	simm.s32 $0x7360;
	v5 =	vmul.f32 v5, v6  }
0x126: {  	s11 =	simm.s32 $0x6960;
	[tilespmem:s4+$0xFFFFFFF0] =	vst v6  }
0x127: {  	[tilespmem:s11+$0xFFFFFFF0] =	vst v5  }
0x128: {  	s12 =	simm.s32 $0x0;
	s13 =	simm.s32 $0x30;
	v5 =	vld.idx.msk [tilespmem:v7+s1+$0x0], $0xffff  }
.LBB2_10:
0x129: {  	s14 =	sadd.s32 $0xFFFFFFF0, s13;
	s12 =	sadd.s32 $0x2, s12;
	v4 =	vld.idx.msk [tilespmem:v4+s0+$0x0], $0xffff  }
0x12a: {  	v6 =	vor.u32 s14, v1;
	p1 =	slt.u32 s12, $0x9E  }
0x12b: {  	v6 =	vshrl.u32 v6, $0x3  }
0x12c: {  	v7 =	vadd.s32 v3, v6  }
0x12d: {  	v7 =	vmin.u32 v7, $0x63F  }
0x12e: {  	v5 =	vnsel vm0, $0x0, v5  }
0x12f: {  	[tilespmem:s4+$0x0] =	vst v4;
	v4 =	vmul.f32 v5, v4;
	_ =	sdelay $0x1  }
0x130: {  	[tilespmem:s11+$0x0] =	vst v4  }
0x131: {  	v5 =	vld.idx.msk [tilespmem:v7+s1+$0x0], $0xffff  }
0x132: {  	v6 =	vld.idx.msk [tilespmem:v6+s0+$0x0], $0xffff  }
0x133: {  	v4 =	vor.u32 s13, v1  }
0x134: {  	v4 =	vshrl.u32 v4, $0x3  }
0x135: {  	v7 =	vadd.s32 v3, v4  }
0x136: {  	v7 =	vmin.u32 v7, $0x63F  }
.Ltmp4:
0x137: {  	v5 =	vnsel vm0, $0x0, v5;
	(pc) =	sbr.rel @p1 .LBB2_10-.Ltmp4, $4  }
0x138: {  	s4 =	sadd.s32 $0x20, s4;
	v5 =	vmul.f32 v5, v6  }
0x139: {  	s11 =	sadd.s32 $0x20, s11;
	[tilespmem:s4+$0xFFFFFFF0] =	vst v6  }
0x13a: {  	[tilespmem:s11+$0xFFFFFFF0] =	vst v5  }
0x13b: {  	s13 =	sadd.s32 $0x20, s13;
	v5 =	vld.idx.msk [tilespmem:v7+s1+$0x0], $0xffff  }
0x13c: {  	_ =	sdelay $0x3  }
0x13d: {  	v4 =	vld.idx.msk [tilespmem:v4+s0+$0x0], $0xffff;
	_ =	sdelay $0x3  }
0x13e: {  	v5 =	vnsel vm0, $0x0, v5  }
0x13f: {  	v5 =	vmul.f32 v5, v4  }
0x140: {  	[tilespmem:s4+$0x0] =	vst v4  }
0x141: {  	s13 =	simm.s32 $0x7350;
	[tilespmem:s11+$0x0] =	vst v5  }
0x142: {  	[hbm4b:s23+s2] =	stream.linear.scatter [tilespmem:s13], [sflag:$0x1], $0xA00, $0x38;
	[tilespmem:$0xA690] =	vst v63  }
0x143: {  	s3 =	sadd.s32 $0x1, s3;
	_ =	swait.ge [sflag:s30], $0xA00  }
0x144: {  	p1 =	sne.s32 s3, s25;
	[sflag:s30] =	ssyncset.done $0x0  }
.Ltmp5:
0x145: {  	s14 =	simm.s32 $0x6950;
	[sflag:s30] =	ssyncadd.s32 $0xFFFFF600;
	(pc) =	sbr.rel @p1 .LBB2_1-.Ltmp5, $4  }
0x146: {  	[hbm4b:s24+s2] =	stream.linear.scatter [tilespmem:s14], [sflag:$0x1], $0xA00, $0x38;
	[tilespmem:$0xA690] =	vst v63  }
0x147: {  	_ =	swait.ge [sflag:s30], $0xA00  }
0x148: {  	[sflag:s30] =	ssyncset.done $0x0  }
0x149: {  	[sflag:s30] =	ssyncadd.s32 $0xFFFFF600  }
0x14a: {  	_ =	sfence.sel $0x180000  }
0x14b: {  	[bflag:$0x0] =	sbarrier.arrive $0xFFFF  }
0x14c: {  	_ =	strace $0x90000047  }
0x14d: {  	s0 =	stileid.u32;
	[bflag:$0x2] =	sbarrier.arrive $0xFFFF  }
0x14e: {  	p0 =	sne.s32 s0, $0x0;
	s0 =	rddreg [dreg:$0x3]  }
0x14f: {  	s0 =	sadd.s32 @!p0 $0x100000, s0  }
0x150: {  	[sflag:s0] =	ssyncadd.tile.s32 @!p0 $0x1;
	_ =	shalt  }
.Lfunc_end2:
_tile_overlayer_lowered:
.L_overlay_start_2:
0x151: {  	(tag) =	ssettag $0x2  }
0x152: {  	s0 =	rddreg [dreg:$0x0];
	s2 =	stileid.u32  }
0x153: {  	s1 =	rddreg [dreg:$0x1];
	p0 =	sne.s32 s2, $0x0  }
0x154: {  	s3 =	rddreg [dreg:$0x2];
	[bflag:$0x3] =	sbarrier.arrive $0xFFFF;
	s2 =	simm.s32 @!p0 $0x1C01  }
0x155: {  	[timem:s3], [sflag:s2] =	dma.local @!p0 [hbm:s0], s1  }
0x156: {  	s0 =	simm.s32 @!p0 $0x1  }
0x157: {  	_ =	swait.ge @!p0 [sflag:s0], s1  }
0x158: {  	s1 =	ssub.s32 @!p0 $0x0, s1;
	[sflag:s0] =	ssyncset.done @!p0 $0x0  }
0x159: {  	[sflag:s0] =	ssyncadd.s32 @!p0 s1  }
0x15a: {  	[bflag:$0x3] =	sbarrier.arrive $0xFFFF  }
0x15b: {  	_ =	shalt  }

</sc_bundles>
